<compile_context>
chip_gen: v7x
topology: tpu7x:2x2x1
jax: 0.10.2.dev20260603
libtpu: 0.0.44.dev20260713+nightly
codegen_flags: <defaults>
</compile_context>

<pallas_src>
import functools

import jax
import jax.numpy as jnp
from jax import lax
from jax.experimental import pallas as pl
from jax.experimental.pallas import tpu as pltpu
from jax.experimental.pallas import tpu_sc as plsc

OUT_H, OUT_W = 448, 448
B_TOTAL = 128
H, W = 512, 512

NC, NS = 2, 16
NW = NC * NS
SPW = B_TOTAL // NW
R = 56
N_CH = OUT_H // R
NT = SPW * N_CH
KV = OUT_W // 16
IN_W = OUT_W + 8


def _offsets(h_range, w_range):
    kk = jax.random.key(42)
    kx, ky = jax.random.split(kk)
    xo = jax.random.randint(kx, (B_TOTAL,), 0, h_range, dtype=jnp.int32)
    yo = jax.random.randint(ky, (B_TOTAL,), 0, w_range, dtype=jnp.int32)
    return xo, yo


def _sc_body(x2, offs, out2, off_v, ib0, ib1, ob0, ob1, si0, si1, so0, so1):
    c = lax.axis_index("c")
    s = lax.axis_index("s")
    wid = s * NC + c
    pltpu.sync_copy(offs.at[wid], off_v)
    ovec = off_v[...]
    iota = lax.iota(jnp.int32, 16)
    ibufs, obufs = (ib0, ib1), (ob0, ob1)
    sins, souts = (si0, si1), (so0, so1)

    def params(t):
        j = t // N_CH
        ch = t - j * N_CH
        rs = jnp.max(jnp.where(iota == 2 * j, ovec, 0))
        oy = jnp.max(jnp.where(iota == 2 * j + 1, ovec, 0))
        ay = pl.multiple_of((oy // 8) * 8, 8)
        ry = oy - ay
        src = rs + ch * R
        dst = (wid * SPW + j) * OUT_H + ch * R
        return src, ay, ry, dst

    def in_copy(t, sl):
        src, ay, _, _ = params(t)
        return pltpu.make_async_copy(
            x2.at[pl.ds(src, R), pl.ds(ay, IN_W)], ibufs[sl], sins[sl]
        )

    def out_copy(t, sl):
        _, _, _, dst = params(t)
        return pltpu.make_async_copy(
            obufs[sl], out2.at[pl.ds(dst, R), :], souts[sl]
        )

    def step(t, sl):
        ib, ob = ibufs[sl], obufs[sl]
        _, _, ry, _ = params(t)
        in_copy(t, sl).wait()

        @pl.when(t >= 2)
        def _():
            out_copy(t - 2, sl).wait()

        def row_loop(r, carry):
            for k in range(KV):
                ob[r, pl.ds(16 * k, 16)] = ib[r, pl.ds(ry + 16 * k, 16)]
            return carry

        lax.fori_loop(0, R, row_loop, 0)

        @pl.when(t + 2 < NT)
        def _():
            in_copy(t + 2, sl).start()

        out_copy(t, sl).start()

    in_copy(0, 0).start()
    in_copy(1, 1).start()

    def g_loop(g, carry):
        step(2 * g, 0)
        step(2 * g + 1, 1)
        return carry

    lax.fori_loop(0, NT // 2, g_loop, 0)

    out_copy(NT - 2, 0).wait()
    out_copy(NT - 1, 1).wait()


def kernel(x):
    B, C, _, _ = x.shape
    xo, yo = _offsets(H - OUT_H, W - OUT_W)
    rowstart = jnp.arange(B_TOTAL, dtype=jnp.int32) * H + xo
    packed = jnp.stack(
        [rowstart.reshape(NW, SPW), yo.reshape(NW, SPW)], axis=-1
    ).reshape(NW, 2 * SPW)
    offs = jnp.pad(packed, ((0, 0), (0, 16 - 2 * SPW)))

    x2 = x.reshape(B * H, W)
    mesh = plsc.VectorSubcoreMesh(core_axis_name="c", subcore_axis_name="s")
    run = functools.partial(
        pl.kernel,
        out_type=jax.ShapeDtypeStruct((B * OUT_H, OUT_W), x.dtype),
        mesh=mesh,
        scratch_types=[
            pltpu.VMEM((16,), jnp.int32),
            pltpu.VMEM((R, IN_W), x.dtype),
            pltpu.VMEM((R, IN_W), x.dtype),
            pltpu.VMEM((R, OUT_W), x.dtype),
            pltpu.VMEM((R, OUT_W), x.dtype),
            pltpu.SemaphoreType.DMA,
            pltpu.SemaphoreType.DMA,
            pltpu.SemaphoreType.DMA,
            pltpu.SemaphoreType.DMA,
        ],
        compiler_params=pltpu.CompilerParams(
            use_tc_tiling_on_sc=False, needs_layout_passes=False
        ),
    )(_sc_body)
    out2 = run(x2, offs)
    return out2.reshape(B, C, OUT_H, OUT_W)

# --- scband reference (transcript-rebuilt; emitter-appended) ---
"""Pipeline reference for scband-random-image-slice-layer-22144851378797 (READ-ONLY COPY).

The authoritative reference and input builder live on the scoring server;
editing this copy changes nothing except your own understanding.
"""

import jax, jax.numpy as jnp
import numpy as np

OUT_H, OUT_W = 448, 448

def setup_inputs(seed: int = 0) -> dict:
    key = jax.random.key(seed)
    x = jax.random.normal(key, (128, 1, 512, 512), dtype=jnp.float32)
    return {"x": x}

def reference(x):
    B, C, H, W = x.shape
    x_offset_range = H - OUT_H  # 64
    y_offset_range = W - OUT_W  # 64
    # theano random_integers(low=0, high=range-1) inclusive -> jax randint maxval=range
    kk = jax.random.key(42)
    kx, ky = jax.random.split(kk)
    x_offsets = jax.random.randint(kx, (B,), 0, x_offset_range, dtype=jnp.int32)
    y_offsets = jax.random.randint(ky, (B,), 0, y_offset_range, dtype=jnp.int32)
    x_squeezed = jnp.squeeze(x, axis=1)  # [B, H, W]
    def crop(img, ox, oy):
        return jax.lax.dynamic_slice(img, (ox, oy), (OUT_H, OUT_W))
    cropped = jax.vmap(crop)(x_squeezed, x_offsets, y_offsets)  # [B, OUT_H, OUT_W]
    result = cropped.reshape(B, C, OUT_H, OUT_W)
    return result

if __name__ == "__main__":
    import jax
    _d = setup_inputs()
    print(jax.jit(kernel)(*tuple(_d.values())))

</pallas_src>

<mosaic_0001>
#map = affine_map<(d0, d1) -> (0, 0)>
module attributes {stable_mosaic.version = 14 : i64} {
  func.func @_sc_body(%arg0: i32, %arg1: i32, %arg2: memref<65536x512xf32, #tpu.memory_space<hbm>>, %arg3: memref<32x16xi32, #tpu.memory_space<hbm>>, %arg4: memref<57344x448xf32, #tpu.memory_space<hbm>>, %arg5: memref<16xi32, #tpu.memory_space<vmem>>, %arg6: memref<56x456xf32, #tpu.memory_space<vmem>>, %arg7: memref<56x456xf32, #tpu.memory_space<vmem>>, %arg8: memref<56x448xf32, #tpu.memory_space<vmem>>, %arg9: memref<56x448xf32, #tpu.memory_space<vmem>>, %arg10: memref<!tpu.dma_semaphore, #tpu.memory_space<semaphore_mem>>, %arg11: memref<!tpu.dma_semaphore, #tpu.memory_space<semaphore_mem>>, %arg12: memref<!tpu.dma_semaphore, #tpu.memory_space<semaphore_mem>>, %arg13: memref<!tpu.dma_semaphore, #tpu.memory_space<semaphore_mem>>) attributes {dimension_semantics = [#tpu.dimension_semantics<core_parallel>, #tpu.dimension_semantics<subcore_parallel>], iteration_bounds = array<i64: 2, 16>, scalar_prefetch = 0 : i64, scratch_operands = 9 : i64, tpu.core_type = #tpu.core_type<sc_vector_subcore>, window_params = [{transform_indices = #map}, {transform_indices = #map}, {transform_indices = #map}]} {
    %mul3A = arith.constant 2 : i32
    %mul3A_0 = arith.muli %arg1, %mul3A : i32
    %add3A = arith.addi %mul3A_0, %arg0 : i32
    "tpu.region"() ({
      %run_scoped3A = tpu.sem_alloc : memref<!tpu.dma_semaphore, #tpu.memory_space<semaphore_mem>>
      %dma_start3A_269 = arith.constant 0 : i32
      %dma_start3A_270 = tpu.memref_slice %arg3[%add3A, %dma_start3A_269] : memref<32x16xi32, #tpu.memory_space<hbm>> -> memref<1x16xi32, #tpu.memory_space<hbm>>
      %dma_start3A_271 = tpu.memref_squeeze %dma_start3A_270 : memref<1x16xi32, #tpu.memory_space<hbm>> -> memref<16xi32, #tpu.memory_space<hbm>>
      %dma_start3A_272 = arith.constant 0 : i32
      %dma_start3A_273 = tpu.memref_slice %arg3[%add3A, %dma_start3A_272] : memref<32x16xi32, #tpu.memory_space<hbm>> -> memref<1x16xi32, #tpu.memory_space<hbm>>
      %dma_start3A_274 = tpu.memref_squeeze %dma_start3A_273 : memref<1x16xi32, #tpu.memory_space<hbm>> -> memref<16xi32, #tpu.memory_space<hbm>>
      tpu.enqueue_dma source(%dma_start3A_274 : memref<16xi32, #tpu.memory_space<hbm>>) target(%arg5 : memref<16xi32, #tpu.memory_space<vmem>>) target_semaphore(%run_scoped3A : memref<!tpu.dma_semaphore, #tpu.memory_space<semaphore_mem>>)
      %dma_wait3A_275 = arith.constant 0 : i32
      %dma_wait3A_276 = tpu.memref_slice %arg3[%add3A, %dma_wait3A_275] : memref<32x16xi32, #tpu.memory_space<hbm>> -> memref<1x16xi32, #tpu.memory_space<hbm>>
      %dma_wait3A_277 = tpu.memref_squeeze %dma_wait3A_276 : memref<1x16xi32, #tpu.memory_space<hbm>> -> memref<16xi32, #tpu.memory_space<hbm>>
      %dma_wait3A_278 = arith.constant 0 : i32
      %dma_wait3A_279 = tpu.memref_slice %arg3[%add3A, %dma_wait3A_278] : memref<32x16xi32, #tpu.memory_space<hbm>> -> memref<1x16xi32, #tpu.memory_space<hbm>>
      %dma_wait3A_280 = tpu.memref_squeeze %dma_wait3A_279 : memref<1x16xi32, #tpu.memory_space<hbm>> -> memref<16xi32, #tpu.memory_space<hbm>>
      tpu.wait_dma2 semaphore(%run_scoped3A : memref<!tpu.dma_semaphore, #tpu.memory_space<semaphore_mem>>) src(%dma_wait3A_280 : memref<16xi32, #tpu.memory_space<hbm>>) dst(%arg5 : memref<16xi32, #tpu.memory_space<vmem>>)
      tpu.yield
    }) : () -> ()
    %get3A = arith.constant 0 : index
    %get3A_1 = tpu.vector_load %arg5[%get3A] {strides = array<i32>} : memref<16xi32, #tpu.memory_space<vmem>>, vector<16xi32>,
    %iota3A = tpu.iota {dimensions = array<i32: 0>} : vector<16xi32>
    %eq3A = arith.constant 0 : i32
    %eq3A_2 = vector.broadcast %eq3A : i32 to vector<16xi32>
    %eq3A_3 = arith.cmpi eq, %iota3A, %eq3A_2 : vector<16xi32>
    %jit3A = arith.constant 0 : i32
    %broadcast_in_dim3A = vector.broadcast %jit3A : i32 to vector<16xi32>
    %select_n3A = arith.select %eq3A_3, %get3A_1, %broadcast_in_dim3A : vector<16xi1>, vector<16xi32>
    %reduce_max3A = arith.constant true
    %reduce_max3A_4 = vector.broadcast %reduce_max3A : i1 to vector<16xi1>
    %reduce_max3A_5 = arith.constant -2147483648 : i32
    %reduce_max3A_6 = vector.broadcast %reduce_max3A_5 : i32 to vector<16xi32>
    %reduce_max3A_7 = arith.xori %select_n3A, %reduce_max3A_6 : vector<16xi32>
    %reduce_max3A_8 = tpu.scan <max>, %reduce_max3A_7 masked %reduce_max3A_4 : vector<16xi32>, vector<16xi1> -> vector<16xi32>
    %reduce_max3A_9 = arith.xori %reduce_max3A_8, %reduce_max3A_6 : vector<16xi32>
    %reduce_max3A_10 = vector.extract %reduce_max3A_9[15] : i32 from vector<16xi32>
    %eq3A_11 = arith.constant 1 : i32
    %eq3A_12 = vector.broadcast %eq3A_11 : i32 to vector<16xi32>
    %eq3A_13 = arith.cmpi eq, %iota3A, %eq3A_12 : vector<16xi32>
    %jit3A_14 = arith.constant 0 : i32
    %broadcast_in_dim3A_15 = vector.broadcast %jit3A_14 : i32 to vector<16xi32>
    %select_n3A_16 = arith.select %eq3A_13, %get3A_1, %broadcast_in_dim3A_15 : vector<16xi1>, vector<16xi32>
    %reduce_max3A_17 = arith.constant true
    %reduce_max3A_18 = vector.broadcast %reduce_max3A_17 : i1 to vector<16xi1>
    %reduce_max3A_19 = arith.constant -2147483648 : i32
    %reduce_max3A_20 = vector.broadcast %reduce_max3A_19 : i32 to vector<16xi32>
    %reduce_max3A_21 = arith.xori %select_n3A_16, %reduce_max3A_20 : vector<16xi32>
    %reduce_max3A_22 = tpu.scan <max>, %reduce_max3A_21 masked %reduce_max3A_18 : vector<16xi32>, vector<16xi1> -> vector<16xi32>
    %reduce_max3A_23 = arith.xori %reduce_max3A_22, %reduce_max3A_20 : vector<16xi32>
    %reduce_max3A_24 = vector.extract %reduce_max3A_23[15] : i32 from vector<16xi32>
    %jit3A_25 = arith.constant 8 : i32
    %div3A = arith.divsi %reduce_max3A_24, %jit3A_25 : i32
    %sign3A = arith.constant 0 : i32
    %sign3A_26 = arith.cmpi sgt, %reduce_max3A_24, %sign3A : i32
    %sign3A_27 = arith.extui %sign3A_26 : i1 to i32
    %sign3A_28 = arith.constant 0 : i32
    %sign3A_29 = arith.cmpi slt, %reduce_max3A_24, %sign3A_28 : i32
    %sign3A_30 = arith.extui %sign3A_29 : i1 to i32
    %sign3A_31 = arith.subi %sign3A_27, %sign3A_30 : i32
    %sign3A_32 = arith.constant 0 : i32
    %sign3A_33 = arith.cmpi sgt, %jit3A_25, %sign3A_32 : i32
    %sign3A_34 = arith.extui %sign3A_33 : i1 to i32
    %sign3A_35 = arith.constant 0 : i32
    %sign3A_36 = arith.cmpi slt, %jit3A_25, %sign3A_35 : i32
    %sign3A_37 = arith.extui %sign3A_36 : i1 to i32
    %sign3A_38 = arith.subi %sign3A_34, %sign3A_37 : i32
    %ne3A = arith.cmpi ne, %sign3A_31, %sign3A_38 : i32
    %rem3A = arith.remsi %reduce_max3A_24, %jit3A_25 : i32
    %ne3A_39 = arith.constant 0 : i32
    %ne3A_40 = arith.cmpi ne, %rem3A, %ne3A_39 : i32
    %and3A = arith.andi %ne3A, %ne3A_40 : i1
    %sub3A = arith.constant 1 : i32
    %sub3A_41 = arith.subi %div3A, %sub3A : i32
    %select_n3A_42 = arith.select %and3A, %sub3A_41, %div3A : i32
    %mul3A_43 = arith.constant 8 : i32
    %mul3A_44 = arith.muli %select_n3A_42, %mul3A_43 : i32
    %multiple_of3A = tpu.assume_multiple %mul3A_44, 8 : i32
    %sub3A_45 = arith.subi %reduce_max3A_24, %multiple_of3A : i32
    %add3A_46 = arith.constant 0 : i32
    %add3A_47 = arith.addi %reduce_max3A_10, %add3A_46 : i32
    %mul3A_48 = arith.constant 4 : i32
    %mul3A_49 = arith.muli %add3A, %mul3A_48 : i32
    %add3A_50 = arith.constant 0 : i32
    %add3A_51 = arith.addi %mul3A_49, %add3A_50 : i32
    %mul3A_52 = arith.constant 448 : i32
    %mul3A_53 = arith.muli %add3A_51, %mul3A_52 : i32
    %add3A_54 = arith.constant 0 : i32
    %add3A_55 = arith.addi %mul3A_53, %add3A_54 : i32
    %dma_start3A = tpu.memref_slice %arg2[%add3A_47, %multiple_of3A] : memref<65536x512xf32, #tpu.memory_space<hbm>> -> memref<56x456xf32, #tpu.memory_space<hbm>>
    %dma_start3A_56 = tpu.memref_slice %arg2[%add3A_47, %multiple_of3A] : memref<65536x512xf32, #tpu.memory_space<hbm>> -> memref<56x456xf32, #tpu.memory_space<hbm>>
    tpu.enqueue_dma source(%dma_start3A_56 : memref<56x456xf32, #tpu.memory_space<hbm>>) target(%arg6 : memref<56x456xf32, #tpu.memory_space<vmem>>) target_semaphore(%arg10 : memref<!tpu.dma_semaphore, #tpu.memory_space<semaphore_mem>>)
    %eq3A_57 = arith.constant 0 : i32
    %eq3A_58 = vector.broadcast %eq3A_57 : i32 to vector<16xi32>
    %eq3A_59 = arith.cmpi eq, %iota3A, %eq3A_58 : vector<16xi32>
    %jit3A_60 = arith.constant 0 : i32
    %broadcast_in_dim3A_61 = vector.broadcast %jit3A_60 : i32 to vector<16xi32>
    %select_n3A_62 = arith.select %eq3A_59, %get3A_1, %broadcast_in_dim3A_61 : vector<16xi1>, vector<16xi32>
    %reduce_max3A_63 = arith.constant true
    %reduce_max3A_64 = vector.broadcast %reduce_max3A_63 : i1 to vector<16xi1>
    %reduce_max3A_65 = arith.constant -2147483648 : i32
    %reduce_max3A_66 = vector.broadcast %reduce_max3A_65 : i32 to vector<16xi32>
    %reduce_max3A_67 = arith.xori %select_n3A_62, %reduce_max3A_66 : vector<16xi32>
    %reduce_max3A_68 = tpu.scan <max>, %reduce_max3A_67 masked %reduce_max3A_64 : vector<16xi32>, vector<16xi1> -> vector<16xi32>
    %reduce_max3A_69 = arith.xori %reduce_max3A_68, %reduce_max3A_66 : vector<16xi32>
    %reduce_max3A_70 = vector.extract %reduce_max3A_69[15] : i32 from vector<16xi32>
    %eq3A_71 = arith.constant 1 : i32
    %eq3A_72 = vector.broadcast %eq3A_71 : i32 to vector<16xi32>
    %eq3A_73 = arith.cmpi eq, %iota3A, %eq3A_72 : vector<16xi32>
    %jit3A_74 = arith.constant 0 : i32
    %broadcast_in_dim3A_75 = vector.broadcast %jit3A_74 : i32 to vector<16xi32>
    %select_n3A_76 = arith.select %eq3A_73, %get3A_1, %broadcast_in_dim3A_75 : vector<16xi1>, vector<16xi32>
    %reduce_max3A_77 = arith.constant true
    %reduce_max3A_78 = vector.broadcast %reduce_max3A_77 : i1 to vector<16xi1>
    %reduce_max3A_79 = arith.constant -2147483648 : i32
    %reduce_max3A_80 = vector.broadcast %reduce_max3A_79 : i32 to vector<16xi32>
    %reduce_max3A_81 = arith.xori %select_n3A_76, %reduce_max3A_80 : vector<16xi32>
    %reduce_max3A_82 = tpu.scan <max>, %reduce_max3A_81 masked %reduce_max3A_78 : vector<16xi32>, vector<16xi1> -> vector<16xi32>
    %reduce_max3A_83 = arith.xori %reduce_max3A_82, %reduce_max3A_80 : vector<16xi32>
    %reduce_max3A_84 = vector.extract %reduce_max3A_83[15] : i32 from vector<16xi32>
    %jit3A_85 = arith.constant 8 : i32
    %div3A_86 = arith.divsi %reduce_max3A_84, %jit3A_85 : i32
    %sign3A_87 = arith.constant 0 : i32
    %sign3A_88 = arith.cmpi sgt, %reduce_max3A_84, %sign3A_87 : i32
    %sign3A_89 = arith.extui %sign3A_88 : i1 to i32
    %sign3A_90 = arith.constant 0 : i32
    %sign3A_91 = arith.cmpi slt, %reduce_max3A_84, %sign3A_90 : i32
    %sign3A_92 = arith.extui %sign3A_91 : i1 to i32
    %sign3A_93 = arith.subi %sign3A_89, %sign3A_92 : i32
    %sign3A_94 = arith.constant 0 : i32
    %sign3A_95 = arith.cmpi sgt, %jit3A_85, %sign3A_94 : i32
    %sign3A_96 = arith.extui %sign3A_95 : i1 to i32
    %sign3A_97 = arith.constant 0 : i32
    %sign3A_98 = arith.cmpi slt, %jit3A_85, %sign3A_97 : i32
    %sign3A_99 = arith.extui %sign3A_98 : i1 to i32
    %sign3A_100 = arith.subi %sign3A_96, %sign3A_99 : i32
    %ne3A_101 = arith.cmpi ne, %sign3A_93, %sign3A_100 : i32
    %rem3A_102 = arith.remsi %reduce_max3A_84, %jit3A_85 : i32
    %ne3A_103 = arith.constant 0 : i32
    %ne3A_104 = arith.cmpi ne, %rem3A_102, %ne3A_103 : i32
    %and3A_105 = arith.andi %ne3A_101, %ne3A_104 : i1
    %sub3A_106 = arith.constant 1 : i32
    %sub3A_107 = arith.subi %div3A_86, %sub3A_106 : i32
    %select_n3A_108 = arith.select %and3A_105, %sub3A_107, %div3A_86 : i32
    %mul3A_109 = arith.constant 8 : i32
    %mul3A_110 = arith.muli %select_n3A_108, %mul3A_109 : i32
    %multiple_of3A_111 = tpu.assume_multiple %mul3A_110, 8 : i32
    %sub3A_112 = arith.subi %reduce_max3A_84, %multiple_of3A_111 : i32
    %add3A_113 = arith.constant 56 : i32
    %add3A_114 = arith.addi %reduce_max3A_70, %add3A_113 : i32
    %mul3A_115 = arith.constant 4 : i32
    %mul3A_116 = arith.muli %add3A, %mul3A_115 : i32
    %add3A_117 = arith.constant 0 : i32
    %add3A_118 = arith.addi %mul3A_116, %add3A_117 : i32
    %mul3A_119 = arith.constant 448 : i32
    %mul3A_120 = arith.muli %add3A_118, %mul3A_119 : i32
    %add3A_121 = arith.constant 56 : i32
    %add3A_122 = arith.addi %mul3A_120, %add3A_121 : i32
    %dma_start3A_123 = tpu.memref_slice %arg2[%add3A_114, %multiple_of3A_111] : memref<65536x512xf32, #tpu.memory_space<hbm>> -> memref<56x456xf32, #tpu.memory_space<hbm>>
    %dma_start3A_124 = tpu.memref_slice %arg2[%add3A_114, %multiple_of3A_111] : memref<65536x512xf32, #tpu.memory_space<hbm>> -> memref<56x456xf32, #tpu.memory_space<hbm>>
    tpu.enqueue_dma source(%dma_start3A_124 : memref<56x456xf32, #tpu.memory_space<hbm>>) target(%arg7 : memref<56x456xf32, #tpu.memory_space<vmem>>) target_semaphore(%arg11 : memref<!tpu.dma_semaphore, #tpu.memory_space<semaphore_mem>>)
    %scan3A = arith.constant 0 : i32
    %scan3A_125 = arith.constant 0 : i32
    %scan3A_126 = arith.constant 16 : i32
    %scan3A_127 = arith.addi %scan3A_125, %scan3A_126 : i32
    %scan3A_128 = arith.constant 1 : i32
    scf.for %scan3A_269 = %scan3A_125 to %scan3A_127 step %scan3A_128  : i32 {
      %mul3A_270 = arith.constant 2 : i32
      %mul3A_271 = arith.muli %mul3A_270, %scan3A_269 : i32
      %jit3A_272 = arith.constant 8 : i32
      %div3A_273 = arith.divsi %mul3A_271, %jit3A_272 : i32
      %sign3A_274 = arith.constant 0 : i32
      %sign3A_275 = arith.cmpi sgt, %mul3A_271, %sign3A_274 : i32
      %sign3A_276 = arith.extui %sign3A_275 : i1 to i32
      %sign3A_277 = arith.constant 0 : i32
      %sign3A_278 = arith.cmpi slt, %mul3A_271, %sign3A_277 : i32
      %sign3A_279 = arith.extui %sign3A_278 : i1 to i32
      %sign3A_280 = arith.subi %sign3A_276, %sign3A_279 : i32
      %sign3A_281 = arith.constant 0 : i32
      %sign3A_282 = arith.cmpi sgt, %jit3A_272, %sign3A_281 : i32
      %sign3A_283 = arith.extui %sign3A_282 : i1 to i32
      %sign3A_284 = arith.constant 0 : i32
      %sign3A_285 = arith.cmpi slt, %jit3A_272, %sign3A_284 : i32
      %sign3A_286 = arith.extui %sign3A_285 : i1 to i32
      %sign3A_287 = arith.subi %sign3A_283, %sign3A_286 : i32
      %ne3A_288 = arith.cmpi ne, %sign3A_280, %sign3A_287 : i32
      %rem3A_289 = arith.remsi %mul3A_271, %jit3A_272 : i32
      %ne3A_290 = arith.constant 0 : i32
      %ne3A_291 = arith.cmpi ne, %rem3A_289, %ne3A_290 : i32
      %and3A_292 = arith.andi %ne3A_288, %ne3A_291 : i1
      %sub3A_293 = arith.constant 1 : i32
      %sub3A_294 = arith.subi %div3A_273, %sub3A_293 : i32
      %select_n3A_295 = arith.select %and3A_292, %sub3A_294, %div3A_273 : i32
      %mul3A_296 = arith.constant 8 : i32
      %mul3A_297 = arith.muli %select_n3A_295, %mul3A_296 : i32
      %sub3A_298 = arith.subi %mul3A_271, %mul3A_297 : i32
      %mul3A_299 = arith.constant 2 : i32
      %mul3A_300 = arith.muli %mul3A_299, %select_n3A_295 : i32
      %eq3A_301 = vector.broadcast %mul3A_300 : i32 to vector<16xi32>
      %eq3A_302 = arith.cmpi eq, %iota3A, %eq3A_301 : vector<16xi32>
      %jit3A_303 = arith.constant 0 : i32
      %broadcast_in_dim3A_304 = vector.broadcast %jit3A_303 : i32 to vector<16xi32>
      %select_n3A_305 = arith.select %eq3A_302, %get3A_1, %broadcast_in_dim3A_304 : vector<16xi1>, vector<16xi32>
      %reduce_max3A_306 = arith.constant true
      %reduce_max3A_307 = vector.broadcast %reduce_max3A_306 : i1 to vector<16xi1>
      %reduce_max3A_308 = arith.constant -2147483648 : i32
      %reduce_max3A_309 = vector.broadcast %reduce_max3A_308 : i32 to vector<16xi32>
      %reduce_max3A_310 = arith.xori %select_n3A_305, %reduce_max3A_309 : vector<16xi32>
      %reduce_max3A_311 = tpu.scan <max>, %reduce_max3A_310 masked %reduce_max3A_307 : vector<16xi32>, vector<16xi1> -> vector<16xi32>
      %reduce_max3A_312 = arith.xori %reduce_max3A_311, %reduce_max3A_309 : vector<16xi32>
      %reduce_max3A_313 = vector.extract %reduce_max3A_312[15] : i32 from vector<16xi32>
      %mul3A_314 = arith.constant 2 : i32
      %mul3A_315 = arith.muli %mul3A_314, %select_n3A_295 : i32
      %add3A_316 = arith.constant 1 : i32
      %add3A_317 = arith.addi %mul3A_315, %add3A_316 : i32
      %eq3A_318 = vector.broadcast %add3A_317 : i32 to vector<16xi32>
      %eq3A_319 = arith.cmpi eq, %iota3A, %eq3A_318 : vector<16xi32>
      %jit3A_320 = arith.constant 0 : i32
      %broadcast_in_dim3A_321 = vector.broadcast %jit3A_320 : i32 to vector<16xi32>
      %select_n3A_322 = arith.select %eq3A_319, %get3A_1, %broadcast_in_dim3A_321 : vector<16xi1>, vector<16xi32>
      %reduce_max3A_323 = arith.constant true
      %reduce_max3A_324 = vector.broadcast %reduce_max3A_323 : i1 to vector<16xi1>
      %reduce_max3A_325 = arith.constant -2147483648 : i32
      %reduce_max3A_326 = vector.broadcast %reduce_max3A_325 : i32 to vector<16xi32>
      %reduce_max3A_327 = arith.xori %select_n3A_322, %reduce_max3A_326 : vector<16xi32>
      %reduce_max3A_328 = tpu.scan <max>, %reduce_max3A_327 masked %reduce_max3A_324 : vector<16xi32>, vector<16xi1> -> vector<16xi32>
      %reduce_max3A_329 = arith.xori %reduce_max3A_328, %reduce_max3A_326 : vector<16xi32>
      %reduce_max3A_330 = vector.extract %reduce_max3A_329[15] : i32 from vector<16xi32>
      %jit3A_331 = arith.constant 8 : i32
      %div3A_332 = arith.divsi %reduce_max3A_330, %jit3A_331 : i32
      %sign3A_333 = arith.constant 0 : i32
      %sign3A_334 = arith.cmpi sgt, %reduce_max3A_330, %sign3A_333 : i32
      %sign3A_335 = arith.extui %sign3A_334 : i1 to i32
      %sign3A_336 = arith.constant 0 : i32
      %sign3A_337 = arith.cmpi slt, %reduce_max3A_330, %sign3A_336 : i32
      %sign3A_338 = arith.extui %sign3A_337 : i1 to i32
      %sign3A_339 = arith.subi %sign3A_335, %sign3A_338 : i32
      %sign3A_340 = arith.constant 0 : i32
      %sign3A_341 = arith.cmpi sgt, %jit3A_331, %sign3A_340 : i32
      %sign3A_342 = arith.extui %sign3A_341 : i1 to i32
      %sign3A_343 = arith.constant 0 : i32
      %sign3A_344 = arith.cmpi slt, %jit3A_331, %sign3A_343 : i32
      %sign3A_345 = arith.extui %sign3A_344 : i1 to i32
      %sign3A_346 = arith.subi %sign3A_342, %sign3A_345 : i32
      %ne3A_347 = arith.cmpi ne, %sign3A_339, %sign3A_346 : i32
      %rem3A_348 = arith.remsi %reduce_max3A_330, %jit3A_331 : i32
      %ne3A_349 = arith.constant 0 : i32
      %ne3A_350 = arith.cmpi ne, %rem3A_348, %ne3A_349 : i32
      %and3A_351 = arith.andi %ne3A_347, %ne3A_350 : i1
      %sub3A_352 = arith.constant 1 : i32
      %sub3A_353 = arith.subi %div3A_332, %sub3A_352 : i32
      %select_n3A_354 = arith.select %and3A_351, %sub3A_353, %div3A_332 : i32
      %mul3A_355 = arith.constant 8 : i32
      %mul3A_356 = arith.muli %select_n3A_354, %mul3A_355 : i32
      %multiple_of3A_357 = tpu.assume_multiple %mul3A_356, 8 : i32
      %sub3A_358 = arith.subi %reduce_max3A_330, %multiple_of3A_357 : i32
      %mul3A_359 = arith.constant 56 : i32
      %mul3A_360 = arith.muli %sub3A_298, %mul3A_359 : i32
      %add3A_361 = arith.addi %reduce_max3A_313, %mul3A_360 : i32
      %mul3A_362 = arith.constant 4 : i32
      %mul3A_363 = arith.muli %add3A, %mul3A_362 : i32
      %add3A_364 = arith.addi %mul3A_363, %select_n3A_295 : i32
      %mul3A_365 = arith.constant 448 : i32
      %mul3A_366 = arith.muli %add3A_364, %mul3A_365 : i32
      %mul3A_367 = arith.constant 56 : i32
      %mul3A_368 = arith.muli %sub3A_298, %mul3A_367 : i32
      %add3A_369 = arith.addi %mul3A_366, %mul3A_368 : i32
      %jit3A_370 = arith.constant 8 : i32
      %div3A_371 = arith.divsi %mul3A_271, %jit3A_370 : i32
      %sign3A_372 = arith.constant 0 : i32
      %sign3A_373 = arith.cmpi sgt, %mul3A_271, %sign3A_372 : i32
      %sign3A_374 = arith.extui %sign3A_373 : i1 to i32
      %sign3A_375 = arith.constant 0 : i32
      %sign3A_376 = arith.cmpi slt, %mul3A_271, %sign3A_375 : i32
      %sign3A_377 = arith.extui %sign3A_376 : i1 to i32
      %sign3A_378 = arith.subi %sign3A_374, %sign3A_377 : i32
      %sign3A_379 = arith.constant 0 : i32
      %sign3A_380 = arith.cmpi sgt, %jit3A_370, %sign3A_379 : i32
      %sign3A_381 = arith.extui %sign3A_380 : i1 to i32
      %sign3A_382 = arith.constant 0 : i32
      %sign3A_383 = arith.cmpi slt, %jit3A_370, %sign3A_382 : i32
      %sign3A_384 = arith.extui %sign3A_383 : i1 to i32
      %sign3A_385 = arith.subi %sign3A_381, %sign3A_384 : i32
      %ne3A_386 = arith.cmpi ne, %sign3A_378, %sign3A_385 : i32
      %rem3A_387 = arith.remsi %mul3A_271, %jit3A_370 : i32
      %ne3A_388 = arith.constant 0 : i32
      %ne3A_389 = arith.cmpi ne, %rem3A_387, %ne3A_388 : i32
      %and3A_390 = arith.andi %ne3A_386, %ne3A_389 : i1
      %sub3A_391 = arith.constant 1 : i32
      %sub3A_392 = arith.subi %div3A_371, %sub3A_391 : i32
      %select_n3A_393 = arith.select %and3A_390, %sub3A_392, %div3A_371 : i32
      %mul3A_394 = arith.constant 8 : i32
      %mul3A_395 = arith.muli %select_n3A_393, %mul3A_394 : i32
      %sub3A_396 = arith.subi %mul3A_271, %mul3A_395 : i32
      %mul3A_397 = arith.constant 2 : i32
      %mul3A_398 = arith.muli %mul3A_397, %select_n3A_393 : i32
      %eq3A_399 = vector.broadcast %mul3A_398 : i32 to vector<16xi32>
      %eq3A_400 = arith.cmpi eq, %iota3A, %eq3A_399 : vector<16xi32>
      %jit3A_401 = arith.constant 0 : i32
      %broadcast_in_dim3A_402 = vector.broadcast %jit3A_401 : i32 to vector<16xi32>
      %select_n3A_403 = arith.select %eq3A_400, %get3A_1, %broadcast_in_dim3A_402 : vector<16xi1>, vector<16xi32>
      %reduce_max3A_404 = arith.constant true
      %reduce_max3A_405 = vector.broadcast %reduce_max3A_404 : i1 to vector<16xi1>
      %reduce_max3A_406 = arith.constant -2147483648 : i32
      %reduce_max3A_407 = vector.broadcast %reduce_max3A_406 : i32 to vector<16xi32>
      %reduce_max3A_408 = arith.xori %select_n3A_403, %reduce_max3A_407 : vector<16xi32>
      %reduce_max3A_409 = tpu.scan <max>, %reduce_max3A_408 masked %reduce_max3A_405 : vector<16xi32>, vector<16xi1> -> vector<16xi32>
      %reduce_max3A_410 = arith.xori %reduce_max3A_409, %reduce_max3A_407 : vector<16xi32>
      %reduce_max3A_411 = vector.extract %reduce_max3A_410[15] : i32 from vector<16xi32>
      %mul3A_412 = arith.constant 2 : i32
      %mul3A_413 = arith.muli %mul3A_412, %select_n3A_393 : i32
      %add3A_414 = arith.constant 1 : i32
      %add3A_415 = arith.addi %mul3A_413, %add3A_414 : i32
      %eq3A_416 = vector.broadcast %add3A_415 : i32 to vector<16xi32>
      %eq3A_417 = arith.cmpi eq, %iota3A, %eq3A_416 : vector<16xi32>
      %jit3A_418 = arith.constant 0 : i32
      %broadcast_in_dim3A_419 = vector.broadcast %jit3A_418 : i32 to vector<16xi32>
      %select_n3A_420 = arith.select %eq3A_417, %get3A_1, %broadcast_in_dim3A_419 : vector<16xi1>, vector<16xi32>
      %reduce_max3A_421 = arith.constant true
      %reduce_max3A_422 = vector.broadcast %reduce_max3A_421 : i1 to vector<16xi1>
      %reduce_max3A_423 = arith.constant -2147483648 : i32
      %reduce_max3A_424 = vector.broadcast %reduce_max3A_423 : i32 to vector<16xi32>
      %reduce_max3A_425 = arith.xori %select_n3A_420, %reduce_max3A_424 : vector<16xi32>
      %reduce_max3A_426 = tpu.scan <max>, %reduce_max3A_425 masked %reduce_max3A_422 : vector<16xi32>, vector<16xi1> -> vector<16xi32>
      %reduce_max3A_427 = arith.xori %reduce_max3A_426, %reduce_max3A_424 : vector<16xi32>
      %reduce_max3A_428 = vector.extract %reduce_max3A_427[15] : i32 from vector<16xi32>
      %jit3A_429 = arith.constant 8 : i32
      %div3A_430 = arith.divsi %reduce_max3A_428, %jit3A_429 : i32
      %sign3A_431 = arith.constant 0 : i32
      %sign3A_432 = arith.cmpi sgt, %reduce_max3A_428, %sign3A_431 : i32
      %sign3A_433 = arith.extui %sign3A_432 : i1 to i32
      %sign3A_434 = arith.constant 0 : i32
      %sign3A_435 = arith.cmpi slt, %reduce_max3A_428, %sign3A_434 : i32
      %sign3A_436 = arith.extui %sign3A_435 : i1 to i32
      %sign3A_437 = arith.subi %sign3A_433, %sign3A_436 : i32
      %sign3A_438 = arith.constant 0 : i32
      %sign3A_439 = arith.cmpi sgt, %jit3A_429, %sign3A_438 : i32
      %sign3A_440 = arith.extui %sign3A_439 : i1 to i32
      %sign3A_441 = arith.constant 0 : i32
      %sign3A_442 = arith.cmpi slt, %jit3A_429, %sign3A_441 : i32
      %sign3A_443 = arith.extui %sign3A_442 : i1 to i32
      %sign3A_444 = arith.subi %sign3A_440, %sign3A_443 : i32
      %ne3A_445 = arith.cmpi ne, %sign3A_437, %sign3A_444 : i32
      %rem3A_446 = arith.remsi %reduce_max3A_428, %jit3A_429 : i32
      %ne3A_447 = arith.constant 0 : i32
      %ne3A_448 = arith.cmpi ne, %rem3A_446, %ne3A_447 : i32
      %and3A_449 = arith.andi %ne3A_445, %ne3A_448 : i1
      %sub3A_450 = arith.constant 1 : i32
      %sub3A_451 = arith.subi %div3A_430, %sub3A_450 : i32
      %select_n3A_452 = arith.select %and3A_449, %sub3A_451, %div3A_430 : i32
      %mul3A_453 = arith.constant 8 : i32
      %mul3A_454 = arith.muli %select_n3A_452, %mul3A_453 : i32
      %multiple_of3A_455 = tpu.assume_multiple %mul3A_454, 8 : i32
      %sub3A_456 = arith.subi %reduce_max3A_428, %multiple_of3A_455 : i32
      %mul3A_457 = arith.constant 56 : i32
      %mul3A_458 = arith.muli %sub3A_396, %mul3A_457 : i32
      %add3A_459 = arith.addi %reduce_max3A_411, %mul3A_458 : i32
      %mul3A_460 = arith.constant 4 : i32
      %mul3A_461 = arith.muli %add3A, %mul3A_460 : i32
      %add3A_462 = arith.addi %mul3A_461, %select_n3A_393 : i32
      %mul3A_463 = arith.constant 448 : i32
      %mul3A_464 = arith.muli %add3A_462, %mul3A_463 : i32
      %mul3A_465 = arith.constant 56 : i32
      %mul3A_466 = arith.muli %sub3A_396, %mul3A_465 : i32
      %add3A_467 = arith.addi %mul3A_464, %mul3A_466 : i32
      %dma_wait3A_468 = tpu.memref_slice %arg2[%add3A_459, %multiple_of3A_455] : memref<65536x512xf32, #tpu.memory_space<hbm>> -> memref<56x456xf32, #tpu.memory_space<hbm>>
      %dma_wait3A_469 = tpu.memref_slice %arg2[%add3A_459, %multiple_of3A_455] : memref<65536x512xf32, #tpu.memory_space<hbm>> -> memref<56x456xf32, #tpu.memory_space<hbm>>
      tpu.wait_dma2 semaphore(%arg10 : memref<!tpu.dma_semaphore, #tpu.memory_space<semaphore_mem>>) src(%dma_wait3A_469 : memref<56x456xf32, #tpu.memory_space<hbm>>) dst(%arg6 : memref<56x456xf32, #tpu.memory_space<vmem>>)
      %ge3A = arith.constant 2 : i32
      %ge3A_470 = arith.cmpi sge, %mul3A_271, %ge3A : i32
      %convert_element_type3A = arith.extui %ge3A_470 : i1 to i32
      %cond3A = arith.constant 0 : i32
      %cond3A_471 = arith.cmpi ne, %convert_element_type3A, %cond3A : i32
      scf.if %cond3A_471 {
        %sub3A_908 = arith.constant 2 : i32
        %sub3A_909 = arith.subi %mul3A_271, %sub3A_908 : i32
        %jit3A_910 = arith.constant 8 : i32
        %div3A_911 = arith.divsi %sub3A_909, %jit3A_910 : i32
        %sign3A_912 = arith.constant 0 : i32
        %sign3A_913 = arith.cmpi sgt, %sub3A_909, %sign3A_912 : i32
        %sign3A_914 = arith.extui %sign3A_913 : i1 to i32
        %sign3A_915 = arith.constant 0 : i32
        %sign3A_916 = arith.cmpi slt, %sub3A_909, %sign3A_915 : i32
        %sign3A_917 = arith.extui %sign3A_916 : i1 to i32
        %sign3A_918 = arith.subi %sign3A_914, %sign3A_917 : i32
        %sign3A_919 = arith.constant 0 : i32
        %sign3A_920 = arith.cmpi sgt, %jit3A_910, %sign3A_919 : i32
        %sign3A_921 = arith.extui %sign3A_920 : i1 to i32
        %sign3A_922 = arith.constant 0 : i32
        %sign3A_923 = arith.cmpi slt, %jit3A_910, %sign3A_922 : i32
        %sign3A_924 = arith.extui %sign3A_923 : i1 to i32
        %sign3A_925 = arith.subi %sign3A_921, %sign3A_924 : i32
        %ne3A_926 = arith.cmpi ne, %sign3A_918, %sign3A_925 : i32
        %rem3A_927 = arith.remsi %sub3A_909, %jit3A_910 : i32
        %ne3A_928 = arith.constant 0 : i32
        %ne3A_929 = arith.cmpi ne, %rem3A_927, %ne3A_928 : i32
        %and3A_930 = arith.andi %ne3A_926, %ne3A_929 : i1
        %sub3A_931 = arith.constant 1 : i32
        %sub3A_932 = arith.subi %div3A_911, %sub3A_931 : i32
        %select_n3A_933 = arith.select %and3A_930, %sub3A_932, %div3A_911 : i32
        %mul3A_934 = arith.constant 8 : i32
        %mul3A_935 = arith.muli %select_n3A_933, %mul3A_934 : i32
        %sub3A_936 = arith.subi %sub3A_909, %mul3A_935 : i32
        %mul3A_937 = arith.constant 2 : i32
        %mul3A_938 = arith.muli %mul3A_937, %select_n3A_933 : i32
        %eq3A_939 = vector.broadcast %mul3A_938 : i32 to vector<16xi32>
        %eq3A_940 = arith.cmpi eq, %iota3A, %eq3A_939 : vector<16xi32>
        %jit3A_941 = arith.constant 0 : i32
        %broadcast_in_dim3A_942 = vector.broadcast %jit3A_941 : i32 to vector<16xi32>
        %select_n3A_943 = arith.select %eq3A_940, %get3A_1, %broadcast_in_dim3A_942 : vector<16xi1>, vector<16xi32>
        %reduce_max3A_944 = arith.constant true
        %reduce_max3A_945 = vector.broadcast %reduce_max3A_944 : i1 to vector<16xi1>
        %reduce_max3A_946 = arith.constant -2147483648 : i32
        %reduce_max3A_947 = vector.broadcast %reduce_max3A_946 : i32 to vector<16xi32>
        %reduce_max3A_948 = arith.xori %select_n3A_943, %reduce_max3A_947 : vector<16xi32>
        %reduce_max3A_949 = tpu.scan <max>, %reduce_max3A_948 masked %reduce_max3A_945 : vector<16xi32>, vector<16xi1> -> vector<16xi32>
        %reduce_max3A_950 = arith.xori %reduce_max3A_949, %reduce_max3A_947 : vector<16xi32>
        %reduce_max3A_951 = vector.extract %reduce_max3A_950[15] : i32 from vector<16xi32>
        %mul3A_952 = arith.constant 2 : i32
        %mul3A_953 = arith.muli %mul3A_952, %select_n3A_933 : i32
        %add3A_954 = arith.constant 1 : i32
        %add3A_955 = arith.addi %mul3A_953, %add3A_954 : i32
        %eq3A_956 = vector.broadcast %add3A_955 : i32 to vector<16xi32>
        %eq3A_957 = arith.cmpi eq, %iota3A, %eq3A_956 : vector<16xi32>
        %jit3A_958 = arith.constant 0 : i32
        %broadcast_in_dim3A_959 = vector.broadcast %jit3A_958 : i32 to vector<16xi32>
        %select_n3A_960 = arith.select %eq3A_957, %get3A_1, %broadcast_in_dim3A_959 : vector<16xi1>, vector<16xi32>
        %reduce_max3A_961 = arith.constant true
        %reduce_max3A_962 = vector.broadcast %reduce_max3A_961 : i1 to vector<16xi1>
        %reduce_max3A_963 = arith.constant -2147483648 : i32
        %reduce_max3A_964 = vector.broadcast %reduce_max3A_963 : i32 to vector<16xi32>
        %reduce_max3A_965 = arith.xori %select_n3A_960, %reduce_max3A_964 : vector<16xi32>
        %reduce_max3A_966 = tpu.scan <max>, %reduce_max3A_965 masked %reduce_max3A_962 : vector<16xi32>, vector<16xi1> -> vector<16xi32>
        %reduce_max3A_967 = arith.xori %reduce_max3A_966, %reduce_max3A_964 : vector<16xi32>
        %reduce_max3A_968 = vector.extract %reduce_max3A_967[15] : i32 from vector<16xi32>
        %jit3A_969 = arith.constant 8 : i32
        %div3A_970 = arith.divsi %reduce_max3A_968, %jit3A_969 : i32
        %sign3A_971 = arith.constant 0 : i32
        %sign3A_972 = arith.cmpi sgt, %reduce_max3A_968, %sign3A_971 : i32
        %sign3A_973 = arith.extui %sign3A_972 : i1 to i32
        %sign3A_974 = arith.constant 0 : i32
        %sign3A_975 = arith.cmpi slt, %reduce_max3A_968, %sign3A_974 : i32
        %sign3A_976 = arith.extui %sign3A_975 : i1 to i32
        %sign3A_977 = arith.subi %sign3A_973, %sign3A_976 : i32
        %sign3A_978 = arith.constant 0 : i32
        %sign3A_979 = arith.cmpi sgt, %jit3A_969, %sign3A_978 : i32
        %sign3A_980 = arith.extui %sign3A_979 : i1 to i32
        %sign3A_981 = arith.constant 0 : i32
        %sign3A_982 = arith.cmpi slt, %jit3A_969, %sign3A_981 : i32
        %sign3A_983 = arith.extui %sign3A_982 : i1 to i32
        %sign3A_984 = arith.subi %sign3A_980, %sign3A_983 : i32
        %ne3A_985 = arith.cmpi ne, %sign3A_977, %sign3A_984 : i32
        %rem3A_986 = arith.remsi %reduce_max3A_968, %jit3A_969 : i32
        %ne3A_987 = arith.constant 0 : i32
        %ne3A_988 = arith.cmpi ne, %rem3A_986, %ne3A_987 : i32
        %and3A_989 = arith.andi %ne3A_985, %ne3A_988 : i1
        %sub3A_990 = arith.constant 1 : i32
        %sub3A_991 = arith.subi %div3A_970, %sub3A_990 : i32
        %select_n3A_992 = arith.select %and3A_989, %sub3A_991, %div3A_970 : i32
        %mul3A_993 = arith.constant 8 : i32
        %mul3A_994 = arith.muli %select_n3A_992, %mul3A_993 : i32
        %multiple_of3A_995 = tpu.assume_multiple %mul3A_994, 8 : i32
        %sub3A_996 = arith.subi %reduce_max3A_968, %multiple_of3A_995 : i32
        %mul3A_997 = arith.constant 56 : i32
        %mul3A_998 = arith.muli %sub3A_936, %mul3A_997 : i32
        %add3A_999 = arith.addi %reduce_max3A_951, %mul3A_998 : i32
        %mul3A_1000 = arith.constant 4 : i32
        %mul3A_1001 = arith.muli %add3A, %mul3A_1000 : i32
        %add3A_1002 = arith.addi %mul3A_1001, %select_n3A_933 : i32
        %mul3A_1003 = arith.constant 448 : i32
        %mul3A_1004 = arith.muli %add3A_1002, %mul3A_1003 : i32
        %mul3A_1005 = arith.constant 56 : i32
        %mul3A_1006 = arith.muli %sub3A_936, %mul3A_1005 : i32
        %add3A_1007 = arith.addi %mul3A_1004, %mul3A_1006 : i32
        %dma_wait3A_1008 = arith.constant 0 : i32
        %dma_wait3A_1009 = tpu.memref_slice %arg4[%add3A_1007, %dma_wait3A_1008] : memref<57344x448xf32, #tpu.memory_space<hbm>> -> memref<56x448xf32, #tpu.memory_space<hbm>>
        %dma_wait3A_1010 = arith.constant 0 : i32
        %dma_wait3A_1011 = tpu.memref_slice %arg4[%add3A_1007, %dma_wait3A_1010] : memref<57344x448xf32, #tpu.memory_space<hbm>> -> memref<56x448xf32, #tpu.memory_space<hbm>>
        tpu.wait_dma2 semaphore(%arg12 : memref<!tpu.dma_semaphore, #tpu.memory_space<semaphore_mem>>) src(%arg8 : memref<56x448xf32, #tpu.memory_space<vmem>>) dst(%dma_wait3A_1011 : memref<56x448xf32, #tpu.memory_space<hbm>>)
      } else {
      }
      %scan3A_472 = arith.constant 0 : i32
      %scan3A_473 = arith.constant 0 : i32
      %scan3A_474 = arith.constant 56 : i32
      %scan3A_475 = arith.addi %scan3A_473, %scan3A_474 : i32
      %scan3A_476 = arith.constant 1 : i32
      scf.for %scan3A_908 = %scan3A_473 to %scan3A_475 step %scan3A_476  : i32 {
        %add3A_909 = arith.constant 0 : i32
        %add3A_910 = arith.addi %sub3A_358, %add3A_909 : i32
        %get3A_911 = arith.index_cast %scan3A_908 : i32 to index
        %get3A_912 = arith.index_cast %add3A_910 : i32 to index
        %get3A_913 = tpu.vector_load %arg6[%get3A_911, %get3A_912] {strides = array<i32>} : memref<56x456xf32, #tpu.memory_space<vmem>>, vector<16xf32>,
        %swap3A = arith.index_cast %scan3A_908 : i32 to index
        %swap3A_914 = arith.constant 0 : index
        %swap3A_915 = tpu.vector_load %arg8[%swap3A, %swap3A_914] {strides = array<i32>} : memref<56x448xf32, #tpu.memory_space<vmem>>, vector<16xf32>,
        tpu.vector_store %arg8[%swap3A, %swap3A_914], %get3A_913 {strides = array<i32>} : memref<56x448xf32, #tpu.memory_space<vmem>>, vector<16xf32>,
        %add3A_916 = arith.constant 16 : i32
        %add3A_917 = arith.addi %sub3A_358, %add3A_916 : i32
        %get3A_918 = arith.index_cast %scan3A_908 : i32 to index
        %get3A_919 = arith.index_cast %add3A_917 : i32 to index
        %get3A_920 = tpu.vector_load %arg6[%get3A_918, %get3A_919] {strides = array<i32>} : memref<56x456xf32, #tpu.memory_space<vmem>>, vector<16xf32>,
        %swap3A_921 = arith.index_cast %scan3A_908 : i32 to index
        %swap3A_922 = arith.constant 16 : index
        %swap3A_923 = tpu.vector_load %arg8[%swap3A_921, %swap3A_922] {strides = array<i32>} : memref<56x448xf32, #tpu.memory_space<vmem>>, vector<16xf32>,
        tpu.vector_store %arg8[%swap3A_921, %swap3A_922], %get3A_920 {strides = array<i32>} : memref<56x448xf32, #tpu.memory_space<vmem>>, vector<16xf32>,
        %add3A_924 = arith.constant 32 : i32
        %add3A_925 = arith.addi %sub3A_358, %add3A_924 : i32
        %get3A_926 = arith.index_cast %scan3A_908 : i32 to index
        %get3A_927 = arith.index_cast %add3A_925 : i32 to index
        %get3A_928 = tpu.vector_load %arg6[%get3A_926, %get3A_927] {strides = array<i32>} : memref<56x456xf32, #tpu.memory_space<vmem>>, vector<16xf32>,
        %swap3A_929 = arith.index_cast %scan3A_908 : i32 to index
        %swap3A_930 = arith.constant 32 : index
        %swap3A_931 = tpu.vector_load %arg8[%swap3A_929, %swap3A_930] {strides = array<i32>} : memref<56x448xf32, #tpu.memory_space<vmem>>, vector<16xf32>,
        tpu.vector_store %arg8[%swap3A_929, %swap3A_930], %get3A_928 {strides = array<i32>} : memref<56x448xf32, #tpu.memory_space<vmem>>, vector<16xf32>,
        %add3A_932 = arith.constant 48 : i32
        %add3A_933 = arith.addi %sub3A_358, %add3A_932 : i32
        %get3A_934 = arith.index_cast %scan3A_908 : i32 to index
        %get3A_935 = arith.index_cast %add3A_933 : i32 to index
        %get3A_936 = tpu.vector_load %arg6[%get3A_934, %get3A_935] {strides = array<i32>} : memref<56x456xf32, #tpu.memory_space<vmem>>, vector<16xf32>,
        %swap3A_937 = arith.index_cast %scan3A_908 : i32 to index
        %swap3A_938 = arith.constant 48 : index
        %swap3A_939 = tpu.vector_load %arg8[%swap3A_937, %swap3A_938] {strides = array<i32>} : memref<56x448xf32, #tpu.memory_space<vmem>>, vector<16xf32>,
        tpu.vector_store %arg8[%swap3A_937, %swap3A_938], %get3A_936 {strides = array<i32>} : memref<56x448xf32, #tpu.memory_space<vmem>>, vector<16xf32>,
        %add3A_940 = arith.constant 64 : i32
        %add3A_941 = arith.addi %sub3A_358, %add3A_940 : i32
        %get3A_942 = arith.index_cast %scan3A_908 : i32 to index
        %get3A_943 = arith.index_cast %add3A_941 : i32 to index
        %get3A_944 = tpu.vector_load %arg6[%get3A_942, %get3A_943] {strides = array<i32>} : memref<56x456xf32, #tpu.memory_space<vmem>>, vector<16xf32>,
        %swap3A_945 = arith.index_cast %scan3A_908 : i32 to index
        %swap3A_946 = arith.constant 64 : index
        %swap3A_947 = tpu.vector_load %arg8[%swap3A_945, %swap3A_946] {strides = array<i32>} : memref<56x448xf32, #tpu.memory_space<vmem>>, vector<16xf32>,
        tpu.vector_store %arg8[%swap3A_945, %swap3A_946], %get3A_944 {strides = array<i32>} : memref<56x448xf32, #tpu.memory_space<vmem>>, vector<16xf32>,
        %add3A_948 = arith.constant 80 : i32
        %add3A_949 = arith.addi %sub3A_358, %add3A_948 : i32
        %get3A_950 = arith.index_cast %scan3A_908 : i32 to index
        %get3A_951 = arith.index_cast %add3A_949 : i32 to index
        %get3A_952 = tpu.vector_load %arg6[%get3A_950, %get3A_951] {strides = array<i32>} : memref<56x456xf32, #tpu.memory_space<vmem>>, vector<16xf32>,
        %swap3A_953 = arith.index_cast %scan3A_908 : i32 to index
        %swap3A_954 = arith.constant 80 : index
        %swap3A_955 = tpu.vector_load %arg8[%swap3A_953, %swap3A_954] {strides = array<i32>} : memref<56x448xf32, #tpu.memory_space<vmem>>, vector<16xf32>,
        tpu.vector_store %arg8[%swap3A_953, %swap3A_954], %get3A_952 {strides = array<i32>} : memref<56x448xf32, #tpu.memory_space<vmem>>, vector<16xf32>,
        %add3A_956 = arith.constant 96 : i32
        %add3A_957 = arith.addi %sub3A_358, %add3A_956 : i32
        %get3A_958 = arith.index_cast %scan3A_908 : i32 to index
        %get3A_959 = arith.index_cast %add3A_957 : i32 to index
        %get3A_960 = tpu.vector_load %arg6[%get3A_958, %get3A_959] {strides = array<i32>} : memref<56x456xf32, #tpu.memory_space<vmem>>, vector<16xf32>,
        %swap3A_961 = arith.index_cast %scan3A_908 : i32 to index
        %swap3A_962 = arith.constant 96 : index
        %swap3A_963 = tpu.vector_load %arg8[%swap3A_961, %swap3A_962] {strides = array<i32>} : memref<56x448xf32, #tpu.memory_space<vmem>>, vector<16xf32>,
        tpu.vector_store %arg8[%swap3A_961, %swap3A_962], %get3A_960 {strides = array<i32>} : memref<56x448xf32, #tpu.memory_space<vmem>>, vector<16xf32>,
        %add3A_964 = arith.constant 112 : i32
        %add3A_965 = arith.addi %sub3A_358, %add3A_964 : i32
        %get3A_966 = arith.index_cast %scan3A_908 : i32 to index
        %get3A_967 = arith.index_cast %add3A_965 : i32 to index
        %get3A_968 = tpu.vector_load %arg6[%get3A_966, %get3A_967] {strides = array<i32>} : memref<56x456xf32, #tpu.memory_space<vmem>>, vector<16xf32>,
        %swap3A_969 = arith.index_cast %scan3A_908 : i32 to index
        %swap3A_970 = arith.constant 112 : index
        %swap3A_971 = tpu.vector_load %arg8[%swap3A_969, %swap3A_970] {strides = array<i32>} : memref<56x448xf32, #tpu.memory_space<vmem>>, vector<16xf32>,
        tpu.vector_store %arg8[%swap3A_969, %swap3A_970], %get3A_968 {strides = array<i32>} : memref<56x448xf32, #tpu.memory_space<vmem>>, vector<16xf32>,
        %add3A_972 = arith.constant 128 : i32
        %add3A_973 = arith.addi %sub3A_358, %add3A_972 : i32
        %get3A_974 = arith.index_cast %scan3A_908 : i32 to index
        %get3A_975 = arith.index_cast %add3A_973 : i32 to index
        %get3A_976 = tpu.vector_load %arg6[%get3A_974, %get3A_975] {strides = array<i32>} : memref<56x456xf32, #tpu.memory_space<vmem>>, vector<16xf32>,
        %swap3A_977 = arith.index_cast %scan3A_908 : i32 to index
        %swap3A_978 = arith.constant 128 : index
        %swap3A_979 = tpu.vector_load %arg8[%swap3A_977, %swap3A_978] {strides = array<i32>} : memref<56x448xf32, #tpu.memory_space<vmem>>, vector<16xf32>,
        tpu.vector_store %arg8[%swap3A_977, %swap3A_978], %get3A_976 {strides = array<i32>} : memref<56x448xf32, #tpu.memory_space<vmem>>, vector<16xf32>,
        %add3A_980 = arith.constant 144 : i32
        %add3A_981 = arith.addi %sub3A_358, %add3A_980 : i32
        %get3A_982 = arith.index_cast %scan3A_908 : i32 to index
        %get3A_983 = arith.index_cast %add3A_981 : i32 to index
        %get3A_984 = tpu.vector_load %arg6[%get3A_982, %get3A_983] {strides = array<i32>} : memref<56x456xf32, #tpu.memory_space<vmem>>, vector<16xf32>,
        %swap3A_985 = arith.index_cast %scan3A_908 : i32 to index
        %swap3A_986 = arith.constant 144 : index
        %swap3A_987 = tpu.vector_load %arg8[%swap3A_985, %swap3A_986] {strides = array<i32>} : memref<56x448xf32, #tpu.memory_space<vmem>>, vector<16xf32>,
        tpu.vector_store %arg8[%swap3A_985, %swap3A_986], %get3A_984 {strides = array<i32>} : memref<56x448xf32, #tpu.memory_space<vmem>>, vector<16xf32>,
        %add3A_988 = arith.constant 160 : i32
        %add3A_989 = arith.addi %sub3A_358, %add3A_988 : i32
        %get3A_990 = arith.index_cast %scan3A_908 : i32 to index
        %get3A_991 = arith.index_cast %add3A_989 : i32 to index
        %get3A_992 = tpu.vector_load %arg6[%get3A_990, %get3A_991] {strides = array<i32>} : memref<56x456xf32, #tpu.memory_space<vmem>>, vector<16xf32>,
        %swap3A_993 = arith.index_cast %scan3A_908 : i32 to index
        %swap3A_994 = arith.constant 160 : index
        %swap3A_995 = tpu.vector_load %arg8[%swap3A_993, %swap3A_994] {strides = array<i32>} : memref<56x448xf32, #tpu.memory_space<vmem>>, vector<16xf32>,
        tpu.vector_store %arg8[%swap3A_993, %swap3A_994], %get3A_992 {strides = array<i32>} : memref<56x448xf32, #tpu.memory_space<vmem>>, vector<16xf32>,
        %add3A_996 = arith.constant 176 : i32
        %add3A_997 = arith.addi %sub3A_358, %add3A_996 : i32
        %get3A_998 = arith.index_cast %scan3A_908 : i32 to index
        %get3A_999 = arith.index_cast %add3A_997 : i32 to index
        %get3A_1000 = tpu.vector_load %arg6[%get3A_998, %get3A_999] {strides = array<i32>} : memref<56x456xf32, #tpu.memory_space<vmem>>, vector<16xf32>,
        %swap3A_1001 = arith.index_cast %scan3A_908 : i32 to index
        %swap3A_1002 = arith.constant 176 : index
        %swap3A_1003 = tpu.vector_load %arg8[%swap3A_1001, %swap3A_1002] {strides = array<i32>} : memref<56x448xf32, #tpu.memory_space<vmem>>, vector<16xf32>,
        tpu.vector_store %arg8[%swap3A_1001, %swap3A_1002], %get3A_1000 {strides = array<i32>} : memref<56x448xf32, #tpu.memory_space<vmem>>, vector<16xf32>,
        %add3A_1004 = arith.constant 192 : i32
        %add3A_1005 = arith.addi %sub3A_358, %add3A_1004 : i32
        %get3A_1006 = arith.index_cast %scan3A_908 : i32 to index
        %get3A_1007 = arith.index_cast %add3A_1005 : i32 to index
        %get3A_1008 = tpu.vector_load %arg6[%get3A_1006, %get3A_1007] {strides = array<i32>} : memref<56x456xf32, #tpu.memory_space<vmem>>, vector<16xf32>,
        %swap3A_1009 = arith.index_cast %scan3A_908 : i32 to index
        %swap3A_1010 = arith.constant 192 : index
        %swap3A_1011 = tpu.vector_load %arg8[%swap3A_1009, %swap3A_1010] {strides = array<i32>} : memref<56x448xf32, #tpu.memory_space<vmem>>, vector<16xf32>,
        tpu.vector_store %arg8[%swap3A_1009, %swap3A_1010], %get3A_1008 {strides = array<i32>} : memref<56x448xf32, #tpu.memory_space<vmem>>, vector<16xf32>,
        %add3A_1012 = arith.constant 208 : i32
        %add3A_1013 = arith.addi %sub3A_358, %add3A_1012 : i32
        %get3A_1014 = arith.index_cast %scan3A_908 : i32 to index
        %get3A_1015 = arith.index_cast %add3A_1013 : i32 to index
        %get3A_1016 = tpu.vector_load %arg6[%get3A_1014, %get3A_1015] {strides = array<i32>} : memref<56x456xf32, #tpu.memory_space<vmem>>, vector<16xf32>,
        %swap3A_1017 = arith.index_cast %scan3A_908 : i32 to index
        %swap3A_1018 = arith.constant 208 : index
        %swap3A_1019 = tpu.vector_load %arg8[%swap3A_1017, %swap3A_1018] {strides = array<i32>} : memref<56x448xf32, #tpu.memory_space<vmem>>, vector<16xf32>,
        tpu.vector_store %arg8[%swap3A_1017, %swap3A_1018], %get3A_1016 {strides = array<i32>} : memref<56x448xf32, #tpu.memory_space<vmem>>, vector<16xf32>,
        %add3A_1020 = arith.constant 224 : i32
        %add3A_1021 = arith.addi %sub3A_358, %add3A_1020 : i32
        %get3A_1022 = arith.index_cast %scan3A_908 : i32 to index
        %get3A_1023 = arith.index_cast %add3A_1021 : i32 to index
        %get3A_1024 = tpu.vector_load %arg6[%get3A_1022, %get3A_1023] {strides = array<i32>} : memref<56x456xf32, #tpu.memory_space<vmem>>, vector<16xf32>,
        %swap3A_1025 = arith.index_cast %scan3A_908 : i32 to index
        %swap3A_1026 = arith.constant 224 : index
        %swap3A_1027 = tpu.vector_load %arg8[%swap3A_1025, %swap3A_1026] {strides = array<i32>} : memref<56x448xf32, #tpu.memory_space<vmem>>, vector<16xf32>,
        tpu.vector_store %arg8[%swap3A_1025, %swap3A_1026], %get3A_1024 {strides = array<i32>} : memref<56x448xf32, #tpu.memory_space<vmem>>, vector<16xf32>,
        %add3A_1028 = arith.constant 240 : i32
        %add3A_1029 = arith.addi %sub3A_358, %add3A_1028 : i32
        %get3A_1030 = arith.index_cast %scan3A_908 : i32 to index
        %get3A_1031 = arith.index_cast %add3A_1029 : i32 to index
        %get3A_1032 = tpu.vector_load %arg6[%get3A_1030, %get3A_1031] {strides = array<i32>} : memref<56x456xf32, #tpu.memory_space<vmem>>, vector<16xf32>,
        %swap3A_1033 = arith.index_cast %scan3A_908 : i32 to index
        %swap3A_1034 = arith.constant 240 : index
        %swap3A_1035 = tpu.vector_load %arg8[%swap3A_1033, %swap3A_1034] {strides = array<i32>} : memref<56x448xf32, #tpu.memory_space<vmem>>, vector<16xf32>,
        tpu.vector_store %arg8[%swap3A_1033, %swap3A_1034], %get3A_1032 {strides = array<i32>} : memref<56x448xf32, #tpu.memory_space<vmem>>, vector<16xf32>,
        %add3A_1036 = arith.constant 256 : i32
        %add3A_1037 = arith.addi %sub3A_358, %add3A_1036 : i32
        %get3A_1038 = arith.index_cast %scan3A_908 : i32 to index
        %get3A_1039 = arith.index_cast %add3A_1037 : i32 to index
        %get3A_1040 = tpu.vector_load %arg6[%get3A_1038, %get3A_1039] {strides = array<i32>} : memref<56x456xf32, #tpu.memory_space<vmem>>, vector<16xf32>,
        %swap3A_1041 = arith.index_cast %scan3A_908 : i32 to index
        %swap3A_1042 = arith.constant 256 : index
        %swap3A_1043 = tpu.vector_load %arg8[%swap3A_1041, %swap3A_1042] {strides = array<i32>} : memref<56x448xf32, #tpu.memory_space<vmem>>, vector<16xf32>,
        tpu.vector_store %arg8[%swap3A_1041, %swap3A_1042], %get3A_1040 {strides = array<i32>} : memref<56x448xf32, #tpu.memory_space<vmem>>, vector<16xf32>,
        %add3A_1044 = arith.constant 272 : i32
        %add3A_1045 = arith.addi %sub3A_358, %add3A_1044 : i32
        %get3A_1046 = arith.index_cast %scan3A_908 : i32 to index
        %get3A_1047 = arith.index_cast %add3A_1045 : i32 to index
        %get3A_1048 = tpu.vector_load %arg6[%get3A_1046, %get3A_1047] {strides = array<i32>} : memref<56x456xf32, #tpu.memory_space<vmem>>, vector<16xf32>,
        %swap3A_1049 = arith.index_cast %scan3A_908 : i32 to index
        %swap3A_1050 = arith.constant 272 : index
        %swap3A_1051 = tpu.vector_load %arg8[%swap3A_1049, %swap3A_1050] {strides = array<i32>} : memref<56x448xf32, #tpu.memory_space<vmem>>, vector<16xf32>,
        tpu.vector_store %arg8[%swap3A_1049, %swap3A_1050], %get3A_1048 {strides = array<i32>} : memref<56x448xf32, #tpu.memory_space<vmem>>, vector<16xf32>,
        %add3A_1052 = arith.constant 288 : i32
        %add3A_1053 = arith.addi %sub3A_358, %add3A_1052 : i32
        %get3A_1054 = arith.index_cast %scan3A_908 : i32 to index
        %get3A_1055 = arith.index_cast %add3A_1053 : i32 to index
        %get3A_1056 = tpu.vector_load %arg6[%get3A_1054, %get3A_1055] {strides = array<i32>} : memref<56x456xf32, #tpu.memory_space<vmem>>, vector<16xf32>,
        %swap3A_1057 = arith.index_cast %scan3A_908 : i32 to index
        %swap3A_1058 = arith.constant 288 : index
        %swap3A_1059 = tpu.vector_load %arg8[%swap3A_1057, %swap3A_1058] {strides = array<i32>} : memref<56x448xf32, #tpu.memory_space<vmem>>, vector<16xf32>,
        tpu.vector_store %arg8[%swap3A_1057, %swap3A_1058], %get3A_1056 {strides = array<i32>} : memref<56x448xf32, #tpu.memory_space<vmem>>, vector<16xf32>,
        %add3A_1060 = arith.constant 304 : i32
        %add3A_1061 = arith.addi %sub3A_358, %add3A_1060 : i32
        %get3A_1062 = arith.index_cast %scan3A_908 : i32 to index
        %get3A_1063 = arith.index_cast %add3A_1061 : i32 to index
        %get3A_1064 = tpu.vector_load %arg6[%get3A_1062, %get3A_1063] {strides = array<i32>} : memref<56x456xf32, #tpu.memory_space<vmem>>, vector<16xf32>,
        %swap3A_1065 = arith.index_cast %scan3A_908 : i32 to index
        %swap3A_1066 = arith.constant 304 : index
        %swap3A_1067 = tpu.vector_load %arg8[%swap3A_1065, %swap3A_1066] {strides = array<i32>} : memref<56x448xf32, #tpu.memory_space<vmem>>, vector<16xf32>,
        tpu.vector_store %arg8[%swap3A_1065, %swap3A_1066], %get3A_1064 {strides = array<i32>} : memref<56x448xf32, #tpu.memory_space<vmem>>, vector<16xf32>,
        %add3A_1068 = arith.constant 320 : i32
        %add3A_1069 = arith.addi %sub3A_358, %add3A_1068 : i32
        %get3A_1070 = arith.index_cast %scan3A_908 : i32 to index
        %get3A_1071 = arith.index_cast %add3A_1069 : i32 to index
        %get3A_1072 = tpu.vector_load %arg6[%get3A_1070, %get3A_1071] {strides = array<i32>} : memref<56x456xf32, #tpu.memory_space<vmem>>, vector<16xf32>,
        %swap3A_1073 = arith.index_cast %scan3A_908 : i32 to index
        %swap3A_1074 = arith.constant 320 : index
        %swap3A_1075 = tpu.vector_load %arg8[%swap3A_1073, %swap3A_1074] {strides = array<i32>} : memref<56x448xf32, #tpu.memory_space<vmem>>, vector<16xf32>,
        tpu.vector_store %arg8[%swap3A_1073, %swap3A_1074], %get3A_1072 {strides = array<i32>} : memref<56x448xf32, #tpu.memory_space<vmem>>, vector<16xf32>,
        %add3A_1076 = arith.constant 336 : i32
        %add3A_1077 = arith.addi %sub3A_358, %add3A_1076 : i32
        %get3A_1078 = arith.index_cast %scan3A_908 : i32 to index
        %get3A_1079 = arith.index_cast %add3A_1077 : i32 to index
        %get3A_1080 = tpu.vector_load %arg6[%get3A_1078, %get3A_1079] {strides = array<i32>} : memref<56x456xf32, #tpu.memory_space<vmem>>, vector<16xf32>,
        %swap3A_1081 = arith.index_cast %scan3A_908 : i32 to index
        %swap3A_1082 = arith.constant 336 : index
        %swap3A_1083 = tpu.vector_load %arg8[%swap3A_1081, %swap3A_1082] {strides = array<i32>} : memref<56x448xf32, #tpu.memory_space<vmem>>, vector<16xf32>,
        tpu.vector_store %arg8[%swap3A_1081, %swap3A_1082], %get3A_1080 {strides = array<i32>} : memref<56x448xf32, #tpu.memory_space<vmem>>, vector<16xf32>,
        %add3A_1084 = arith.constant 352 : i32
        %add3A_1085 = arith.addi %sub3A_358, %add3A_1084 : i32
        %get3A_1086 = arith.index_cast %scan3A_908 : i32 to index
        %get3A_1087 = arith.index_cast %add3A_1085 : i32 to index
        %get3A_1088 = tpu.vector_load %arg6[%get3A_1086, %get3A_1087] {strides = array<i32>} : memref<56x456xf32, #tpu.memory_space<vmem>>, vector<16xf32>,
        %swap3A_1089 = arith.index_cast %scan3A_908 : i32 to index
        %swap3A_1090 = arith.constant 352 : index
        %swap3A_1091 = tpu.vector_load %arg8[%swap3A_1089, %swap3A_1090] {strides = array<i32>} : memref<56x448xf32, #tpu.memory_space<vmem>>, vector<16xf32>,
        tpu.vector_store %arg8[%swap3A_1089, %swap3A_1090], %get3A_1088 {strides = array<i32>} : memref<56x448xf32, #tpu.memory_space<vmem>>, vector<16xf32>,
        %add3A_1092 = arith.constant 368 : i32
        %add3A_1093 = arith.addi %sub3A_358, %add3A_1092 : i32
        %get3A_1094 = arith.index_cast %scan3A_908 : i32 to index
        %get3A_1095 = arith.index_cast %add3A_1093 : i32 to index
        %get3A_1096 = tpu.vector_load %arg6[%get3A_1094, %get3A_1095] {strides = array<i32>} : memref<56x456xf32, #tpu.memory_space<vmem>>, vector<16xf32>,
        %swap3A_1097 = arith.index_cast %scan3A_908 : i32 to index
        %swap3A_1098 = arith.constant 368 : index
        %swap3A_1099 = tpu.vector_load %arg8[%swap3A_1097, %swap3A_1098] {strides = array<i32>} : memref<56x448xf32, #tpu.memory_space<vmem>>, vector<16xf32>,
        tpu.vector_store %arg8[%swap3A_1097, %swap3A_1098], %get3A_1096 {strides = array<i32>} : memref<56x448xf32, #tpu.memory_space<vmem>>, vector<16xf32>,
        %add3A_1100 = arith.constant 384 : i32
        %add3A_1101 = arith.addi %sub3A_358, %add3A_1100 : i32
        %get3A_1102 = arith.index_cast %scan3A_908 : i32 to index
        %get3A_1103 = arith.index_cast %add3A_1101 : i32 to index
        %get3A_1104 = tpu.vector_load %arg6[%get3A_1102, %get3A_1103] {strides = array<i32>} : memref<56x456xf32, #tpu.memory_space<vmem>>, vector<16xf32>,
        %swap3A_1105 = arith.index_cast %scan3A_908 : i32 to index
        %swap3A_1106 = arith.constant 384 : index
        %swap3A_1107 = tpu.vector_load %arg8[%swap3A_1105, %swap3A_1106] {strides = array<i32>} : memref<56x448xf32, #tpu.memory_space<vmem>>, vector<16xf32>,
        tpu.vector_store %arg8[%swap3A_1105, %swap3A_1106], %get3A_1104 {strides = array<i32>} : memref<56x448xf32, #tpu.memory_space<vmem>>, vector<16xf32>,
        %add3A_1108 = arith.constant 400 : i32
        %add3A_1109 = arith.addi %sub3A_358, %add3A_1108 : i32
        %get3A_1110 = arith.index_cast %scan3A_908 : i32 to index
        %get3A_1111 = arith.index_cast %add3A_1109 : i32 to index
        %get3A_1112 = tpu.vector_load %arg6[%get3A_1110, %get3A_1111] {strides = array<i32>} : memref<56x456xf32, #tpu.memory_space<vmem>>, vector<16xf32>,
        %swap3A_1113 = arith.index_cast %scan3A_908 : i32 to index
        %swap3A_1114 = arith.constant 400 : index
        %swap3A_1115 = tpu.vector_load %arg8[%swap3A_1113, %swap3A_1114] {strides = array<i32>} : memref<56x448xf32, #tpu.memory_space<vmem>>, vector<16xf32>,
        tpu.vector_store %arg8[%swap3A_1113, %swap3A_1114], %get3A_1112 {strides = array<i32>} : memref<56x448xf32, #tpu.memory_space<vmem>>, vector<16xf32>,
        %add3A_1116 = arith.constant 416 : i32
        %add3A_1117 = arith.addi %sub3A_358, %add3A_1116 : i32
        %get3A_1118 = arith.index_cast %scan3A_908 : i32 to index
        %get3A_1119 = arith.index_cast %add3A_1117 : i32 to index
        %get3A_1120 = tpu.vector_load %arg6[%get3A_1118, %get3A_1119] {strides = array<i32>} : memref<56x456xf32, #tpu.memory_space<vmem>>, vector<16xf32>,
        %swap3A_1121 = arith.index_cast %scan3A_908 : i32 to index
        %swap3A_1122 = arith.constant 416 : index
        %swap3A_1123 = tpu.vector_load %arg8[%swap3A_1121, %swap3A_1122] {strides = array<i32>} : memref<56x448xf32, #tpu.memory_space<vmem>>, vector<16xf32>,
        tpu.vector_store %arg8[%swap3A_1121, %swap3A_1122], %get3A_1120 {strides = array<i32>} : memref<56x448xf32, #tpu.memory_space<vmem>>, vector<16xf32>,
        %add3A_1124 = arith.constant 432 : i32
        %add3A_1125 = arith.addi %sub3A_358, %add3A_1124 : i32
        %get3A_1126 = arith.index_cast %scan3A_908 : i32 to index
        %get3A_1127 = arith.index_cast %add3A_1125 : i32 to index
        %get3A_1128 = tpu.vector_load %arg6[%get3A_1126, %get3A_1127] {strides = array<i32>} : memref<56x456xf32, #tpu.memory_space<vmem>>, vector<16xf32>,
        %swap3A_1129 = arith.index_cast %scan3A_908 : i32 to index
        %swap3A_1130 = arith.constant 432 : index
        %swap3A_1131 = tpu.vector_load %arg8[%swap3A_1129, %swap3A_1130] {strides = array<i32>} : memref<56x448xf32, #tpu.memory_space<vmem>>, vector<16xf32>,
        tpu.vector_store %arg8[%swap3A_1129, %swap3A_1130], %get3A_1128 {strides = array<i32>} : memref<56x448xf32, #tpu.memory_space<vmem>>, vector<16xf32>,
      }
      %scan3A_477 = arith.constant 56 : i32
      %add3A_478 = arith.constant 2 : i32
      %add3A_479 = arith.addi %mul3A_271, %add3A_478 : i32
      %lt3A = arith.constant 32 : i32
      %lt3A_480 = arith.cmpi slt, %add3A_479, %lt3A : i32
      %convert_element_type3A_481 = arith.extui %lt3A_480 : i1 to i32
      %cond3A_482 = arith.constant 0 : i32
      %cond3A_483 = arith.cmpi ne, %convert_element_type3A_481, %cond3A_482 : i32
      scf.if %cond3A_483 {
        %add3A_908 = arith.constant 2 : i32
        %add3A_909 = arith.addi %mul3A_271, %add3A_908 : i32
        %jit3A_910 = arith.constant 8 : i32
        %div3A_911 = arith.divsi %add3A_909, %jit3A_910 : i32
        %sign3A_912 = arith.constant 0 : i32
        %sign3A_913 = arith.cmpi sgt, %add3A_909, %sign3A_912 : i32
        %sign3A_914 = arith.extui %sign3A_913 : i1 to i32
        %sign3A_915 = arith.constant 0 : i32
        %sign3A_916 = arith.cmpi slt, %add3A_909, %sign3A_915 : i32
        %sign3A_917 = arith.extui %sign3A_916 : i1 to i32
        %sign3A_918 = arith.subi %sign3A_914, %sign3A_917 : i32
        %sign3A_919 = arith.constant 0 : i32
        %sign3A_920 = arith.cmpi sgt, %jit3A_910, %sign3A_919 : i32
        %sign3A_921 = arith.extui %sign3A_920 : i1 to i32
        %sign3A_922 = arith.constant 0 : i32
        %sign3A_923 = arith.cmpi slt, %jit3A_910, %sign3A_922 : i32
        %sign3A_924 = arith.extui %sign3A_923 : i1 to i32
        %sign3A_925 = arith.subi %sign3A_921, %sign3A_924 : i32
        %ne3A_926 = arith.cmpi ne, %sign3A_918, %sign3A_925 : i32
        %rem3A_927 = arith.remsi %add3A_909, %jit3A_910 : i32
        %ne3A_928 = arith.constant 0 : i32
        %ne3A_929 = arith.cmpi ne, %rem3A_927, %ne3A_928 : i32
        %and3A_930 = arith.andi %ne3A_926, %ne3A_929 : i1
        %sub3A_931 = arith.constant 1 : i32
        %sub3A_932 = arith.subi %div3A_911, %sub3A_931 : i32
        %select_n3A_933 = arith.select %and3A_930, %sub3A_932, %div3A_911 : i32
        %mul3A_934 = arith.constant 8 : i32
        %mul3A_935 = arith.muli %select_n3A_933, %mul3A_934 : i32
        %sub3A_936 = arith.subi %add3A_909, %mul3A_935 : i32
        %mul3A_937 = arith.constant 2 : i32
        %mul3A_938 = arith.muli %mul3A_937, %select_n3A_933 : i32
        %eq3A_939 = vector.broadcast %mul3A_938 : i32 to vector<16xi32>
        %eq3A_940 = arith.cmpi eq, %iota3A, %eq3A_939 : vector<16xi32>
        %jit3A_941 = arith.constant 0 : i32
        %broadcast_in_dim3A_942 = vector.broadcast %jit3A_941 : i32 to vector<16xi32>
        %select_n3A_943 = arith.select %eq3A_940, %get3A_1, %broadcast_in_dim3A_942 : vector<16xi1>, vector<16xi32>
        %reduce_max3A_944 = arith.constant true
        %reduce_max3A_945 = vector.broadcast %reduce_max3A_944 : i1 to vector<16xi1>
        %reduce_max3A_946 = arith.constant -2147483648 : i32
        %reduce_max3A_947 = vector.broadcast %reduce_max3A_946 : i32 to vector<16xi32>
        %reduce_max3A_948 = arith.xori %select_n3A_943, %reduce_max3A_947 : vector<16xi32>
        %reduce_max3A_949 = tpu.scan <max>, %reduce_max3A_948 masked %reduce_max3A_945 : vector<16xi32>, vector<16xi1> -> vector<16xi32>
        %reduce_max3A_950 = arith.xori %reduce_max3A_949, %reduce_max3A_947 : vector<16xi32>
        %reduce_max3A_951 = vector.extract %reduce_max3A_950[15] : i32 from vector<16xi32>
        %mul3A_952 = arith.constant 2 : i32
        %mul3A_953 = arith.muli %mul3A_952, %select_n3A_933 : i32
        %add3A_954 = arith.constant 1 : i32
        %add3A_955 = arith.addi %mul3A_953, %add3A_954 : i32
        %eq3A_956 = vector.broadcast %add3A_955 : i32 to vector<16xi32>
        %eq3A_957 = arith.cmpi eq, %iota3A, %eq3A_956 : vector<16xi32>
        %jit3A_958 = arith.constant 0 : i32
        %broadcast_in_dim3A_959 = vector.broadcast %jit3A_958 : i32 to vector<16xi32>
        %select_n3A_960 = arith.select %eq3A_957, %get3A_1, %broadcast_in_dim3A_959 : vector<16xi1>, vector<16xi32>
        %reduce_max3A_961 = arith.constant true
        %reduce_max3A_962 = vector.broadcast %reduce_max3A_961 : i1 to vector<16xi1>
        %reduce_max3A_963 = arith.constant -2147483648 : i32
        %reduce_max3A_964 = vector.broadcast %reduce_max3A_963 : i32 to vector<16xi32>
        %reduce_max3A_965 = arith.xori %select_n3A_960, %reduce_max3A_964 : vector<16xi32>
        %reduce_max3A_966 = tpu.scan <max>, %reduce_max3A_965 masked %reduce_max3A_962 : vector<16xi32>, vector<16xi1> -> vector<16xi32>
        %reduce_max3A_967 = arith.xori %reduce_max3A_966, %reduce_max3A_964 : vector<16xi32>
        %reduce_max3A_968 = vector.extract %reduce_max3A_967[15] : i32 from vector<16xi32>
        %jit3A_969 = arith.constant 8 : i32
        %div3A_970 = arith.divsi %reduce_max3A_968, %jit3A_969 : i32
        %sign3A_971 = arith.constant 0 : i32
        %sign3A_972 = arith.cmpi sgt, %reduce_max3A_968, %sign3A_971 : i32
        %sign3A_973 = arith.extui %sign3A_972 : i1 to i32
        %sign3A_974 = arith.constant 0 : i32
        %sign3A_975 = arith.cmpi slt, %reduce_max3A_968, %sign3A_974 : i32
        %sign3A_976 = arith.extui %sign3A_975 : i1 to i32
        %sign3A_977 = arith.subi %sign3A_973, %sign3A_976 : i32
        %sign3A_978 = arith.constant 0 : i32
        %sign3A_979 = arith.cmpi sgt, %jit3A_969, %sign3A_978 : i32
        %sign3A_980 = arith.extui %sign3A_979 : i1 to i32
        %sign3A_981 = arith.constant 0 : i32
        %sign3A_982 = arith.cmpi slt, %jit3A_969, %sign3A_981 : i32
        %sign3A_983 = arith.extui %sign3A_982 : i1 to i32
        %sign3A_984 = arith.subi %sign3A_980, %sign3A_983 : i32
        %ne3A_985 = arith.cmpi ne, %sign3A_977, %sign3A_984 : i32
        %rem3A_986 = arith.remsi %reduce_max3A_968, %jit3A_969 : i32
        %ne3A_987 = arith.constant 0 : i32
        %ne3A_988 = arith.cmpi ne, %rem3A_986, %ne3A_987 : i32
        %and3A_989 = arith.andi %ne3A_985, %ne3A_988 : i1
        %sub3A_990 = arith.constant 1 : i32
        %sub3A_991 = arith.subi %div3A_970, %sub3A_990 : i32
        %select_n3A_992 = arith.select %and3A_989, %sub3A_991, %div3A_970 : i32
        %mul3A_993 = arith.constant 8 : i32
        %mul3A_994 = arith.muli %select_n3A_992, %mul3A_993 : i32
        %multiple_of3A_995 = tpu.assume_multiple %mul3A_994, 8 : i32
        %sub3A_996 = arith.subi %reduce_max3A_968, %multiple_of3A_995 : i32
        %mul3A_997 = arith.constant 56 : i32
        %mul3A_998 = arith.muli %sub3A_936, %mul3A_997 : i32
        %add3A_999 = arith.addi %reduce_max3A_951, %mul3A_998 : i32
        %mul3A_1000 = arith.constant 4 : i32
        %mul3A_1001 = arith.muli %add3A, %mul3A_1000 : i32
        %add3A_1002 = arith.addi %mul3A_1001, %select_n3A_933 : i32
        %mul3A_1003 = arith.constant 448 : i32
        %mul3A_1004 = arith.muli %add3A_1002, %mul3A_1003 : i32
        %mul3A_1005 = arith.constant 56 : i32
        %mul3A_1006 = arith.muli %sub3A_936, %mul3A_1005 : i32
        %add3A_1007 = arith.addi %mul3A_1004, %mul3A_1006 : i32
        %dma_start3A_1008 = tpu.memref_slice %arg2[%add3A_999, %multiple_of3A_995] : memref<65536x512xf32, #tpu.memory_space<hbm>> -> memref<56x456xf32, #tpu.memory_space<hbm>>
        %dma_start3A_1009 = tpu.memref_slice %arg2[%add3A_999, %multiple_of3A_995] : memref<65536x512xf32, #tpu.memory_space<hbm>> -> memref<56x456xf32, #tpu.memory_space<hbm>>
        tpu.enqueue_dma source(%dma_start3A_1009 : memref<56x456xf32, #tpu.memory_space<hbm>>) target(%arg6 : memref<56x456xf32, #tpu.memory_space<vmem>>) target_semaphore(%arg10 : memref<!tpu.dma_semaphore, #tpu.memory_space<semaphore_mem>>)
      } else {
      }
      %jit3A_484 = arith.constant 8 : i32
      %div3A_485 = arith.divsi %mul3A_271, %jit3A_484 : i32
      %sign3A_486 = arith.constant 0 : i32
      %sign3A_487 = arith.cmpi sgt, %mul3A_271, %sign3A_486 : i32
      %sign3A_488 = arith.extui %sign3A_487 : i1 to i32
      %sign3A_489 = arith.constant 0 : i32
      %sign3A_490 = arith.cmpi slt, %mul3A_271, %sign3A_489 : i32
      %sign3A_491 = arith.extui %sign3A_490 : i1 to i32
      %sign3A_492 = arith.subi %sign3A_488, %sign3A_491 : i32
      %sign3A_493 = arith.constant 0 : i32
      %sign3A_494 = arith.cmpi sgt, %jit3A_484, %sign3A_493 : i32
      %sign3A_495 = arith.extui %sign3A_494 : i1 to i32
      %sign3A_496 = arith.constant 0 : i32
      %sign3A_497 = arith.cmpi slt, %jit3A_484, %sign3A_496 : i32
      %sign3A_498 = arith.extui %sign3A_497 : i1 to i32
      %sign3A_499 = arith.subi %sign3A_495, %sign3A_498 : i32
      %ne3A_500 = arith.cmpi ne, %sign3A_492, %sign3A_499 : i32
      %rem3A_501 = arith.remsi %mul3A_271, %jit3A_484 : i32
      %ne3A_502 = arith.constant 0 : i32
      %ne3A_503 = arith.cmpi ne, %rem3A_501, %ne3A_502 : i32
      %and3A_504 = arith.andi %ne3A_500, %ne3A_503 : i1
      %sub3A_505 = arith.constant 1 : i32
      %sub3A_506 = arith.subi %div3A_485, %sub3A_505 : i32
      %select_n3A_507 = arith.select %and3A_504, %sub3A_506, %div3A_485 : i32
      %mul3A_508 = arith.constant 8 : i32
      %mul3A_509 = arith.muli %select_n3A_507, %mul3A_508 : i32
      %sub3A_510 = arith.subi %mul3A_271, %mul3A_509 : i32
      %mul3A_511 = arith.constant 2 : i32
      %mul3A_512 = arith.muli %mul3A_511, %select_n3A_507 : i32
      %eq3A_513 = vector.broadcast %mul3A_512 : i32 to vector<16xi32>
      %eq3A_514 = arith.cmpi eq, %iota3A, %eq3A_513 : vector<16xi32>
      %jit3A_515 = arith.constant 0 : i32
      %broadcast_in_dim3A_516 = vector.broadcast %jit3A_515 : i32 to vector<16xi32>
      %select_n3A_517 = arith.select %eq3A_514, %get3A_1, %broadcast_in_dim3A_516 : vector<16xi1>, vector<16xi32>
      %reduce_max3A_518 = arith.constant true
      %reduce_max3A_519 = vector.broadcast %reduce_max3A_518 : i1 to vector<16xi1>
      %reduce_max3A_520 = arith.constant -2147483648 : i32
      %reduce_max3A_521 = vector.broadcast %reduce_max3A_520 : i32 to vector<16xi32>
      %reduce_max3A_522 = arith.xori %select_n3A_517, %reduce_max3A_521 : vector<16xi32>
      %reduce_max3A_523 = tpu.scan <max>, %reduce_max3A_522 masked %reduce_max3A_519 : vector<16xi32>, vector<16xi1> -> vector<16xi32>
      %reduce_max3A_524 = arith.xori %reduce_max3A_523, %reduce_max3A_521 : vector<16xi32>
      %reduce_max3A_525 = vector.extract %reduce_max3A_524[15] : i32 from vector<16xi32>
      %mul3A_526 = arith.constant 2 : i32
      %mul3A_527 = arith.muli %mul3A_526, %select_n3A_507 : i32
      %add3A_528 = arith.constant 1 : i32
      %add3A_529 = arith.addi %mul3A_527, %add3A_528 : i32
      %eq3A_530 = vector.broadcast %add3A_529 : i32 to vector<16xi32>
      %eq3A_531 = arith.cmpi eq, %iota3A, %eq3A_530 : vector<16xi32>
      %jit3A_532 = arith.constant 0 : i32
      %broadcast_in_dim3A_533 = vector.broadcast %jit3A_532 : i32 to vector<16xi32>
      %select_n3A_534 = arith.select %eq3A_531, %get3A_1, %broadcast_in_dim3A_533 : vector<16xi1>, vector<16xi32>
      %reduce_max3A_535 = arith.constant true
      %reduce_max3A_536 = vector.broadcast %reduce_max3A_535 : i1 to vector<16xi1>
      %reduce_max3A_537 = arith.constant -2147483648 : i32
      %reduce_max3A_538 = vector.broadcast %reduce_max3A_537 : i32 to vector<16xi32>
      %reduce_max3A_539 = arith.xori %select_n3A_534, %reduce_max3A_538 : vector<16xi32>
      %reduce_max3A_540 = tpu.scan <max>, %reduce_max3A_539 masked %reduce_max3A_536 : vector<16xi32>, vector<16xi1> -> vector<16xi32>
      %reduce_max3A_541 = arith.xori %reduce_max3A_540, %reduce_max3A_538 : vector<16xi32>
      %reduce_max3A_542 = vector.extract %reduce_max3A_541[15] : i32 from vector<16xi32>
      %jit3A_543 = arith.constant 8 : i32
      %div3A_544 = arith.divsi %reduce_max3A_542, %jit3A_543 : i32
      %sign3A_545 = arith.constant 0 : i32
      %sign3A_546 = arith.cmpi sgt, %reduce_max3A_542, %sign3A_545 : i32
      %sign3A_547 = arith.extui %sign3A_546 : i1 to i32
      %sign3A_548 = arith.constant 0 : i32
      %sign3A_549 = arith.cmpi slt, %reduce_max3A_542, %sign3A_548 : i32
      %sign3A_550 = arith.extui %sign3A_549 : i1 to i32
      %sign3A_551 = arith.subi %sign3A_547, %sign3A_550 : i32
      %sign3A_552 = arith.constant 0 : i32
      %sign3A_553 = arith.cmpi sgt, %jit3A_543, %sign3A_552 : i32
      %sign3A_554 = arith.extui %sign3A_553 : i1 to i32
      %sign3A_555 = arith.constant 0 : i32
      %sign3A_556 = arith.cmpi slt, %jit3A_543, %sign3A_555 : i32
      %sign3A_557 = arith.extui %sign3A_556 : i1 to i32
      %sign3A_558 = arith.subi %sign3A_554, %sign3A_557 : i32
      %ne3A_559 = arith.cmpi ne, %sign3A_551, %sign3A_558 : i32
      %rem3A_560 = arith.remsi %reduce_max3A_542, %jit3A_543 : i32
      %ne3A_561 = arith.constant 0 : i32
      %ne3A_562 = arith.cmpi ne, %rem3A_560, %ne3A_561 : i32
      %and3A_563 = arith.andi %ne3A_559, %ne3A_562 : i1
      %sub3A_564 = arith.constant 1 : i32
      %sub3A_565 = arith.subi %div3A_544, %sub3A_564 : i32
      %select_n3A_566 = arith.select %and3A_563, %sub3A_565, %div3A_544 : i32
      %mul3A_567 = arith.constant 8 : i32
      %mul3A_568 = arith.muli %select_n3A_566, %mul3A_567 : i32
      %multiple_of3A_569 = tpu.assume_multiple %mul3A_568, 8 : i32
      %sub3A_570 = arith.subi %reduce_max3A_542, %multiple_of3A_569 : i32
      %mul3A_571 = arith.constant 56 : i32
      %mul3A_572 = arith.muli %sub3A_510, %mul3A_571 : i32
      %add3A_573 = arith.addi %reduce_max3A_525, %mul3A_572 : i32
      %mul3A_574 = arith.constant 4 : i32
      %mul3A_575 = arith.muli %add3A, %mul3A_574 : i32
      %add3A_576 = arith.addi %mul3A_575, %select_n3A_507 : i32
      %mul3A_577 = arith.constant 448 : i32
      %mul3A_578 = arith.muli %add3A_576, %mul3A_577 : i32
      %mul3A_579 = arith.constant 56 : i32
      %mul3A_580 = arith.muli %sub3A_510, %mul3A_579 : i32
      %add3A_581 = arith.addi %mul3A_578, %mul3A_580 : i32
      %dma_start3A_582 = arith.constant 0 : i32
      %dma_start3A_583 = tpu.memref_slice %arg4[%add3A_581, %dma_start3A_582] : memref<57344x448xf32, #tpu.memory_space<hbm>> -> memref<56x448xf32, #tpu.memory_space<hbm>>
      %dma_start3A_584 = arith.constant 0 : i32
      %dma_start3A_585 = tpu.memref_slice %arg4[%add3A_581, %dma_start3A_584] : memref<57344x448xf32, #tpu.memory_space<hbm>> -> memref<56x448xf32, #tpu.memory_space<hbm>>
      tpu.enqueue_dma source(%arg8 : memref<56x448xf32, #tpu.memory_space<vmem>>) target(%dma_start3A_585 : memref<56x448xf32, #tpu.memory_space<hbm>>) target_semaphore(%arg12 : memref<!tpu.dma_semaphore, #tpu.memory_space<semaphore_mem>>)
      %mul3A_586 = arith.constant 2 : i32
      %mul3A_587 = arith.muli %mul3A_586, %scan3A_269 : i32
      %add3A_588 = arith.constant 1 : i32
      %add3A_589 = arith.addi %mul3A_587, %add3A_588 : i32
      %jit3A_590 = arith.constant 8 : i32
      %div3A_591 = arith.divsi %add3A_589, %jit3A_590 : i32
      %sign3A_592 = arith.constant 0 : i32
      %sign3A_593 = arith.cmpi sgt, %add3A_589, %sign3A_592 : i32
      %sign3A_594 = arith.extui %sign3A_593 : i1 to i32
      %sign3A_595 = arith.constant 0 : i32
      %sign3A_596 = arith.cmpi slt, %add3A_589, %sign3A_595 : i32
      %sign3A_597 = arith.extui %sign3A_596 : i1 to i32
      %sign3A_598 = arith.subi %sign3A_594, %sign3A_597 : i32
      %sign3A_599 = arith.constant 0 : i32
      %sign3A_600 = arith.cmpi sgt, %jit3A_590, %sign3A_599 : i32
      %sign3A_601 = arith.extui %sign3A_600 : i1 to i32
      %sign3A_602 = arith.constant 0 : i32
      %sign3A_603 = arith.cmpi slt, %jit3A_590, %sign3A_602 : i32
      %sign3A_604 = arith.extui %sign3A_603 : i1 to i32
      %sign3A_605 = arith.subi %sign3A_601, %sign3A_604 : i32
      %ne3A_606 = arith.cmpi ne, %sign3A_598, %sign3A_605 : i32
      %rem3A_607 = arith.remsi %add3A_589, %jit3A_590 : i32
      %ne3A_608 = arith.constant 0 : i32
      %ne3A_609 = arith.cmpi ne, %rem3A_607, %ne3A_608 : i32
      %and3A_610 = arith.andi %ne3A_606, %ne3A_609 : i1
      %sub3A_611 = arith.constant 1 : i32
      %sub3A_612 = arith.subi %div3A_591, %sub3A_611 : i32
      %select_n3A_613 = arith.select %and3A_610, %sub3A_612, %div3A_591 : i32
      %mul3A_614 = arith.constant 8 : i32
      %mul3A_615 = arith.muli %select_n3A_613, %mul3A_614 : i32
      %sub3A_616 = arith.subi %add3A_589, %mul3A_615 : i32
      %mul3A_617 = arith.constant 2 : i32
      %mul3A_618 = arith.muli %mul3A_617, %select_n3A_613 : i32
      %eq3A_619 = vector.broadcast %mul3A_618 : i32 to vector<16xi32>
      %eq3A_620 = arith.cmpi eq, %iota3A, %eq3A_619 : vector<16xi32>
      %jit3A_621 = arith.constant 0 : i32
      %broadcast_in_dim3A_622 = vector.broadcast %jit3A_621 : i32 to vector<16xi32>
      %select_n3A_623 = arith.select %eq3A_620, %get3A_1, %broadcast_in_dim3A_622 : vector<16xi1>, vector<16xi32>
      %reduce_max3A_624 = arith.constant true
      %reduce_max3A_625 = vector.broadcast %reduce_max3A_624 : i1 to vector<16xi1>
      %reduce_max3A_626 = arith.constant -2147483648 : i32
      %reduce_max3A_627 = vector.broadcast %reduce_max3A_626 : i32 to vector<16xi32>
      %reduce_max3A_628 = arith.xori %select_n3A_623, %reduce_max3A_627 : vector<16xi32>
      %reduce_max3A_629 = tpu.scan <max>, %reduce_max3A_628 masked %reduce_max3A_625 : vector<16xi32>, vector<16xi1> -> vector<16xi32>
      %reduce_max3A_630 = arith.xori %reduce_max3A_629, %reduce_max3A_627 : vector<16xi32>
      %reduce_max3A_631 = vector.extract %reduce_max3A_630[15] : i32 from vector<16xi32>
      %mul3A_632 = arith.constant 2 : i32
      %mul3A_633 = arith.muli %mul3A_632, %select_n3A_613 : i32
      %add3A_634 = arith.constant 1 : i32
      %add3A_635 = arith.addi %mul3A_633, %add3A_634 : i32
      %eq3A_636 = vector.broadcast %add3A_635 : i32 to vector<16xi32>
      %eq3A_637 = arith.cmpi eq, %iota3A, %eq3A_636 : vector<16xi32>
      %jit3A_638 = arith.constant 0 : i32
      %broadcast_in_dim3A_639 = vector.broadcast %jit3A_638 : i32 to vector<16xi32>
      %select_n3A_640 = arith.select %eq3A_637, %get3A_1, %broadcast_in_dim3A_639 : vector<16xi1>, vector<16xi32>
      %reduce_max3A_641 = arith.constant true
      %reduce_max3A_642 = vector.broadcast %reduce_max3A_641 : i1 to vector<16xi1>
      %reduce_max3A_643 = arith.constant -2147483648 : i32
      %reduce_max3A_644 = vector.broadcast %reduce_max3A_643 : i32 to vector<16xi32>
      %reduce_max3A_645 = arith.xori %select_n3A_640, %reduce_max3A_644 : vector<16xi32>
      %reduce_max3A_646 = tpu.scan <max>, %reduce_max3A_645 masked %reduce_max3A_642 : vector<16xi32>, vector<16xi1> -> vector<16xi32>
      %reduce_max3A_647 = arith.xori %reduce_max3A_646, %reduce_max3A_644 : vector<16xi32>
      %reduce_max3A_648 = vector.extract %reduce_max3A_647[15] : i32 from vector<16xi32>
      %jit3A_649 = arith.constant 8 : i32
      %div3A_650 = arith.divsi %reduce_max3A_648, %jit3A_649 : i32
      %sign3A_651 = arith.constant 0 : i32
      %sign3A_652 = arith.cmpi sgt, %reduce_max3A_648, %sign3A_651 : i32
      %sign3A_653 = arith.extui %sign3A_652 : i1 to i32
      %sign3A_654 = arith.constant 0 : i32
      %sign3A_655 = arith.cmpi slt, %reduce_max3A_648, %sign3A_654 : i32
      %sign3A_656 = arith.extui %sign3A_655 : i1 to i32
      %sign3A_657 = arith.subi %sign3A_653, %sign3A_656 : i32
      %sign3A_658 = arith.constant 0 : i32
      %sign3A_659 = arith.cmpi sgt, %jit3A_649, %sign3A_658 : i32
      %sign3A_660 = arith.extui %sign3A_659 : i1 to i32
      %sign3A_661 = arith.constant 0 : i32
      %sign3A_662 = arith.cmpi slt, %jit3A_649, %sign3A_661 : i32
      %sign3A_663 = arith.extui %sign3A_662 : i1 to i32
      %sign3A_664 = arith.subi %sign3A_660, %sign3A_663 : i32
      %ne3A_665 = arith.cmpi ne, %sign3A_657, %sign3A_664 : i32
      %rem3A_666 = arith.remsi %reduce_max3A_648, %jit3A_649 : i32
      %ne3A_667 = arith.constant 0 : i32
      %ne3A_668 = arith.cmpi ne, %rem3A_666, %ne3A_667 : i32
      %and3A_669 = arith.andi %ne3A_665, %ne3A_668 : i1
      %sub3A_670 = arith.constant 1 : i32
      %sub3A_671 = arith.subi %div3A_650, %sub3A_670 : i32
      %select_n3A_672 = arith.select %and3A_669, %sub3A_671, %div3A_650 : i32
      %mul3A_673 = arith.constant 8 : i32
      %mul3A_674 = arith.muli %select_n3A_672, %mul3A_673 : i32
      %multiple_of3A_675 = tpu.assume_multiple %mul3A_674, 8 : i32
      %sub3A_676 = arith.subi %reduce_max3A_648, %multiple_of3A_675 : i32
      %mul3A_677 = arith.constant 56 : i32
      %mul3A_678 = arith.muli %sub3A_616, %mul3A_677 : i32
      %add3A_679 = arith.addi %reduce_max3A_631, %mul3A_678 : i32
      %mul3A_680 = arith.constant 4 : i32
      %mul3A_681 = arith.muli %add3A, %mul3A_680 : i32
      %add3A_682 = arith.addi %mul3A_681, %select_n3A_613 : i32
      %mul3A_683 = arith.constant 448 : i32
      %mul3A_684 = arith.muli %add3A_682, %mul3A_683 : i32
      %mul3A_685 = arith.constant 56 : i32
      %mul3A_686 = arith.muli %sub3A_616, %mul3A_685 : i32
      %add3A_687 = arith.addi %mul3A_684, %mul3A_686 : i32
      %jit3A_688 = arith.constant 8 : i32
      %div3A_689 = arith.divsi %add3A_589, %jit3A_688 : i32
      %sign3A_690 = arith.constant 0 : i32
      %sign3A_691 = arith.cmpi sgt, %add3A_589, %sign3A_690 : i32
      %sign3A_692 = arith.extui %sign3A_691 : i1 to i32
      %sign3A_693 = arith.constant 0 : i32
      %sign3A_694 = arith.cmpi slt, %add3A_589, %sign3A_693 : i32
      %sign3A_695 = arith.extui %sign3A_694 : i1 to i32
      %sign3A_696 = arith.subi %sign3A_692, %sign3A_695 : i32
      %sign3A_697 = arith.constant 0 : i32
      %sign3A_698 = arith.cmpi sgt, %jit3A_688, %sign3A_697 : i32
      %sign3A_699 = arith.extui %sign3A_698 : i1 to i32
      %sign3A_700 = arith.constant 0 : i32
      %sign3A_701 = arith.cmpi slt, %jit3A_688, %sign3A_700 : i32
      %sign3A_702 = arith.extui %sign3A_701 : i1 to i32
      %sign3A_703 = arith.subi %sign3A_699, %sign3A_702 : i32
      %ne3A_704 = arith.cmpi ne, %sign3A_696, %sign3A_703 : i32
      %rem3A_705 = arith.remsi %add3A_589, %jit3A_688 : i32
      %ne3A_706 = arith.constant 0 : i32
      %ne3A_707 = arith.cmpi ne, %rem3A_705, %ne3A_706 : i32
      %and3A_708 = arith.andi %ne3A_704, %ne3A_707 : i1
      %sub3A_709 = arith.constant 1 : i32
      %sub3A_710 = arith.subi %div3A_689, %sub3A_709 : i32
      %select_n3A_711 = arith.select %and3A_708, %sub3A_710, %div3A_689 : i32
      %mul3A_712 = arith.constant 8 : i32
      %mul3A_713 = arith.muli %select_n3A_711, %mul3A_712 : i32
      %sub3A_714 = arith.subi %add3A_589, %mul3A_713 : i32
      %mul3A_715 = arith.constant 2 : i32
      %mul3A_716 = arith.muli %mul3A_715, %select_n3A_711 : i32
      %eq3A_717 = vector.broadcast %mul3A_716 : i32 to vector<16xi32>
      %eq3A_718 = arith.cmpi eq, %iota3A, %eq3A_717 : vector<16xi32>
      %jit3A_719 = arith.constant 0 : i32
      %broadcast_in_dim3A_720 = vector.broadcast %jit3A_719 : i32 to vector<16xi32>
      %select_n3A_721 = arith.select %eq3A_718, %get3A_1, %broadcast_in_dim3A_720 : vector<16xi1>, vector<16xi32>
      %reduce_max3A_722 = arith.constant true
      %reduce_max3A_723 = vector.broadcast %reduce_max3A_722 : i1 to vector<16xi1>
      %reduce_max3A_724 = arith.constant -2147483648 : i32
      %reduce_max3A_725 = vector.broadcast %reduce_max3A_724 : i32 to vector<16xi32>
      %reduce_max3A_726 = arith.xori %select_n3A_721, %reduce_max3A_725 : vector<16xi32>
      %reduce_max3A_727 = tpu.scan <max>, %reduce_max3A_726 masked %reduce_max3A_723 : vector<16xi32>, vector<16xi1> -> vector<16xi32>
      %reduce_max3A_728 = arith.xori %reduce_max3A_727, %reduce_max3A_725 : vector<16xi32>
      %reduce_max3A_729 = vector.extract %reduce_max3A_728[15] : i32 from vector<16xi32>
      %mul3A_730 = arith.constant 2 : i32
      %mul3A_731 = arith.muli %mul3A_730, %select_n3A_711 : i32
      %add3A_732 = arith.constant 1 : i32
      %add3A_733 = arith.addi %mul3A_731, %add3A_732 : i32
      %eq3A_734 = vector.broadcast %add3A_733 : i32 to vector<16xi32>
      %eq3A_735 = arith.cmpi eq, %iota3A, %eq3A_734 : vector<16xi32>
      %jit3A_736 = arith.constant 0 : i32
      %broadcast_in_dim3A_737 = vector.broadcast %jit3A_736 : i32 to vector<16xi32>
      %select_n3A_738 = arith.select %eq3A_735, %get3A_1, %broadcast_in_dim3A_737 : vector<16xi1>, vector<16xi32>
      %reduce_max3A_739 = arith.constant true
      %reduce_max3A_740 = vector.broadcast %reduce_max3A_739 : i1 to vector<16xi1>
      %reduce_max3A_741 = arith.constant -2147483648 : i32
      %reduce_max3A_742 = vector.broadcast %reduce_max3A_741 : i32 to vector<16xi32>
      %reduce_max3A_743 = arith.xori %select_n3A_738, %reduce_max3A_742 : vector<16xi32>
      %reduce_max3A_744 = tpu.scan <max>, %reduce_max3A_743 masked %reduce_max3A_740 : vector<16xi32>, vector<16xi1> -> vector<16xi32>
      %reduce_max3A_745 = arith.xori %reduce_max3A_744, %reduce_max3A_742 : vector<16xi32>
      %reduce_max3A_746 = vector.extract %reduce_max3A_745[15] : i32 from vector<16xi32>
      %jit3A_747 = arith.constant 8 : i32
      %div3A_748 = arith.divsi %reduce_max3A_746, %jit3A_747 : i32
      %sign3A_749 = arith.constant 0 : i32
      %sign3A_750 = arith.cmpi sgt, %reduce_max3A_746, %sign3A_749 : i32
      %sign3A_751 = arith.extui %sign3A_750 : i1 to i32
      %sign3A_752 = arith.constant 0 : i32
      %sign3A_753 = arith.cmpi slt, %reduce_max3A_746, %sign3A_752 : i32
      %sign3A_754 = arith.extui %sign3A_753 : i1 to i32
      %sign3A_755 = arith.subi %sign3A_751, %sign3A_754 : i32
      %sign3A_756 = arith.constant 0 : i32
      %sign3A_757 = arith.cmpi sgt, %jit3A_747, %sign3A_756 : i32
      %sign3A_758 = arith.extui %sign3A_757 : i1 to i32
      %sign3A_759 = arith.constant 0 : i32
      %sign3A_760 = arith.cmpi slt, %jit3A_747, %sign3A_759 : i32
      %sign3A_761 = arith.extui %sign3A_760 : i1 to i32
      %sign3A_762 = arith.subi %sign3A_758, %sign3A_761 : i32
      %ne3A_763 = arith.cmpi ne, %sign3A_755, %sign3A_762 : i32
      %rem3A_764 = arith.remsi %reduce_max3A_746, %jit3A_747 : i32
      %ne3A_765 = arith.constant 0 : i32
      %ne3A_766 = arith.cmpi ne, %rem3A_764, %ne3A_765 : i32
      %and3A_767 = arith.andi %ne3A_763, %ne3A_766 : i1
      %sub3A_768 = arith.constant 1 : i32
      %sub3A_769 = arith.subi %div3A_748, %sub3A_768 : i32
      %select_n3A_770 = arith.select %and3A_767, %sub3A_769, %div3A_748 : i32
      %mul3A_771 = arith.constant 8 : i32
      %mul3A_772 = arith.muli %select_n3A_770, %mul3A_771 : i32
      %multiple_of3A_773 = tpu.assume_multiple %mul3A_772, 8 : i32
      %sub3A_774 = arith.subi %reduce_max3A_746, %multiple_of3A_773 : i32
      %mul3A_775 = arith.constant 56 : i32
      %mul3A_776 = arith.muli %sub3A_714, %mul3A_775 : i32
      %add3A_777 = arith.addi %reduce_max3A_729, %mul3A_776 : i32
      %mul3A_778 = arith.constant 4 : i32
      %mul3A_779 = arith.muli %add3A, %mul3A_778 : i32
      %add3A_780 = arith.addi %mul3A_779, %select_n3A_711 : i32
      %mul3A_781 = arith.constant 448 : i32
      %mul3A_782 = arith.muli %add3A_780, %mul3A_781 : i32
      %mul3A_783 = arith.constant 56 : i32
      %mul3A_784 = arith.muli %sub3A_714, %mul3A_783 : i32
      %add3A_785 = arith.addi %mul3A_782, %mul3A_784 : i32
      %dma_wait3A_786 = tpu.memref_slice %arg2[%add3A_777, %multiple_of3A_773] : memref<65536x512xf32, #tpu.memory_space<hbm>> -> memref<56x456xf32, #tpu.memory_space<hbm>>
      %dma_wait3A_787 = tpu.memref_slice %arg2[%add3A_777, %multiple_of3A_773] : memref<65536x512xf32, #tpu.memory_space<hbm>> -> memref<56x456xf32, #tpu.memory_space<hbm>>
      tpu.wait_dma2 semaphore(%arg11 : memref<!tpu.dma_semaphore, #tpu.memory_space<semaphore_mem>>) src(%dma_wait3A_787 : memref<56x456xf32, #tpu.memory_space<hbm>>) dst(%arg7 : memref<56x456xf32, #tpu.memory_space<vmem>>)
      %ge3A_788 = arith.constant 2 : i32
      %ge3A_789 = arith.cmpi sge, %add3A_589, %ge3A_788 : i32
      %convert_element_type3A_790 = arith.extui %ge3A_789 : i1 to i32
      %cond3A_791 = arith.constant 0 : i32
      %cond3A_792 = arith.cmpi ne, %convert_element_type3A_790, %cond3A_791 : i32
      scf.if %cond3A_792 {
        %sub3A_908 = arith.constant 2 : i32
        %sub3A_909 = arith.subi %add3A_589, %sub3A_908 : i32
        %jit3A_910 = arith.constant 8 : i32
        %div3A_911 = arith.divsi %sub3A_909, %jit3A_910 : i32
        %sign3A_912 = arith.constant 0 : i32
        %sign3A_913 = arith.cmpi sgt, %sub3A_909, %sign3A_912 : i32
        %sign3A_914 = arith.extui %sign3A_913 : i1 to i32
        %sign3A_915 = arith.constant 0 : i32
        %sign3A_916 = arith.cmpi slt, %sub3A_909, %sign3A_915 : i32
        %sign3A_917 = arith.extui %sign3A_916 : i1 to i32
        %sign3A_918 = arith.subi %sign3A_914, %sign3A_917 : i32
        %sign3A_919 = arith.constant 0 : i32
        %sign3A_920 = arith.cmpi sgt, %jit3A_910, %sign3A_919 : i32
        %sign3A_921 = arith.extui %sign3A_920 : i1 to i32
        %sign3A_922 = arith.constant 0 : i32
        %sign3A_923 = arith.cmpi slt, %jit3A_910, %sign3A_922 : i32
        %sign3A_924 = arith.extui %sign3A_923 : i1 to i32
        %sign3A_925 = arith.subi %sign3A_921, %sign3A_924 : i32
        %ne3A_926 = arith.cmpi ne, %sign3A_918, %sign3A_925 : i32
        %rem3A_927 = arith.remsi %sub3A_909, %jit3A_910 : i32
        %ne3A_928 = arith.constant 0 : i32
        %ne3A_929 = arith.cmpi ne, %rem3A_927, %ne3A_928 : i32
        %and3A_930 = arith.andi %ne3A_926, %ne3A_929 : i1
        %sub3A_931 = arith.constant 1 : i32
        %sub3A_932 = arith.subi %div3A_911, %sub3A_931 : i32
        %select_n3A_933 = arith.select %and3A_930, %sub3A_932, %div3A_911 : i32
        %mul3A_934 = arith.constant 8 : i32
        %mul3A_935 = arith.muli %select_n3A_933, %mul3A_934 : i32
        %sub3A_936 = arith.subi %sub3A_909, %mul3A_935 : i32
        %mul3A_937 = arith.constant 2 : i32
        %mul3A_938 = arith.muli %mul3A_937, %select_n3A_933 : i32
        %eq3A_939 = vector.broadcast %mul3A_938 : i32 to vector<16xi32>
        %eq3A_940 = arith.cmpi eq, %iota3A, %eq3A_939 : vector<16xi32>
        %jit3A_941 = arith.constant 0 : i32
        %broadcast_in_dim3A_942 = vector.broadcast %jit3A_941 : i32 to vector<16xi32>
        %select_n3A_943 = arith.select %eq3A_940, %get3A_1, %broadcast_in_dim3A_942 : vector<16xi1>, vector<16xi32>
        %reduce_max3A_944 = arith.constant true
        %reduce_max3A_945 = vector.broadcast %reduce_max3A_944 : i1 to vector<16xi1>
        %reduce_max3A_946 = arith.constant -2147483648 : i32
        %reduce_max3A_947 = vector.broadcast %reduce_max3A_946 : i32 to vector<16xi32>
        %reduce_max3A_948 = arith.xori %select_n3A_943, %reduce_max3A_947 : vector<16xi32>
        %reduce_max3A_949 = tpu.scan <max>, %reduce_max3A_948 masked %reduce_max3A_945 : vector<16xi32>, vector<16xi1> -> vector<16xi32>
        %reduce_max3A_950 = arith.xori %reduce_max3A_949, %reduce_max3A_947 : vector<16xi32>
        %reduce_max3A_951 = vector.extract %reduce_max3A_950[15] : i32 from vector<16xi32>
        %mul3A_952 = arith.constant 2 : i32
        %mul3A_953 = arith.muli %mul3A_952, %select_n3A_933 : i32
        %add3A_954 = arith.constant 1 : i32
        %add3A_955 = arith.addi %mul3A_953, %add3A_954 : i32
        %eq3A_956 = vector.broadcast %add3A_955 : i32 to vector<16xi32>
        %eq3A_957 = arith.cmpi eq, %iota3A, %eq3A_956 : vector<16xi32>
        %jit3A_958 = arith.constant 0 : i32
        %broadcast_in_dim3A_959 = vector.broadcast %jit3A_958 : i32 to vector<16xi32>
        %select_n3A_960 = arith.select %eq3A_957, %get3A_1, %broadcast_in_dim3A_959 : vector<16xi1>, vector<16xi32>
        %reduce_max3A_961 = arith.constant true
        %reduce_max3A_962 = vector.broadcast %reduce_max3A_961 : i1 to vector<16xi1>
        %reduce_max3A_963 = arith.constant -2147483648 : i32
        %reduce_max3A_964 = vector.broadcast %reduce_max3A_963 : i32 to vector<16xi32>
        %reduce_max3A_965 = arith.xori %select_n3A_960, %reduce_max3A_964 : vector<16xi32>
        %reduce_max3A_966 = tpu.scan <max>, %reduce_max3A_965 masked %reduce_max3A_962 : vector<16xi32>, vector<16xi1> -> vector<16xi32>
        %reduce_max3A_967 = arith.xori %reduce_max3A_966, %reduce_max3A_964 : vector<16xi32>
        %reduce_max3A_968 = vector.extract %reduce_max3A_967[15] : i32 from vector<16xi32>
        %jit3A_969 = arith.constant 8 : i32
        %div3A_970 = arith.divsi %reduce_max3A_968, %jit3A_969 : i32
        %sign3A_971 = arith.constant 0 : i32
        %sign3A_972 = arith.cmpi sgt, %reduce_max3A_968, %sign3A_971 : i32
        %sign3A_973 = arith.extui %sign3A_972 : i1 to i32
        %sign3A_974 = arith.constant 0 : i32
        %sign3A_975 = arith.cmpi slt, %reduce_max3A_968, %sign3A_974 : i32
        %sign3A_976 = arith.extui %sign3A_975 : i1 to i32
        %sign3A_977 = arith.subi %sign3A_973, %sign3A_976 : i32
        %sign3A_978 = arith.constant 0 : i32
        %sign3A_979 = arith.cmpi sgt, %jit3A_969, %sign3A_978 : i32
        %sign3A_980 = arith.extui %sign3A_979 : i1 to i32
        %sign3A_981 = arith.constant 0 : i32
        %sign3A_982 = arith.cmpi slt, %jit3A_969, %sign3A_981 : i32
        %sign3A_983 = arith.extui %sign3A_982 : i1 to i32
        %sign3A_984 = arith.subi %sign3A_980, %sign3A_983 : i32
        %ne3A_985 = arith.cmpi ne, %sign3A_977, %sign3A_984 : i32
        %rem3A_986 = arith.remsi %reduce_max3A_968, %jit3A_969 : i32
        %ne3A_987 = arith.constant 0 : i32
        %ne3A_988 = arith.cmpi ne, %rem3A_986, %ne3A_987 : i32
        %and3A_989 = arith.andi %ne3A_985, %ne3A_988 : i1
        %sub3A_990 = arith.constant 1 : i32
        %sub3A_991 = arith.subi %div3A_970, %sub3A_990 : i32
        %select_n3A_992 = arith.select %and3A_989, %sub3A_991, %div3A_970 : i32
        %mul3A_993 = arith.constant 8 : i32
        %mul3A_994 = arith.muli %select_n3A_992, %mul3A_993 : i32
        %multiple_of3A_995 = tpu.assume_multiple %mul3A_994, 8 : i32
        %sub3A_996 = arith.subi %reduce_max3A_968, %multiple_of3A_995 : i32
        %mul3A_997 = arith.constant 56 : i32
        %mul3A_998 = arith.muli %sub3A_936, %mul3A_997 : i32
        %add3A_999 = arith.addi %reduce_max3A_951, %mul3A_998 : i32
        %mul3A_1000 = arith.constant 4 : i32
        %mul3A_1001 = arith.muli %add3A, %mul3A_1000 : i32
        %add3A_1002 = arith.addi %mul3A_1001, %select_n3A_933 : i32
        %mul3A_1003 = arith.constant 448 : i32
        %mul3A_1004 = arith.muli %add3A_1002, %mul3A_1003 : i32
        %mul3A_1005 = arith.constant 56 : i32
        %mul3A_1006 = arith.muli %sub3A_936, %mul3A_1005 : i32
        %add3A_1007 = arith.addi %mul3A_1004, %mul3A_1006 : i32
        %dma_wait3A_1008 = arith.constant 0 : i32
        %dma_wait3A_1009 = tpu.memref_slice %arg4[%add3A_1007, %dma_wait3A_1008] : memref<57344x448xf32, #tpu.memory_space<hbm>> -> memref<56x448xf32, #tpu.memory_space<hbm>>
        %dma_wait3A_1010 = arith.constant 0 : i32
        %dma_wait3A_1011 = tpu.memref_slice %arg4[%add3A_1007, %dma_wait3A_1010] : memref<57344x448xf32, #tpu.memory_space<hbm>> -> memref<56x448xf32, #tpu.memory_space<hbm>>
        tpu.wait_dma2 semaphore(%arg13 : memref<!tpu.dma_semaphore, #tpu.memory_space<semaphore_mem>>) src(%arg9 : memref<56x448xf32, #tpu.memory_space<vmem>>) dst(%dma_wait3A_1011 : memref<56x448xf32, #tpu.memory_space<hbm>>)
      } else {
      }
      %scan3A_793 = arith.constant 0 : i32
      %scan3A_794 = arith.constant 0 : i32
      %scan3A_795 = arith.constant 56 : i32
      %scan3A_796 = arith.addi %scan3A_794, %scan3A_795 : i32
      %scan3A_797 = arith.constant 1 : i32
      scf.for %scan3A_908 = %scan3A_794 to %scan3A_796 step %scan3A_797  : i32 {
        %add3A_909 = arith.constant 0 : i32
        %add3A_910 = arith.addi %sub3A_676, %add3A_909 : i32
        %get3A_911 = arith.index_cast %scan3A_908 : i32 to index
        %get3A_912 = arith.index_cast %add3A_910 : i32 to index
        %get3A_913 = tpu.vector_load %arg7[%get3A_911, %get3A_912] {strides = array<i32>} : memref<56x456xf32, #tpu.memory_space<vmem>>, vector<16xf32>,
        %swap3A = arith.index_cast %scan3A_908 : i32 to index
        %swap3A_914 = arith.constant 0 : index
        %swap3A_915 = tpu.vector_load %arg9[%swap3A, %swap3A_914] {strides = array<i32>} : memref<56x448xf32, #tpu.memory_space<vmem>>, vector<16xf32>,
        tpu.vector_store %arg9[%swap3A, %swap3A_914], %get3A_913 {strides = array<i32>} : memref<56x448xf32, #tpu.memory_space<vmem>>, vector<16xf32>,
        %add3A_916 = arith.constant 16 : i32
        %add3A_917 = arith.addi %sub3A_676, %add3A_916 : i32
        %get3A_918 = arith.index_cast %scan3A_908 : i32 to index
        %get3A_919 = arith.index_cast %add3A_917 : i32 to index
        %get3A_920 = tpu.vector_load %arg7[%get3A_918, %get3A_919] {strides = array<i32>} : memref<56x456xf32, #tpu.memory_space<vmem>>, vector<16xf32>,
        %swap3A_921 = arith.index_cast %scan3A_908 : i32 to index
        %swap3A_922 = arith.constant 16 : index
        %swap3A_923 = tpu.vector_load %arg9[%swap3A_921, %swap3A_922] {strides = array<i32>} : memref<56x448xf32, #tpu.memory_space<vmem>>, vector<16xf32>,
        tpu.vector_store %arg9[%swap3A_921, %swap3A_922], %get3A_920 {strides = array<i32>} : memref<56x448xf32, #tpu.memory_space<vmem>>, vector<16xf32>,
        %add3A_924 = arith.constant 32 : i32
        %add3A_925 = arith.addi %sub3A_676, %add3A_924 : i32
        %get3A_926 = arith.index_cast %scan3A_908 : i32 to index
        %get3A_927 = arith.index_cast %add3A_925 : i32 to index
        %get3A_928 = tpu.vector_load %arg7[%get3A_926, %get3A_927] {strides = array<i32>} : memref<56x456xf32, #tpu.memory_space<vmem>>, vector<16xf32>,
        %swap3A_929 = arith.index_cast %scan3A_908 : i32 to index
        %swap3A_930 = arith.constant 32 : index
        %swap3A_931 = tpu.vector_load %arg9[%swap3A_929, %swap3A_930] {strides = array<i32>} : memref<56x448xf32, #tpu.memory_space<vmem>>, vector<16xf32>,
        tpu.vector_store %arg9[%swap3A_929, %swap3A_930], %get3A_928 {strides = array<i32>} : memref<56x448xf32, #tpu.memory_space<vmem>>, vector<16xf32>,
        %add3A_932 = arith.constant 48 : i32
        %add3A_933 = arith.addi %sub3A_676, %add3A_932 : i32
        %get3A_934 = arith.index_cast %scan3A_908 : i32 to index
        %get3A_935 = arith.index_cast %add3A_933 : i32 to index
        %get3A_936 = tpu.vector_load %arg7[%get3A_934, %get3A_935] {strides = array<i32>} : memref<56x456xf32, #tpu.memory_space<vmem>>, vector<16xf32>,
        %swap3A_937 = arith.index_cast %scan3A_908 : i32 to index
        %swap3A_938 = arith.constant 48 : index
        %swap3A_939 = tpu.vector_load %arg9[%swap3A_937, %swap3A_938] {strides = array<i32>} : memref<56x448xf32, #tpu.memory_space<vmem>>, vector<16xf32>,
        tpu.vector_store %arg9[%swap3A_937, %swap3A_938], %get3A_936 {strides = array<i32>} : memref<56x448xf32, #tpu.memory_space<vmem>>, vector<16xf32>,
        %add3A_940 = arith.constant 64 : i32
        %add3A_941 = arith.addi %sub3A_676, %add3A_940 : i32
        %get3A_942 = arith.index_cast %scan3A_908 : i32 to index
        %get3A_943 = arith.index_cast %add3A_941 : i32 to index
        %get3A_944 = tpu.vector_load %arg7[%get3A_942, %get3A_943] {strides = array<i32>} : memref<56x456xf32, #tpu.memory_space<vmem>>, vector<16xf32>,
        %swap3A_945 = arith.index_cast %scan3A_908 : i32 to index
        %swap3A_946 = arith.constant 64 : index
        %swap3A_947 = tpu.vector_load %arg9[%swap3A_945, %swap3A_946] {strides = array<i32>} : memref<56x448xf32, #tpu.memory_space<vmem>>, vector<16xf32>,
        tpu.vector_store %arg9[%swap3A_945, %swap3A_946], %get3A_944 {strides = array<i32>} : memref<56x448xf32, #tpu.memory_space<vmem>>, vector<16xf32>,
        %add3A_948 = arith.constant 80 : i32
        %add3A_949 = arith.addi %sub3A_676, %add3A_948 : i32
        %get3A_950 = arith.index_cast %scan3A_908 : i32 to index
        %get3A_951 = arith.index_cast %add3A_949 : i32 to index
        %get3A_952 = tpu.vector_load %arg7[%get3A_950, %get3A_951] {strides = array<i32>} : memref<56x456xf32, #tpu.memory_space<vmem>>, vector<16xf32>,
        %swap3A_953 = arith.index_cast %scan3A_908 : i32 to index
        %swap3A_954 = arith.constant 80 : index
        %swap3A_955 = tpu.vector_load %arg9[%swap3A_953, %swap3A_954] {strides = array<i32>} : memref<56x448xf32, #tpu.memory_space<vmem>>, vector<16xf32>,
        tpu.vector_store %arg9[%swap3A_953, %swap3A_954], %get3A_952 {strides = array<i32>} : memref<56x448xf32, #tpu.memory_space<vmem>>, vector<16xf32>,
        %add3A_956 = arith.constant 96 : i32
        %add3A_957 = arith.addi %sub3A_676, %add3A_956 : i32
        %get3A_958 = arith.index_cast %scan3A_908 : i32 to index
        %get3A_959 = arith.index_cast %add3A_957 : i32 to index
        %get3A_960 = tpu.vector_load %arg7[%get3A_958, %get3A_959] {strides = array<i32>} : memref<56x456xf32, #tpu.memory_space<vmem>>, vector<16xf32>,
        %swap3A_961 = arith.index_cast %scan3A_908 : i32 to index
        %swap3A_962 = arith.constant 96 : index
        %swap3A_963 = tpu.vector_load %arg9[%swap3A_961, %swap3A_962] {strides = array<i32>} : memref<56x448xf32, #tpu.memory_space<vmem>>, vector<16xf32>,
        tpu.vector_store %arg9[%swap3A_961, %swap3A_962], %get3A_960 {strides = array<i32>} : memref<56x448xf32, #tpu.memory_space<vmem>>, vector<16xf32>,
        %add3A_964 = arith.constant 112 : i32
        %add3A_965 = arith.addi %sub3A_676, %add3A_964 : i32
        %get3A_966 = arith.index_cast %scan3A_908 : i32 to index
        %get3A_967 = arith.index_cast %add3A_965 : i32 to index
        %get3A_968 = tpu.vector_load %arg7[%get3A_966, %get3A_967] {strides = array<i32>} : memref<56x456xf32, #tpu.memory_space<vmem>>, vector<16xf32>,
        %swap3A_969 = arith.index_cast %scan3A_908 : i32 to index
        %swap3A_970 = arith.constant 112 : index
        %swap3A_971 = tpu.vector_load %arg9[%swap3A_969, %swap3A_970] {strides = array<i32>} : memref<56x448xf32, #tpu.memory_space<vmem>>, vector<16xf32>,
        tpu.vector_store %arg9[%swap3A_969, %swap3A_970], %get3A_968 {strides = array<i32>} : memref<56x448xf32, #tpu.memory_space<vmem>>, vector<16xf32>,
        %add3A_972 = arith.constant 128 : i32
        %add3A_973 = arith.addi %sub3A_676, %add3A_972 : i32
        %get3A_974 = arith.index_cast %scan3A_908 : i32 to index
        %get3A_975 = arith.index_cast %add3A_973 : i32 to index
        %get3A_976 = tpu.vector_load %arg7[%get3A_974, %get3A_975] {strides = array<i32>} : memref<56x456xf32, #tpu.memory_space<vmem>>, vector<16xf32>,
        %swap3A_977 = arith.index_cast %scan3A_908 : i32 to index
        %swap3A_978 = arith.constant 128 : index
        %swap3A_979 = tpu.vector_load %arg9[%swap3A_977, %swap3A_978] {strides = array<i32>} : memref<56x448xf32, #tpu.memory_space<vmem>>, vector<16xf32>,
        tpu.vector_store %arg9[%swap3A_977, %swap3A_978], %get3A_976 {strides = array<i32>} : memref<56x448xf32, #tpu.memory_space<vmem>>, vector<16xf32>,
        %add3A_980 = arith.constant 144 : i32
        %add3A_981 = arith.addi %sub3A_676, %add3A_980 : i32
        %get3A_982 = arith.index_cast %scan3A_908 : i32 to index
        %get3A_983 = arith.index_cast %add3A_981 : i32 to index
        %get3A_984 = tpu.vector_load %arg7[%get3A_982, %get3A_983] {strides = array<i32>} : memref<56x456xf32, #tpu.memory_space<vmem>>, vector<16xf32>,
        %swap3A_985 = arith.index_cast %scan3A_908 : i32 to index
        %swap3A_986 = arith.constant 144 : index
        %swap3A_987 = tpu.vector_load %arg9[%swap3A_985, %swap3A_986] {strides = array<i32>} : memref<56x448xf32, #tpu.memory_space<vmem>>, vector<16xf32>,
        tpu.vector_store %arg9[%swap3A_985, %swap3A_986], %get3A_984 {strides = array<i32>} : memref<56x448xf32, #tpu.memory_space<vmem>>, vector<16xf32>,
        %add3A_988 = arith.constant 160 : i32
        %add3A_989 = arith.addi %sub3A_676, %add3A_988 : i32
        %get3A_990 = arith.index_cast %scan3A_908 : i32 to index
        %get3A_991 = arith.index_cast %add3A_989 : i32 to index
        %get3A_992 = tpu.vector_load %arg7[%get3A_990, %get3A_991] {strides = array<i32>} : memref<56x456xf32, #tpu.memory_space<vmem>>, vector<16xf32>,
        %swap3A_993 = arith.index_cast %scan3A_908 : i32 to index
        %swap3A_994 = arith.constant 160 : index
        %swap3A_995 = tpu.vector_load %arg9[%swap3A_993, %swap3A_994] {strides = array<i32>} : memref<56x448xf32, #tpu.memory_space<vmem>>, vector<16xf32>,
        tpu.vector_store %arg9[%swap3A_993, %swap3A_994], %get3A_992 {strides = array<i32>} : memref<56x448xf32, #tpu.memory_space<vmem>>, vector<16xf32>,
        %add3A_996 = arith.constant 176 : i32
        %add3A_997 = arith.addi %sub3A_676, %add3A_996 : i32
        %get3A_998 = arith.index_cast %scan3A_908 : i32 to index
        %get3A_999 = arith.index_cast %add3A_997 : i32 to index
        %get3A_1000 = tpu.vector_load %arg7[%get3A_998, %get3A_999] {strides = array<i32>} : memref<56x456xf32, #tpu.memory_space<vmem>>, vector<16xf32>,
        %swap3A_1001 = arith.index_cast %scan3A_908 : i32 to index
        %swap3A_1002 = arith.constant 176 : index
        %swap3A_1003 = tpu.vector_load %arg9[%swap3A_1001, %swap3A_1002] {strides = array<i32>} : memref<56x448xf32, #tpu.memory_space<vmem>>, vector<16xf32>,
        tpu.vector_store %arg9[%swap3A_1001, %swap3A_1002], %get3A_1000 {strides = array<i32>} : memref<56x448xf32, #tpu.memory_space<vmem>>, vector<16xf32>,
        %add3A_1004 = arith.constant 192 : i32
        %add3A_1005 = arith.addi %sub3A_676, %add3A_1004 : i32
        %get3A_1006 = arith.index_cast %scan3A_908 : i32 to index
        %get3A_1007 = arith.index_cast %add3A_1005 : i32 to index
        %get3A_1008 = tpu.vector_load %arg7[%get3A_1006, %get3A_1007] {strides = array<i32>} : memref<56x456xf32, #tpu.memory_space<vmem>>, vector<16xf32>,
        %swap3A_1009 = arith.index_cast %scan3A_908 : i32 to index
        %swap3A_1010 = arith.constant 192 : index
        %swap3A_1011 = tpu.vector_load %arg9[%swap3A_1009, %swap3A_1010] {strides = array<i32>} : memref<56x448xf32, #tpu.memory_space<vmem>>, vector<16xf32>,
        tpu.vector_store %arg9[%swap3A_1009, %swap3A_1010], %get3A_1008 {strides = array<i32>} : memref<56x448xf32, #tpu.memory_space<vmem>>, vector<16xf32>,
        %add3A_1012 = arith.constant 208 : i32
        %add3A_1013 = arith.addi %sub3A_676, %add3A_1012 : i32
        %get3A_1014 = arith.index_cast %scan3A_908 : i32 to index
        %get3A_1015 = arith.index_cast %add3A_1013 : i32 to index
        %get3A_1016 = tpu.vector_load %arg7[%get3A_1014, %get3A_1015] {strides = array<i32>} : memref<56x456xf32, #tpu.memory_space<vmem>>, vector<16xf32>,
        %swap3A_1017 = arith.index_cast %scan3A_908 : i32 to index
        %swap3A_1018 = arith.constant 208 : index
        %swap3A_1019 = tpu.vector_load %arg9[%swap3A_1017, %swap3A_1018] {strides = array<i32>} : memref<56x448xf32, #tpu.memory_space<vmem>>, vector<16xf32>,
        tpu.vector_store %arg9[%swap3A_1017, %swap3A_1018], %get3A_1016 {strides = array<i32>} : memref<56x448xf32, #tpu.memory_space<vmem>>, vector<16xf32>,
        %add3A_1020 = arith.constant 224 : i32
        %add3A_1021 = arith.addi %sub3A_676, %add3A_1020 : i32
        %get3A_1022 = arith.index_cast %scan3A_908 : i32 to index
        %get3A_1023 = arith.index_cast %add3A_1021 : i32 to index
        %get3A_1024 = tpu.vector_load %arg7[%get3A_1022, %get3A_1023] {strides = array<i32>} : memref<56x456xf32, #tpu.memory_space<vmem>>, vector<16xf32>,
        %swap3A_1025 = arith.index_cast %scan3A_908 : i32 to index
        %swap3A_1026 = arith.constant 224 : index
        %swap3A_1027 = tpu.vector_load %arg9[%swap3A_1025, %swap3A_1026] {strides = array<i32>} : memref<56x448xf32, #tpu.memory_space<vmem>>, vector<16xf32>,
        tpu.vector_store %arg9[%swap3A_1025, %swap3A_1026], %get3A_1024 {strides = array<i32>} : memref<56x448xf32, #tpu.memory_space<vmem>>, vector<16xf32>,
        %add3A_1028 = arith.constant 240 : i32
        %add3A_1029 = arith.addi %sub3A_676, %add3A_1028 : i32
        %get3A_1030 = arith.index_cast %scan3A_908 : i32 to index
        %get3A_1031 = arith.index_cast %add3A_1029 : i32 to index
        %get3A_1032 = tpu.vector_load %arg7[%get3A_1030, %get3A_1031] {strides = array<i32>} : memref<56x456xf32, #tpu.memory_space<vmem>>, vector<16xf32>,
        %swap3A_1033 = arith.index_cast %scan3A_908 : i32 to index
        %swap3A_1034 = arith.constant 240 : index
        %swap3A_1035 = tpu.vector_load %arg9[%swap3A_1033, %swap3A_1034] {strides = array<i32>} : memref<56x448xf32, #tpu.memory_space<vmem>>, vector<16xf32>,
        tpu.vector_store %arg9[%swap3A_1033, %swap3A_1034], %get3A_1032 {strides = array<i32>} : memref<56x448xf32, #tpu.memory_space<vmem>>, vector<16xf32>,
        %add3A_1036 = arith.constant 256 : i32
        %add3A_1037 = arith.addi %sub3A_676, %add3A_1036 : i32
        %get3A_1038 = arith.index_cast %scan3A_908 : i32 to index
        %get3A_1039 = arith.index_cast %add3A_1037 : i32 to index
        %get3A_1040 = tpu.vector_load %arg7[%get3A_1038, %get3A_1039] {strides = array<i32>} : memref<56x456xf32, #tpu.memory_space<vmem>>, vector<16xf32>,
        %swap3A_1041 = arith.index_cast %scan3A_908 : i32 to index
        %swap3A_1042 = arith.constant 256 : index
        %swap3A_1043 = tpu.vector_load %arg9[%swap3A_1041, %swap3A_1042] {strides = array<i32>} : memref<56x448xf32, #tpu.memory_space<vmem>>, vector<16xf32>,
        tpu.vector_store %arg9[%swap3A_1041, %swap3A_1042], %get3A_1040 {strides = array<i32>} : memref<56x448xf32, #tpu.memory_space<vmem>>, vector<16xf32>,
        %add3A_1044 = arith.constant 272 : i32
        %add3A_1045 = arith.addi %sub3A_676, %add3A_1044 : i32
        %get3A_1046 = arith.index_cast %scan3A_908 : i32 to index
        %get3A_1047 = arith.index_cast %add3A_1045 : i32 to index
        %get3A_1048 = tpu.vector_load %arg7[%get3A_1046, %get3A_1047] {strides = array<i32>} : memref<56x456xf32, #tpu.memory_space<vmem>>, vector<16xf32>,
        %swap3A_1049 = arith.index_cast %scan3A_908 : i32 to index
        %swap3A_1050 = arith.constant 272 : index
        %swap3A_1051 = tpu.vector_load %arg9[%swap3A_1049, %swap3A_1050] {strides = array<i32>} : memref<56x448xf32, #tpu.memory_space<vmem>>, vector<16xf32>,
        tpu.vector_store %arg9[%swap3A_1049, %swap3A_1050], %get3A_1048 {strides = array<i32>} : memref<56x448xf32, #tpu.memory_space<vmem>>, vector<16xf32>,
        %add3A_1052 = arith.constant 288 : i32
        %add3A_1053 = arith.addi %sub3A_676, %add3A_1052 : i32
        %get3A_1054 = arith.index_cast %scan3A_908 : i32 to index
        %get3A_1055 = arith.index_cast %add3A_1053 : i32 to index
        %get3A_1056 = tpu.vector_load %arg7[%get3A_1054, %get3A_1055] {strides = array<i32>} : memref<56x456xf32, #tpu.memory_space<vmem>>, vector<16xf32>,
        %swap3A_1057 = arith.index_cast %scan3A_908 : i32 to index
        %swap3A_1058 = arith.constant 288 : index
        %swap3A_1059 = tpu.vector_load %arg9[%swap3A_1057, %swap3A_1058] {strides = array<i32>} : memref<56x448xf32, #tpu.memory_space<vmem>>, vector<16xf32>,
        tpu.vector_store %arg9[%swap3A_1057, %swap3A_1058], %get3A_1056 {strides = array<i32>} : memref<56x448xf32, #tpu.memory_space<vmem>>, vector<16xf32>,
        %add3A_1060 = arith.constant 304 : i32
        %add3A_1061 = arith.addi %sub3A_676, %add3A_1060 : i32
        %get3A_1062 = arith.index_cast %scan3A_908 : i32 to index
        %get3A_1063 = arith.index_cast %add3A_1061 : i32 to index
        %get3A_1064 = tpu.vector_load %arg7[%get3A_1062, %get3A_1063] {strides = array<i32>} : memref<56x456xf32, #tpu.memory_space<vmem>>, vector<16xf32>,
        %swap3A_1065 = arith.index_cast %scan3A_908 : i32 to index
        %swap3A_1066 = arith.constant 304 : index
        %swap3A_1067 = tpu.vector_load %arg9[%swap3A_1065, %swap3A_1066] {strides = array<i32>} : memref<56x448xf32, #tpu.memory_space<vmem>>, vector<16xf32>,
        tpu.vector_store %arg9[%swap3A_1065, %swap3A_1066], %get3A_1064 {strides = array<i32>} : memref<56x448xf32, #tpu.memory_space<vmem>>, vector<16xf32>,
        %add3A_1068 = arith.constant 320 : i32
        %add3A_1069 = arith.addi %sub3A_676, %add3A_1068 : i32
        %get3A_1070 = arith.index_cast %scan3A_908 : i32 to index
        %get3A_1071 = arith.index_cast %add3A_1069 : i32 to index
        %get3A_1072 = tpu.vector_load %arg7[%get3A_1070, %get3A_1071] {strides = array<i32>} : memref<56x456xf32, #tpu.memory_space<vmem>>, vector<16xf32>,
        %swap3A_1073 = arith.index_cast %scan3A_908 : i32 to index
        %swap3A_1074 = arith.constant 320 : index
        %swap3A_1075 = tpu.vector_load %arg9[%swap3A_1073, %swap3A_1074] {strides = array<i32>} : memref<56x448xf32, #tpu.memory_space<vmem>>, vector<16xf32>,
        tpu.vector_store %arg9[%swap3A_1073, %swap3A_1074], %get3A_1072 {strides = array<i32>} : memref<56x448xf32, #tpu.memory_space<vmem>>, vector<16xf32>,
        %add3A_1076 = arith.constant 336 : i32
        %add3A_1077 = arith.addi %sub3A_676, %add3A_1076 : i32
        %get3A_1078 = arith.index_cast %scan3A_908 : i32 to index
        %get3A_1079 = arith.index_cast %add3A_1077 : i32 to index
        %get3A_1080 = tpu.vector_load %arg7[%get3A_1078, %get3A_1079] {strides = array<i32>} : memref<56x456xf32, #tpu.memory_space<vmem>>, vector<16xf32>,
        %swap3A_1081 = arith.index_cast %scan3A_908 : i32 to index
        %swap3A_1082 = arith.constant 336 : index
        %swap3A_1083 = tpu.vector_load %arg9[%swap3A_1081, %swap3A_1082] {strides = array<i32>} : memref<56x448xf32, #tpu.memory_space<vmem>>, vector<16xf32>,
        tpu.vector_store %arg9[%swap3A_1081, %swap3A_1082], %get3A_1080 {strides = array<i32>} : memref<56x448xf32, #tpu.memory_space<vmem>>, vector<16xf32>,
        %add3A_1084 = arith.constant 352 : i32
        %add3A_1085 = arith.addi %sub3A_676, %add3A_1084 : i32
        %get3A_1086 = arith.index_cast %scan3A_908 : i32 to index
        %get3A_1087 = arith.index_cast %add3A_1085 : i32 to index
        %get3A_1088 = tpu.vector_load %arg7[%get3A_1086, %get3A_1087] {strides = array<i32>} : memref<56x456xf32, #tpu.memory_space<vmem>>, vector<16xf32>,
        %swap3A_1089 = arith.index_cast %scan3A_908 : i32 to index
        %swap3A_1090 = arith.constant 352 : index
        %swap3A_1091 = tpu.vector_load %arg9[%swap3A_1089, %swap3A_1090] {strides = array<i32>} : memref<56x448xf32, #tpu.memory_space<vmem>>, vector<16xf32>,
        tpu.vector_store %arg9[%swap3A_1089, %swap3A_1090], %get3A_1088 {strides = array<i32>} : memref<56x448xf32, #tpu.memory_space<vmem>>, vector<16xf32>,
        %add3A_1092 = arith.constant 368 : i32
        %add3A_1093 = arith.addi %sub3A_676, %add3A_1092 : i32
        %get3A_1094 = arith.index_cast %scan3A_908 : i32 to index
        %get3A_1095 = arith.index_cast %add3A_1093 : i32 to index
        %get3A_1096 = tpu.vector_load %arg7[%get3A_1094, %get3A_1095] {strides = array<i32>} : memref<56x456xf32, #tpu.memory_space<vmem>>, vector<16xf32>,
        %swap3A_1097 = arith.index_cast %scan3A_908 : i32 to index
        %swap3A_1098 = arith.constant 368 : index
        %swap3A_1099 = tpu.vector_load %arg9[%swap3A_1097, %swap3A_1098] {strides = array<i32>} : memref<56x448xf32, #tpu.memory_space<vmem>>, vector<16xf32>,
        tpu.vector_store %arg9[%swap3A_1097, %swap3A_1098], %get3A_1096 {strides = array<i32>} : memref<56x448xf32, #tpu.memory_space<vmem>>, vector<16xf32>,
        %add3A_1100 = arith.constant 384 : i32
        %add3A_1101 = arith.addi %sub3A_676, %add3A_1100 : i32
        %get3A_1102 = arith.index_cast %scan3A_908 : i32 to index
        %get3A_1103 = arith.index_cast %add3A_1101 : i32 to index
        %get3A_1104 = tpu.vector_load %arg7[%get3A_1102, %get3A_1103] {strides = array<i32>} : memref<56x456xf32, #tpu.memory_space<vmem>>, vector<16xf32>,
        %swap3A_1105 = arith.index_cast %scan3A_908 : i32 to index
        %swap3A_1106 = arith.constant 384 : index
        %swap3A_1107 = tpu.vector_load %arg9[%swap3A_1105, %swap3A_1106] {strides = array<i32>} : memref<56x448xf32, #tpu.memory_space<vmem>>, vector<16xf32>,
        tpu.vector_store %arg9[%swap3A_1105, %swap3A_1106], %get3A_1104 {strides = array<i32>} : memref<56x448xf32, #tpu.memory_space<vmem>>, vector<16xf32>,
        %add3A_1108 = arith.constant 400 : i32
        %add3A_1109 = arith.addi %sub3A_676, %add3A_1108 : i32
        %get3A_1110 = arith.index_cast %scan3A_908 : i32 to index
        %get3A_1111 = arith.index_cast %add3A_1109 : i32 to index
        %get3A_1112 = tpu.vector_load %arg7[%get3A_1110, %get3A_1111] {strides = array<i32>} : memref<56x456xf32, #tpu.memory_space<vmem>>, vector<16xf32>,
        %swap3A_1113 = arith.index_cast %scan3A_908 : i32 to index
        %swap3A_1114 = arith.constant 400 : index
        %swap3A_1115 = tpu.vector_load %arg9[%swap3A_1113, %swap3A_1114] {strides = array<i32>} : memref<56x448xf32, #tpu.memory_space<vmem>>, vector<16xf32>,
        tpu.vector_store %arg9[%swap3A_1113, %swap3A_1114], %get3A_1112 {strides = array<i32>} : memref<56x448xf32, #tpu.memory_space<vmem>>, vector<16xf32>,
        %add3A_1116 = arith.constant 416 : i32
        %add3A_1117 = arith.addi %sub3A_676, %add3A_1116 : i32
        %get3A_1118 = arith.index_cast %scan3A_908 : i32 to index
        %get3A_1119 = arith.index_cast %add3A_1117 : i32 to index
        %get3A_1120 = tpu.vector_load %arg7[%get3A_1118, %get3A_1119] {strides = array<i32>} : memref<56x456xf32, #tpu.memory_space<vmem>>, vector<16xf32>,
        %swap3A_1121 = arith.index_cast %scan3A_908 : i32 to index
        %swap3A_1122 = arith.constant 416 : index
        %swap3A_1123 = tpu.vector_load %arg9[%swap3A_1121, %swap3A_1122] {strides = array<i32>} : memref<56x448xf32, #tpu.memory_space<vmem>>, vector<16xf32>,
        tpu.vector_store %arg9[%swap3A_1121, %swap3A_1122], %get3A_1120 {strides = array<i32>} : memref<56x448xf32, #tpu.memory_space<vmem>>, vector<16xf32>,
        %add3A_1124 = arith.constant 432 : i32
        %add3A_1125 = arith.addi %sub3A_676, %add3A_1124 : i32
        %get3A_1126 = arith.index_cast %scan3A_908 : i32 to index
        %get3A_1127 = arith.index_cast %add3A_1125 : i32 to index
        %get3A_1128 = tpu.vector_load %arg7[%get3A_1126, %get3A_1127] {strides = array<i32>} : memref<56x456xf32, #tpu.memory_space<vmem>>, vector<16xf32>,
        %swap3A_1129 = arith.index_cast %scan3A_908 : i32 to index
        %swap3A_1130 = arith.constant 432 : index
        %swap3A_1131 = tpu.vector_load %arg9[%swap3A_1129, %swap3A_1130] {strides = array<i32>} : memref<56x448xf32, #tpu.memory_space<vmem>>, vector<16xf32>,
        tpu.vector_store %arg9[%swap3A_1129, %swap3A_1130], %get3A_1128 {strides = array<i32>} : memref<56x448xf32, #tpu.memory_space<vmem>>, vector<16xf32>,
      }
      %scan3A_798 = arith.constant 56 : i32
      %add3A_799 = arith.constant 2 : i32
      %add3A_800 = arith.addi %add3A_589, %add3A_799 : i32
      %lt3A_801 = arith.constant 32 : i32
      %lt3A_802 = arith.cmpi slt, %add3A_800, %lt3A_801 : i32
      %convert_element_type3A_803 = arith.extui %lt3A_802 : i1 to i32
      %cond3A_804 = arith.constant 0 : i32
      %cond3A_805 = arith.cmpi ne, %convert_element_type3A_803, %cond3A_804 : i32
      scf.if %cond3A_805 {
        %add3A_908 = arith.constant 2 : i32
        %add3A_909 = arith.addi %add3A_589, %add3A_908 : i32
        %jit3A_910 = arith.constant 8 : i32
        %div3A_911 = arith.divsi %add3A_909, %jit3A_910 : i32
        %sign3A_912 = arith.constant 0 : i32
        %sign3A_913 = arith.cmpi sgt, %add3A_909, %sign3A_912 : i32
        %sign3A_914 = arith.extui %sign3A_913 : i1 to i32
        %sign3A_915 = arith.constant 0 : i32
        %sign3A_916 = arith.cmpi slt, %add3A_909, %sign3A_915 : i32
        %sign3A_917 = arith.extui %sign3A_916 : i1 to i32
        %sign3A_918 = arith.subi %sign3A_914, %sign3A_917 : i32
        %sign3A_919 = arith.constant 0 : i32
        %sign3A_920 = arith.cmpi sgt, %jit3A_910, %sign3A_919 : i32
        %sign3A_921 = arith.extui %sign3A_920 : i1 to i32
        %sign3A_922 = arith.constant 0 : i32
        %sign3A_923 = arith.cmpi slt, %jit3A_910, %sign3A_922 : i32
        %sign3A_924 = arith.extui %sign3A_923 : i1 to i32
        %sign3A_925 = arith.subi %sign3A_921, %sign3A_924 : i32
        %ne3A_926 = arith.cmpi ne, %sign3A_918, %sign3A_925 : i32
        %rem3A_927 = arith.remsi %add3A_909, %jit3A_910 : i32
        %ne3A_928 = arith.constant 0 : i32
        %ne3A_929 = arith.cmpi ne, %rem3A_927, %ne3A_928 : i32
        %and3A_930 = arith.andi %ne3A_926, %ne3A_929 : i1
        %sub3A_931 = arith.constant 1 : i32
        %sub3A_932 = arith.subi %div3A_911, %sub3A_931 : i32
        %select_n3A_933 = arith.select %and3A_930, %sub3A_932, %div3A_911 : i32
        %mul3A_934 = arith.constant 8 : i32
        %mul3A_935 = arith.muli %select_n3A_933, %mul3A_934 : i32
        %sub3A_936 = arith.subi %add3A_909, %mul3A_935 : i32
        %mul3A_937 = arith.constant 2 : i32
        %mul3A_938 = arith.muli %mul3A_937, %select_n3A_933 : i32
        %eq3A_939 = vector.broadcast %mul3A_938 : i32 to vector<16xi32>
        %eq3A_940 = arith.cmpi eq, %iota3A, %eq3A_939 : vector<16xi32>
        %jit3A_941 = arith.constant 0 : i32
        %broadcast_in_dim3A_942 = vector.broadcast %jit3A_941 : i32 to vector<16xi32>
        %select_n3A_943 = arith.select %eq3A_940, %get3A_1, %broadcast_in_dim3A_942 : vector<16xi1>, vector<16xi32>
        %reduce_max3A_944 = arith.constant true
        %reduce_max3A_945 = vector.broadcast %reduce_max3A_944 : i1 to vector<16xi1>
        %reduce_max3A_946 = arith.constant -2147483648 : i32
        %reduce_max3A_947 = vector.broadcast %reduce_max3A_946 : i32 to vector<16xi32>
        %reduce_max3A_948 = arith.xori %select_n3A_943, %reduce_max3A_947 : vector<16xi32>
        %reduce_max3A_949 = tpu.scan <max>, %reduce_max3A_948 masked %reduce_max3A_945 : vector<16xi32>, vector<16xi1> -> vector<16xi32>
        %reduce_max3A_950 = arith.xori %reduce_max3A_949, %reduce_max3A_947 : vector<16xi32>
        %reduce_max3A_951 = vector.extract %reduce_max3A_950[15] : i32 from vector<16xi32>
        %mul3A_952 = arith.constant 2 : i32
        %mul3A_953 = arith.muli %mul3A_952, %select_n3A_933 : i32
        %add3A_954 = arith.constant 1 : i32
        %add3A_955 = arith.addi %mul3A_953, %add3A_954 : i32
        %eq3A_956 = vector.broadcast %add3A_955 : i32 to vector<16xi32>
        %eq3A_957 = arith.cmpi eq, %iota3A, %eq3A_956 : vector<16xi32>
        %jit3A_958 = arith.constant 0 : i32
        %broadcast_in_dim3A_959 = vector.broadcast %jit3A_958 : i32 to vector<16xi32>
        %select_n3A_960 = arith.select %eq3A_957, %get3A_1, %broadcast_in_dim3A_959 : vector<16xi1>, vector<16xi32>
        %reduce_max3A_961 = arith.constant true
        %reduce_max3A_962 = vector.broadcast %reduce_max3A_961 : i1 to vector<16xi1>
        %reduce_max3A_963 = arith.constant -2147483648 : i32
        %reduce_max3A_964 = vector.broadcast %reduce_max3A_963 : i32 to vector<16xi32>
        %reduce_max3A_965 = arith.xori %select_n3A_960, %reduce_max3A_964 : vector<16xi32>
        %reduce_max3A_966 = tpu.scan <max>, %reduce_max3A_965 masked %reduce_max3A_962 : vector<16xi32>, vector<16xi1> -> vector<16xi32>
        %reduce_max3A_967 = arith.xori %reduce_max3A_966, %reduce_max3A_964 : vector<16xi32>
        %reduce_max3A_968 = vector.extract %reduce_max3A_967[15] : i32 from vector<16xi32>
        %jit3A_969 = arith.constant 8 : i32
        %div3A_970 = arith.divsi %reduce_max3A_968, %jit3A_969 : i32
        %sign3A_971 = arith.constant 0 : i32
        %sign3A_972 = arith.cmpi sgt, %reduce_max3A_968, %sign3A_971 : i32
        %sign3A_973 = arith.extui %sign3A_972 : i1 to i32
        %sign3A_974 = arith.constant 0 : i32
        %sign3A_975 = arith.cmpi slt, %reduce_max3A_968, %sign3A_974 : i32
        %sign3A_976 = arith.extui %sign3A_975 : i1 to i32
        %sign3A_977 = arith.subi %sign3A_973, %sign3A_976 : i32
        %sign3A_978 = arith.constant 0 : i32
        %sign3A_979 = arith.cmpi sgt, %jit3A_969, %sign3A_978 : i32
        %sign3A_980 = arith.extui %sign3A_979 : i1 to i32
        %sign3A_981 = arith.constant 0 : i32
        %sign3A_982 = arith.cmpi slt, %jit3A_969, %sign3A_981 : i32
        %sign3A_983 = arith.extui %sign3A_982 : i1 to i32
        %sign3A_984 = arith.subi %sign3A_980, %sign3A_983 : i32
        %ne3A_985 = arith.cmpi ne, %sign3A_977, %sign3A_984 : i32
        %rem3A_986 = arith.remsi %reduce_max3A_968, %jit3A_969 : i32
        %ne3A_987 = arith.constant 0 : i32
        %ne3A_988 = arith.cmpi ne, %rem3A_986, %ne3A_987 : i32
        %and3A_989 = arith.andi %ne3A_985, %ne3A_988 : i1
        %sub3A_990 = arith.constant 1 : i32
        %sub3A_991 = arith.subi %div3A_970, %sub3A_990 : i32
        %select_n3A_992 = arith.select %and3A_989, %sub3A_991, %div3A_970 : i32
        %mul3A_993 = arith.constant 8 : i32
        %mul3A_994 = arith.muli %select_n3A_992, %mul3A_993 : i32
        %multiple_of3A_995 = tpu.assume_multiple %mul3A_994, 8 : i32
        %sub3A_996 = arith.subi %reduce_max3A_968, %multiple_of3A_995 : i32
        %mul3A_997 = arith.constant 56 : i32
        %mul3A_998 = arith.muli %sub3A_936, %mul3A_997 : i32
        %add3A_999 = arith.addi %reduce_max3A_951, %mul3A_998 : i32
        %mul3A_1000 = arith.constant 4 : i32
        %mul3A_1001 = arith.muli %add3A, %mul3A_1000 : i32
        %add3A_1002 = arith.addi %mul3A_1001, %select_n3A_933 : i32
        %mul3A_1003 = arith.constant 448 : i32
        %mul3A_1004 = arith.muli %add3A_1002, %mul3A_1003 : i32
        %mul3A_1005 = arith.constant 56 : i32
        %mul3A_1006 = arith.muli %sub3A_936, %mul3A_1005 : i32
        %add3A_1007 = arith.addi %mul3A_1004, %mul3A_1006 : i32
        %dma_start3A_1008 = tpu.memref_slice %arg2[%add3A_999, %multiple_of3A_995] : memref<65536x512xf32, #tpu.memory_space<hbm>> -> memref<56x456xf32, #tpu.memory_space<hbm>>
        %dma_start3A_1009 = tpu.memref_slice %arg2[%add3A_999, %multiple_of3A_995] : memref<65536x512xf32, #tpu.memory_space<hbm>> -> memref<56x456xf32, #tpu.memory_space<hbm>>
        tpu.enqueue_dma source(%dma_start3A_1009 : memref<56x456xf32, #tpu.memory_space<hbm>>) target(%arg7 : memref<56x456xf32, #tpu.memory_space<vmem>>) target_semaphore(%arg11 : memref<!tpu.dma_semaphore, #tpu.memory_space<semaphore_mem>>)
      } else {
      }
      %jit3A_806 = arith.constant 8 : i32
      %div3A_807 = arith.divsi %add3A_589, %jit3A_806 : i32
      %sign3A_808 = arith.constant 0 : i32
      %sign3A_809 = arith.cmpi sgt, %add3A_589, %sign3A_808 : i32
      %sign3A_810 = arith.extui %sign3A_809 : i1 to i32
      %sign3A_811 = arith.constant 0 : i32
      %sign3A_812 = arith.cmpi slt, %add3A_589, %sign3A_811 : i32
      %sign3A_813 = arith.extui %sign3A_812 : i1 to i32
      %sign3A_814 = arith.subi %sign3A_810, %sign3A_813 : i32
      %sign3A_815 = arith.constant 0 : i32
      %sign3A_816 = arith.cmpi sgt, %jit3A_806, %sign3A_815 : i32
      %sign3A_817 = arith.extui %sign3A_816 : i1 to i32
      %sign3A_818 = arith.constant 0 : i32
      %sign3A_819 = arith.cmpi slt, %jit3A_806, %sign3A_818 : i32
      %sign3A_820 = arith.extui %sign3A_819 : i1 to i32
      %sign3A_821 = arith.subi %sign3A_817, %sign3A_820 : i32
      %ne3A_822 = arith.cmpi ne, %sign3A_814, %sign3A_821 : i32
      %rem3A_823 = arith.remsi %add3A_589, %jit3A_806 : i32
      %ne3A_824 = arith.constant 0 : i32
      %ne3A_825 = arith.cmpi ne, %rem3A_823, %ne3A_824 : i32
      %and3A_826 = arith.andi %ne3A_822, %ne3A_825 : i1
      %sub3A_827 = arith.constant 1 : i32
      %sub3A_828 = arith.subi %div3A_807, %sub3A_827 : i32
      %select_n3A_829 = arith.select %and3A_826, %sub3A_828, %div3A_807 : i32
      %mul3A_830 = arith.constant 8 : i32
      %mul3A_831 = arith.muli %select_n3A_829, %mul3A_830 : i32
      %sub3A_832 = arith.subi %add3A_589, %mul3A_831 : i32
      %mul3A_833 = arith.constant 2 : i32
      %mul3A_834 = arith.muli %mul3A_833, %select_n3A_829 : i32
      %eq3A_835 = vector.broadcast %mul3A_834 : i32 to vector<16xi32>
      %eq3A_836 = arith.cmpi eq, %iota3A, %eq3A_835 : vector<16xi32>
      %jit3A_837 = arith.constant 0 : i32
      %broadcast_in_dim3A_838 = vector.broadcast %jit3A_837 : i32 to vector<16xi32>
      %select_n3A_839 = arith.select %eq3A_836, %get3A_1, %broadcast_in_dim3A_838 : vector<16xi1>, vector<16xi32>
      %reduce_max3A_840 = arith.constant true
      %reduce_max3A_841 = vector.broadcast %reduce_max3A_840 : i1 to vector<16xi1>
      %reduce_max3A_842 = arith.constant -2147483648 : i32
      %reduce_max3A_843 = vector.broadcast %reduce_max3A_842 : i32 to vector<16xi32>
      %reduce_max3A_844 = arith.xori %select_n3A_839, %reduce_max3A_843 : vector<16xi32>
      %reduce_max3A_845 = tpu.scan <max>, %reduce_max3A_844 masked %reduce_max3A_841 : vector<16xi32>, vector<16xi1> -> vector<16xi32>
      %reduce_max3A_846 = arith.xori %reduce_max3A_845, %reduce_max3A_843 : vector<16xi32>
      %reduce_max3A_847 = vector.extract %reduce_max3A_846[15] : i32 from vector<16xi32>
      %mul3A_848 = arith.constant 2 : i32
      %mul3A_849 = arith.muli %mul3A_848, %select_n3A_829 : i32
      %add3A_850 = arith.constant 1 : i32
      %add3A_851 = arith.addi %mul3A_849, %add3A_850 : i32
      %eq3A_852 = vector.broadcast %add3A_851 : i32 to vector<16xi32>
      %eq3A_853 = arith.cmpi eq, %iota3A, %eq3A_852 : vector<16xi32>
      %jit3A_854 = arith.constant 0 : i32
      %broadcast_in_dim3A_855 = vector.broadcast %jit3A_854 : i32 to vector<16xi32>
      %select_n3A_856 = arith.select %eq3A_853, %get3A_1, %broadcast_in_dim3A_855 : vector<16xi1>, vector<16xi32>
      %reduce_max3A_857 = arith.constant true
      %reduce_max3A_858 = vector.broadcast %reduce_max3A_857 : i1 to vector<16xi1>
      %reduce_max3A_859 = arith.constant -2147483648 : i32
      %reduce_max3A_860 = vector.broadcast %reduce_max3A_859 : i32 to vector<16xi32>
      %reduce_max3A_861 = arith.xori %select_n3A_856, %reduce_max3A_860 : vector<16xi32>
      %reduce_max3A_862 = tpu.scan <max>, %reduce_max3A_861 masked %reduce_max3A_858 : vector<16xi32>, vector<16xi1> -> vector<16xi32>
      %reduce_max3A_863 = arith.xori %reduce_max3A_862, %reduce_max3A_860 : vector<16xi32>
      %reduce_max3A_864 = vector.extract %reduce_max3A_863[15] : i32 from vector<16xi32>
      %jit3A_865 = arith.constant 8 : i32
      %div3A_866 = arith.divsi %reduce_max3A_864, %jit3A_865 : i32
      %sign3A_867 = arith.constant 0 : i32
      %sign3A_868 = arith.cmpi sgt, %reduce_max3A_864, %sign3A_867 : i32
      %sign3A_869 = arith.extui %sign3A_868 : i1 to i32
      %sign3A_870 = arith.constant 0 : i32
      %sign3A_871 = arith.cmpi slt, %reduce_max3A_864, %sign3A_870 : i32
      %sign3A_872 = arith.extui %sign3A_871 : i1 to i32
      %sign3A_873 = arith.subi %sign3A_869, %sign3A_872 : i32
      %sign3A_874 = arith.constant 0 : i32
      %sign3A_875 = arith.cmpi sgt, %jit3A_865, %sign3A_874 : i32
      %sign3A_876 = arith.extui %sign3A_875 : i1 to i32
      %sign3A_877 = arith.constant 0 : i32
      %sign3A_878 = arith.cmpi slt, %jit3A_865, %sign3A_877 : i32
      %sign3A_879 = arith.extui %sign3A_878 : i1 to i32
      %sign3A_880 = arith.subi %sign3A_876, %sign3A_879 : i32
      %ne3A_881 = arith.cmpi ne, %sign3A_873, %sign3A_880 : i32
      %rem3A_882 = arith.remsi %reduce_max3A_864, %jit3A_865 : i32
      %ne3A_883 = arith.constant 0 : i32
      %ne3A_884 = arith.cmpi ne, %rem3A_882, %ne3A_883 : i32
      %and3A_885 = arith.andi %ne3A_881, %ne3A_884 : i1
      %sub3A_886 = arith.constant 1 : i32
      %sub3A_887 = arith.subi %div3A_866, %sub3A_886 : i32
      %select_n3A_888 = arith.select %and3A_885, %sub3A_887, %div3A_866 : i32
      %mul3A_889 = arith.constant 8 : i32
      %mul3A_890 = arith.muli %select_n3A_888, %mul3A_889 : i32
      %multiple_of3A_891 = tpu.assume_multiple %mul3A_890, 8 : i32
      %sub3A_892 = arith.subi %reduce_max3A_864, %multiple_of3A_891 : i32
      %mul3A_893 = arith.constant 56 : i32
      %mul3A_894 = arith.muli %sub3A_832, %mul3A_893 : i32
      %add3A_895 = arith.addi %reduce_max3A_847, %mul3A_894 : i32
      %mul3A_896 = arith.constant 4 : i32
      %mul3A_897 = arith.muli %add3A, %mul3A_896 : i32
      %add3A_898 = arith.addi %mul3A_897, %select_n3A_829 : i32
      %mul3A_899 = arith.constant 448 : i32
      %mul3A_900 = arith.muli %add3A_898, %mul3A_899 : i32
      %mul3A_901 = arith.constant 56 : i32
      %mul3A_902 = arith.muli %sub3A_832, %mul3A_901 : i32
      %add3A_903 = arith.addi %mul3A_900, %mul3A_902 : i32
      %dma_start3A_904 = arith.constant 0 : i32
      %dma_start3A_905 = tpu.memref_slice %arg4[%add3A_903, %dma_start3A_904] : memref<57344x448xf32, #tpu.memory_space<hbm>> -> memref<56x448xf32, #tpu.memory_space<hbm>>
      %dma_start3A_906 = arith.constant 0 : i32
      %dma_start3A_907 = tpu.memref_slice %arg4[%add3A_903, %dma_start3A_906] : memref<57344x448xf32, #tpu.memory_space<hbm>> -> memref<56x448xf32, #tpu.memory_space<hbm>>
      tpu.enqueue_dma source(%arg9 : memref<56x448xf32, #tpu.memory_space<vmem>>) target(%dma_start3A_907 : memref<56x448xf32, #tpu.memory_space<hbm>>) target_semaphore(%arg13 : memref<!tpu.dma_semaphore, #tpu.memory_space<semaphore_mem>>)
    }
    %scan3A_129 = arith.constant 16 : i32
    %eq3A_130 = arith.constant 6 : i32
    %eq3A_131 = vector.broadcast %eq3A_130 : i32 to vector<16xi32>
    %eq3A_132 = arith.cmpi eq, %iota3A, %eq3A_131 : vector<16xi32>
    %jit3A_133 = arith.constant 0 : i32
    %broadcast_in_dim3A_134 = vector.broadcast %jit3A_133 : i32 to vector<16xi32>
    %select_n3A_135 = arith.select %eq3A_132, %get3A_1, %broadcast_in_dim3A_134 : vector<16xi1>, vector<16xi32>
    %reduce_max3A_136 = arith.constant true
    %reduce_max3A_137 = vector.broadcast %reduce_max3A_136 : i1 to vector<16xi1>
    %reduce_max3A_138 = arith.constant -2147483648 : i32
    %reduce_max3A_139 = vector.broadcast %reduce_max3A_138 : i32 to vector<16xi32>
    %reduce_max3A_140 = arith.xori %select_n3A_135, %reduce_max3A_139 : vector<16xi32>
    %reduce_max3A_141 = tpu.scan <max>, %reduce_max3A_140 masked %reduce_max3A_137 : vector<16xi32>, vector<16xi1> -> vector<16xi32>
    %reduce_max3A_142 = arith.xori %reduce_max3A_141, %reduce_max3A_139 : vector<16xi32>
    %reduce_max3A_143 = vector.extract %reduce_max3A_142[15] : i32 from vector<16xi32>
    %eq3A_144 = arith.constant 7 : i32
    %eq3A_145 = vector.broadcast %eq3A_144 : i32 to vector<16xi32>
    %eq3A_146 = arith.cmpi eq, %iota3A, %eq3A_145 : vector<16xi32>
    %jit3A_147 = arith.constant 0 : i32
    %broadcast_in_dim3A_148 = vector.broadcast %jit3A_147 : i32 to vector<16xi32>
    %select_n3A_149 = arith.select %eq3A_146, %get3A_1, %broadcast_in_dim3A_148 : vector<16xi1>, vector<16xi32>
    %reduce_max3A_150 = arith.constant true
    %reduce_max3A_151 = vector.broadcast %reduce_max3A_150 : i1 to vector<16xi1>
    %reduce_max3A_152 = arith.constant -2147483648 : i32
    %reduce_max3A_153 = vector.broadcast %reduce_max3A_152 : i32 to vector<16xi32>
    %reduce_max3A_154 = arith.xori %select_n3A_149, %reduce_max3A_153 : vector<16xi32>
    %reduce_max3A_155 = tpu.scan <max>, %reduce_max3A_154 masked %reduce_max3A_151 : vector<16xi32>, vector<16xi1> -> vector<16xi32>
    %reduce_max3A_156 = arith.xori %reduce_max3A_155, %reduce_max3A_153 : vector<16xi32>
    %reduce_max3A_157 = vector.extract %reduce_max3A_156[15] : i32 from vector<16xi32>
    %jit3A_158 = arith.constant 8 : i32
    %div3A_159 = arith.divsi %reduce_max3A_157, %jit3A_158 : i32
    %sign3A_160 = arith.constant 0 : i32
    %sign3A_161 = arith.cmpi sgt, %reduce_max3A_157, %sign3A_160 : i32
    %sign3A_162 = arith.extui %sign3A_161 : i1 to i32
    %sign3A_163 = arith.constant 0 : i32
    %sign3A_164 = arith.cmpi slt, %reduce_max3A_157, %sign3A_163 : i32
    %sign3A_165 = arith.extui %sign3A_164 : i1 to i32
    %sign3A_166 = arith.subi %sign3A_162, %sign3A_165 : i32
    %sign3A_167 = arith.constant 0 : i32
    %sign3A_168 = arith.cmpi sgt, %jit3A_158, %sign3A_167 : i32
    %sign3A_169 = arith.extui %sign3A_168 : i1 to i32
    %sign3A_170 = arith.constant 0 : i32
    %sign3A_171 = arith.cmpi slt, %jit3A_158, %sign3A_170 : i32
    %sign3A_172 = arith.extui %sign3A_171 : i1 to i32
    %sign3A_173 = arith.subi %sign3A_169, %sign3A_172 : i32
    %ne3A_174 = arith.cmpi ne, %sign3A_166, %sign3A_173 : i32
    %rem3A_175 = arith.remsi %reduce_max3A_157, %jit3A_158 : i32
    %ne3A_176 = arith.constant 0 : i32
    %ne3A_177 = arith.cmpi ne, %rem3A_175, %ne3A_176 : i32
    %and3A_178 = arith.andi %ne3A_174, %ne3A_177 : i1
    %sub3A_179 = arith.constant 1 : i32
    %sub3A_180 = arith.subi %div3A_159, %sub3A_179 : i32
    %select_n3A_181 = arith.select %and3A_178, %sub3A_180, %div3A_159 : i32
    %mul3A_182 = arith.constant 8 : i32
    %mul3A_183 = arith.muli %select_n3A_181, %mul3A_182 : i32
    %multiple_of3A_184 = tpu.assume_multiple %mul3A_183, 8 : i32
    %sub3A_185 = arith.subi %reduce_max3A_157, %multiple_of3A_184 : i32
    %add3A_186 = arith.constant 336 : i32
    %add3A_187 = arith.addi %reduce_max3A_143, %add3A_186 : i32
    %mul3A_188 = arith.constant 4 : i32
    %mul3A_189 = arith.muli %add3A, %mul3A_188 : i32
    %add3A_190 = arith.constant 3 : i32
    %add3A_191 = arith.addi %mul3A_189, %add3A_190 : i32
    %mul3A_192 = arith.constant 448 : i32
    %mul3A_193 = arith.muli %add3A_191, %mul3A_192 : i32
    %add3A_194 = arith.constant 336 : i32
    %add3A_195 = arith.addi %mul3A_193, %add3A_194 : i32
    %dma_wait3A = arith.constant 0 : i32
    %dma_wait3A_196 = tpu.memref_slice %arg4[%add3A_195, %dma_wait3A] : memref<57344x448xf32, #tpu.memory_space<hbm>> -> memref<56x448xf32, #tpu.memory_space<hbm>>
    %dma_wait3A_197 = arith.constant 0 : i32
    %dma_wait3A_198 = tpu.memref_slice %arg4[%add3A_195, %dma_wait3A_197] : memref<57344x448xf32, #tpu.memory_space<hbm>> -> memref<56x448xf32, #tpu.memory_space<hbm>>
    tpu.wait_dma2 semaphore(%arg12 : memref<!tpu.dma_semaphore, #tpu.memory_space<semaphore_mem>>) src(%arg8 : memref<56x448xf32, #tpu.memory_space<vmem>>) dst(%dma_wait3A_198 : memref<56x448xf32, #tpu.memory_space<hbm>>)
    %eq3A_199 = arith.constant 6 : i32
    %eq3A_200 = vector.broadcast %eq3A_199 : i32 to vector<16xi32>
    %eq3A_201 = arith.cmpi eq, %iota3A, %eq3A_200 : vector<16xi32>
    %jit3A_202 = arith.constant 0 : i32
    %broadcast_in_dim3A_203 = vector.broadcast %jit3A_202 : i32 to vector<16xi32>
    %select_n3A_204 = arith.select %eq3A_201, %get3A_1, %broadcast_in_dim3A_203 : vector<16xi1>, vector<16xi32>
    %reduce_max3A_205 = arith.constant true
    %reduce_max3A_206 = vector.broadcast %reduce_max3A_205 : i1 to vector<16xi1>
    %reduce_max3A_207 = arith.constant -2147483648 : i32
    %reduce_max3A_208 = vector.broadcast %reduce_max3A_207 : i32 to vector<16xi32>
    %reduce_max3A_209 = arith.xori %select_n3A_204, %reduce_max3A_208 : vector<16xi32>
    %reduce_max3A_210 = tpu.scan <max>, %reduce_max3A_209 masked %reduce_max3A_206 : vector<16xi32>, vector<16xi1> -> vector<16xi32>
    %reduce_max3A_211 = arith.xori %reduce_max3A_210, %reduce_max3A_208 : vector<16xi32>
    %reduce_max3A_212 = vector.extract %reduce_max3A_211[15] : i32 from vector<16xi32>
    %eq3A_213 = arith.constant 7 : i32
    %eq3A_214 = vector.broadcast %eq3A_213 : i32 to vector<16xi32>
    %eq3A_215 = arith.cmpi eq, %iota3A, %eq3A_214 : vector<16xi32>
    %jit3A_216 = arith.constant 0 : i32
    %broadcast_in_dim3A_217 = vector.broadcast %jit3A_216 : i32 to vector<16xi32>
    %select_n3A_218 = arith.select %eq3A_215, %get3A_1, %broadcast_in_dim3A_217 : vector<16xi1>, vector<16xi32>
    %reduce_max3A_219 = arith.constant true
    %reduce_max3A_220 = vector.broadcast %reduce_max3A_219 : i1 to vector<16xi1>
    %reduce_max3A_221 = arith.constant -2147483648 : i32
    %reduce_max3A_222 = vector.broadcast %reduce_max3A_221 : i32 to vector<16xi32>
    %reduce_max3A_223 = arith.xori %select_n3A_218, %reduce_max3A_222 : vector<16xi32>
    %reduce_max3A_224 = tpu.scan <max>, %reduce_max3A_223 masked %reduce_max3A_220 : vector<16xi32>, vector<16xi1> -> vector<16xi32>
    %reduce_max3A_225 = arith.xori %reduce_max3A_224, %reduce_max3A_222 : vector<16xi32>
    %reduce_max3A_226 = vector.extract %reduce_max3A_225[15] : i32 from vector<16xi32>
    %jit3A_227 = arith.constant 8 : i32
    %div3A_228 = arith.divsi %reduce_max3A_226, %jit3A_227 : i32
    %sign3A_229 = arith.constant 0 : i32
    %sign3A_230 = arith.cmpi sgt, %reduce_max3A_226, %sign3A_229 : i32
    %sign3A_231 = arith.extui %sign3A_230 : i1 to i32
    %sign3A_232 = arith.constant 0 : i32
    %sign3A_233 = arith.cmpi slt, %reduce_max3A_226, %sign3A_232 : i32
    %sign3A_234 = arith.extui %sign3A_233 : i1 to i32
    %sign3A_235 = arith.subi %sign3A_231, %sign3A_234 : i32
    %sign3A_236 = arith.constant 0 : i32
    %sign3A_237 = arith.cmpi sgt, %jit3A_227, %sign3A_236 : i32
    %sign3A_238 = arith.extui %sign3A_237 : i1 to i32
    %sign3A_239 = arith.constant 0 : i32
    %sign3A_240 = arith.cmpi slt, %jit3A_227, %sign3A_239 : i32
    %sign3A_241 = arith.extui %sign3A_240 : i1 to i32
    %sign3A_242 = arith.subi %sign3A_238, %sign3A_241 : i32
    %ne3A_243 = arith.cmpi ne, %sign3A_235, %sign3A_242 : i32
    %rem3A_244 = arith.remsi %reduce_max3A_226, %jit3A_227 : i32
    %ne3A_245 = arith.constant 0 : i32
    %ne3A_246 = arith.cmpi ne, %rem3A_244, %ne3A_245 : i32
    %and3A_247 = arith.andi %ne3A_243, %ne3A_246 : i1
    %sub3A_248 = arith.constant 1 : i32
    %sub3A_249 = arith.subi %div3A_228, %sub3A_248 : i32
    %select_n3A_250 = arith.select %and3A_247, %sub3A_249, %div3A_228 : i32
    %mul3A_251 = arith.constant 8 : i32
    %mul3A_252 = arith.muli %select_n3A_250, %mul3A_251 : i32
    %multiple_of3A_253 = tpu.assume_multiple %mul3A_252, 8 : i32
    %sub3A_254 = arith.subi %reduce_max3A_226, %multiple_of3A_253 : i32
    %add3A_255 = arith.constant 392 : i32
    %add3A_256 = arith.addi %reduce_max3A_212, %add3A_255 : i32
    %mul3A_257 = arith.constant 4 : i32
    %mul3A_258 = arith.muli %add3A, %mul3A_257 : i32
    %add3A_259 = arith.constant 3 : i32
    %add3A_260 = arith.addi %mul3A_258, %add3A_259 : i32
    %mul3A_261 = arith.constant 448 : i32
    %mul3A_262 = arith.muli %add3A_260, %mul3A_261 : i32
    %add3A_263 = arith.constant 392 : i32
    %add3A_264 = arith.addi %mul3A_262, %add3A_263 : i32
    %dma_wait3A_265 = arith.constant 0 : i32
    %dma_wait3A_266 = tpu.memref_slice %arg4[%add3A_264, %dma_wait3A_265] : memref<57344x448xf32, #tpu.memory_space<hbm>> -> memref<56x448xf32, #tpu.memory_space<hbm>>
    %dma_wait3A_267 = arith.constant 0 : i32
    %dma_wait3A_268 = tpu.memref_slice %arg4[%add3A_264, %dma_wait3A_267] : memref<57344x448xf32, #tpu.memory_space<hbm>> -> memref<56x448xf32, #tpu.memory_space<hbm>>
    tpu.wait_dma2 semaphore(%arg13 : memref<!tpu.dma_semaphore, #tpu.memory_space<semaphore_mem>>) src(%arg9 : memref<56x448xf32, #tpu.memory_space<vmem>>) dst(%dma_wait3A_268 : memref<56x448xf32, #tpu.memory_space<hbm>>)
    return
  }
}

</mosaic_0001>

<sc_bundles>
// kernel: kernel.3.cloned.1.call-start
scs
__scs_entry_jumppad:
0x0: {  	(pc) =	sbr.rel $0x88, $3  }
0x1: {  	(tag) =	ssettag $0x0;
	lr =	simm.s32 $0x1  }
0x2: {  	[smem:$0x3FA0] =	sst lr;
	_ =	strace $0xD0000000  }
0x3: {  	_ = 	snop  }
0x4: {  	_ = 	snop  }
0x5: {  	_ = 	snop  }
0x6: {  	_ = 	snop  }
0x7: {  	_ = 	snop  }
__scs_overlays_trampoline_lowered:
0x8: {  	[smem:$0x3FAF] =	sst s0  }
0x9: {  	[smem:$0x3FB0] =	sst s1  }
0xa: {  	[smem:$0x3FB1] =	sst s2  }
0xb: {  	[smem:$0x3FB2] =	sst s3  }
0xc: {  	[smem:$0x3FB3] =	sst s4  }
0xd: {  	[smem:$0x3FB4] =	sst s5  }
0xe: {  	[smem:$0x3FB5] =	sst s6  }
0xf: {  	[smem:$0x3FB6] =	sst s7  }
0x10: {  	[smem:$0x3FB7] =	sst s8  }
0x11: {  	[smem:$0x3FB8] =	sst s9;
	s0 =	simm.s32 @!p0 $0x0  }
0x12: {  	s1 =	sld [smem:$0x3F9E];
	s0 =	simm.s32 @p0 $0x1  }
0x13: {  	[smem:$0x3FB9] =	sst s0;
	s0 =	simm.s32 @!p1 $0x0  }
0x14: {  	s2 =	sld [smem:$0x3F9D];
	s0 =	simm.s32 @p1 $0x1  }
0x15: {  	[smem:$0x3FBA] =	sst s0;
	s0 =	simm.s32 @!p2 $0x0  }
0x16: {  	s3 =	sld [smem:$0x3FDB];
	s0 =	simm.s32 @p2 $0x1  }
0x17: {  	s4 =	simm.s32 $0x1BF5;
	[smem:$0x3FBC] =	sst s0  }
0x18: {  	s0 =	sld [smem:$0x3F9F];
	_ =	swait.ge [sflag:s4], $0x0  }
0x19: {  	s7 =	sld [smem:$0x3FA0]  }
0x1a: {  	s8 =	sadd.s32 $0xFFFFE003, lr  }
0x1b: {  	s9 =	sadd.s32 $0xFFFFFEF7, lr;
	s5 =	simm.s32 $0xFFFFFFFF;
	p2 =	slt.u32 s8, $0xFFFFF086  }
0x1c: {  	p1 =	slt.u32 s9, $0xF7A;
	s5 =	simm.s32 @!p2 $0x0  }
0x1d: {  	s5 =	simm.s32 @p1 $0x1;
	p0 =	seq.s32 s7, s2  }
0x1e: {  	s7 =	smul.u32 @!p0 $0xF7A, s2;
	p2 =	seq.s32 @!p0 s5, $0x0  }
0x1f: {  	s9 =	smul.u32 $0xF7A, s1;
	s8 =	simm.s32 @!p0 $0x1BF5;
	p2 =	por !p2, p0  }
0x20: {  	[sflag:s8] =	ssyncset.s32 @!p0 $0xFFFFF086;
	s6 =	sadd.s32 @!p0 s3, s7;
	s7 =	simm.s32 @!p0 $0x108  }
0x21: {  	s3 =	sadd.s32 s3, s9;
	s6 =	sadd.s32 @!p0 $0x88, s6;
	s7 =	simm.s32 @p2 $0x1082  }
0x22: {  	[simem:s7], [sflag:s8] =	dma.local @!p0 [hbm:s6], $0xF7A  }
0x23: {  	s9 =	sor.u32 $0xD0000000, s2;
	s6 =	simm.s32 $0x108;
	_ =	swait.ge @!p0 [sflag:s8], $0x0  }
0x24: {  	s3 =	sadd.s32 $0x88, s3;
	s6 =	simm.s32 @!p1 $0x1082;
	[sflag:s4] =	ssyncset.s32 $0xFFFFF086  }
0x25: {  	[simem:s6], [sflag:s4] =	dma.local [hbm:s3], $0xF7A  }
0x26: {  	[smem:$0x3FA0] =	sst s1;
	(tag) =	ssettag s2;
	_ =	strace s9  }
0x27: {  	s1 =	sld [smem:$0x3FB0]  }
0x28: {  	s2 =	sld [smem:$0x3FB1]  }
0x29: {  	s4 =	sld [smem:$0x3FB3]  }
0x2a: {  	p0 =	seq.s32 s5, $0x0;
	s5 =	sld [smem:$0x3FB4]  }
0x2b: {  	s6 =	sld [smem:$0x3FB5]  }
0x2c: {  	s7 =	sld [smem:$0x3FB6]  }
0x2d: {  	s3 =	simm.s32 $0x108;
	s8 =	sld [smem:$0x3FB7]  }
0x2e: {  	s3 =	simm.s32 @!p0 $0x1082;
	s9 =	sld [smem:$0x3FB8]  }
0x2f: {  	lr =	sadd.s32 s0, s3;
	s0 =	sld [smem:$0x3FAF]  }
0x30: {  	s3 =	sld [smem:$0x3FB2]  }
0x31: {  	[smem:$0x3FBB] =	sst s10  }
0x32: {  	s10 =	sld [smem:$0x3FB9];
	_ =	sdelay $0x3  }
0x33: {  	p0 =	seq.s32 s10, $0x1;
	s10 =	sld [smem:$0x3FBB];
	_ =	sdelay $0x3  }
0x34: {  	[smem:$0x3FBB] =	sst s10  }
0x35: {  	s10 =	sld [smem:$0x3FBA];
	_ =	sdelay $0x3  }
0x36: {  	p1 =	seq.s32 s10, $0x1;
	s10 =	sld [smem:$0x3FBB];
	_ =	sdelay $0x3  }
0x37: {  	[smem:$0x3FBB] =	sst s10  }
0x38: {  	s10 =	sld [smem:$0x3FBC]  }
0x39: {  	_ = 	snop;
	(pc) =	sbr.ind lr, $3  }
0x3a: {  	_ = 	snop  }
0x3b: {  	_ = 	snop  }
0x3c: {  	p2 =	seq.s32 s10, $0x1;
	s10 =	sld [smem:$0x3FBB]  }
0x3d: {  	_ =	shalt  }
0x3e: {  	_ =	shalt  }
0x3f: {  	_ =	shalt  }
0x40: {  	_ =	shalt  }
0x41: {  	_ =	shalt  }
0x42: {  	_ =	shalt  }
0x43: {  	_ =	shalt  }
0x44: {  	_ =	shalt  }
0x45: {  	_ =	shalt  }
0x46: {  	_ =	shalt  }
0x47: {  	_ =	shalt  }
0x48: {  	_ =	shalt  }
0x49: {  	_ =	shalt  }
0x4a: {  	_ =	shalt  }
0x4b: {  	_ =	shalt  }
0x4c: {  	_ =	shalt  }
0x4d: {  	_ =	shalt  }
0x4e: {  	_ =	shalt  }
0x4f: {  	_ =	shalt  }
0x50: {  	_ =	shalt  }
0x51: {  	_ =	shalt  }
0x52: {  	_ =	shalt  }
0x53: {  	_ =	shalt  }
0x54: {  	_ =	shalt  }
0x55: {  	_ =	shalt  }
0x56: {  	_ =	shalt  }
0x57: {  	_ =	shalt  }
0x58: {  	_ =	shalt  }
0x59: {  	_ =	shalt  }
0x5a: {  	_ =	shalt  }
0x5b: {  	_ =	shalt  }
0x5c: {  	_ =	shalt  }
0x5d: {  	_ =	shalt  }
0x5e: {  	_ =	shalt  }
0x5f: {  	_ =	shalt  }
0x60: {  	_ =	shalt  }
0x61: {  	_ =	shalt  }
0x62: {  	_ =	shalt  }
0x63: {  	_ =	shalt  }
0x64: {  	_ =	shalt  }
0x65: {  	_ =	shalt  }
0x66: {  	_ =	shalt  }
0x67: {  	_ =	shalt  }
0x68: {  	_ =	shalt  }
0x69: {  	_ =	shalt  }
0x6a: {  	_ =	shalt  }
0x6b: {  	_ =	shalt  }
0x6c: {  	_ =	shalt  }
0x6d: {  	_ =	shalt  }
0x6e: {  	_ =	shalt  }
0x6f: {  	_ =	shalt  }
0x70: {  	_ =	shalt  }
0x71: {  	_ =	shalt  }
0x72: {  	_ =	shalt  }
0x73: {  	_ =	shalt  }
0x74: {  	_ =	shalt  }
0x75: {  	_ =	shalt  }
0x76: {  	_ =	shalt  }
0x77: {  	_ =	shalt  }
0x78: {  	_ =	shalt  }
0x79: {  	_ =	shalt  }
0x7a: {  	_ =	shalt  }
0x7b: {  	_ =	shalt  }
0x7c: {  	_ =	shalt  }
0x7d: {  	_ =	shalt  }
0x7e: {  	_ =	shalt  }
0x7f: {  	_ =	shalt  }
0x80: {  	_ =	shalt  }
0x81: {  	_ =	shalt  }
0x82: {  	_ =	shalt  }
0x83: {  	_ =	shalt  }
0x84: {  	_ =	shalt  }
0x85: {  	_ =	shalt  }
0x86: {  	_ =	shalt  }
0x87: {  	_ =	shalt  }
.Lfunc_end0:
.L_simem_size_0:
called_computation.2_lowered:
.L_overlay_start_0:
0x88: {  	s2 =	sld [smem:$0x3FD9]  }
0x89: {  	s3 =	sld [smem:$0x3FFE];
	_ =	sdelay $0x1  }
0x8a: {  	s1 =	srdreg.scid  }
0x8b: {  	s0 =	sand.u32 $0x1, s1  }
0x8c: {  	s17 =	sshll.u32 s0, $0xA;
	s2 =	sadd.s32 s3, s2  }
0x8d: {  	s2 =	sadd.s32 s2, s17  }
0x8e: {  	[smem:$0x3FC7] =	sst s2  }
0x8f: {  	_ = 	snop  }
0x90: {  	s2 =	sld [smem:$0x3FD0];
	(tm) =	ssettm $0x1  }
0x91: {  	s18 =	sld [smem:$0x3FFB];
	_ =	sdelay $0x3  }
0x92: {  	_ =	strace s18  }
0x93: {  	s3 =	sld [smem:$0x3FFC];
	_ =	sdelay $0x3  }
0x94: {  	_ =	strace s3  }
0x95: {  	s3 =	sld [smem:$0x3FFD];
	_ =	sdelay $0x3  }
0x96: {  	_ =	strace s3  }
0x97: {  	_ =	strace $0x8FFFFFFF  }
0x98: {  	s19 =	sld [smem:$0x3FDB];
	_ =	sdelay $0x1  }
0x99: {  	s4 =	simm.s32 $_scs_section_size  }
0x9a: {  	s5 =	simm.s32 $_size__tile_overlayer_lowered;
	s6 =	simm.s32 $_tile_overlayer_lowered  }
0x9b: {  	s22 =	simm.s32 $0x1BFF;
	s21 =	sshll.u32 s6, $0x1;
	s3 =	sadd.s32 s4, s19  }
0x9c: {  	s7 =	simm.s32 $0x0;
	s20 =	sshll.u32 s5, $0x1;
	s5 =	sadd.s32 s21, s3  }
0x9d: {  	[timem:s7], [sflag:s22] =	dma.local [hbm:s5], s20  }
0x9e: {  	_ =	swait.ge [sflag:s22], s20  }
0x9f: {  	s4 =	ssub.s32 $0x0, s20;
	[sflag:s22] =	ssyncset.done $0x0  }
0xa0: {  	[sflag:s22] =	ssyncadd.s32 s4;
	_ =	sdelay $0x1  }
0xa1: {  	s23 =	simm.s32 $0x1B8B  }
0xa2: {  	_ =	swait.ge [sflag:s23], $0x1  }
0xa3: {  	[sflag:s23] =	ssyncset.done $0x0  }
0xa4: {  	s25 =	simm.s32 $0x1B8E;
	s24 =	sld [smem:$0x3FFE];
	[sflag:s23] =	ssyncadd.s32 $0xFFFFFFFF  }
0xa5: {  	s26 =	simm.s32 $execute0_lowered;
	[smem:$0x3FD2] =	sst s25  }
0xa6: {  	s5 =	sshll.u32 s26, $0x1;
	_ =	strace $0x80000049;
	[dreg:$0x1] =	wrdreg $0xFFFFFFFF  }
0xa7: {  	s28 =	simm.s32 $_size_execute0_lowered;
	s3 =	sadd.s32 s3, s5;
	[dreg:$0x0] =	wrdreg $0x0  }
0xa8: {  	s5 =	sshll.u32 s28, $0x1;
	[dreg:$0x2] =	wrdreg s3  }
0xa9: {  	[dreg:$0x3] =	wrdreg s5  }
0xaa: {  	[dreg:$0x4] =	wrdreg $0xC0  }
0xab: {  	_ =	task [dreg:s7], $0x5FFFF  }
0xac: {  	[dreg:$0x1] =	wrdreg $0xFFFFFFFF  }
0xad: {  	[dreg:$0x0] =	wrdreg $0x60  }
0xae: {  	[dreg:$0x2] =	wrdreg s24  }
0xaf: {  	[dreg:$0x3] =	wrdreg s2  }
0xb0: {  	[dreg:$0x4] =	wrdreg $0x9  }
0xb1: {  	_ =	task.clear_ibuf [dreg:s7], $0x5FFFF;
	_ =	strace $0x90000049  }
0xb2: {  	s29 =	simm.s32 $0x9;
	_ =	strace $0x8000004B  }
0xb3: {  	_ =	swait.ge [sflag:s29], $0x1  }
0xb4: {  	[sflag:s29] =	ssyncadd.s32 $0xFFFFFFFF  }
0xb5: {  	_ =	strace $0x9000004B  }
0xb6: {  	_ =	sfence  }
0xb7: {  	s30 =	sld [smem:$0x0];
	_ =	sdelay $0x2  }
0xb8: {  	s31 =	sshll.u32 s1, $0xD;
	s1 =	sshrl.u32 s1, $0x2  }
0xb9: {  	s3 =	sand.u32 $0x4000, s31;
	s1 =	sadd.s32 s1, s30  }
0xba: {  	s0 =	sor.u32 s3, s0;
	s1 =	sshll.u32 s1, $0x11  }
0xbb: {  	s0 =	sor.u32 s1, s0  }
0xbc: {  	s0 =	sadd.s32 $0x8F2B, s0  }
0xbd: {  	[sflag:s0] =	ssyncadd.remote.s32 $0x1  }
0xbe: {  	_ =	sfence.sel $0xFFFF  }
0xbf: {  	[dreg:$0x0] =	wrdreg $0xFFFFFFFF;
	(pc) =	sbr.abs _section_cstart, $3  }
0xc0: {  	[dreg:$0x1] =	wrdreg $0xFFFFFFFF  }
0xc1: {  	_ =	task.clear_ibuf [dreg:s7], $0x2FFFF;
	_ =	strace $0x9FFFFFFF  }
0xc2: {  	(tm) =	ssettm $0x7FFFFFFF  }
0xc3: {  	_ =	shalt  }
tec
execute0_lowered:
.L_overlay_start_1:
0x0: {  	(tag) =	ssettag $0x1  }
0x1: {  	s5 =	rddreg [dreg:$0x0]  }
0x2: {  	s2 =	rddreg [dreg:$0x1]  }
0x3: {  	s4 =	srdreg.scid;
	s1 =	stileid.u32  }
0x4: {  	s3 =	simm.s32 $0x0;
	s10 =	simm.s32 $0x1C8;
	s11 =	simm.s32 $0x200  }
0x5: {  	s12 =	simm.s32 $0x10;
	s13 =	simm.s32 $0x63D0;
	s14 =	simm.s32 $0xC790  }
0x6: {  	s15 =	simm.s32 $0x2;
	s16 =	simm.s32 $0x12990;
	s17 =	simm.s32 $0x3  }
0x7: {  	s18 =	simm.s32 $0x4;
	s4 =	sand.u32 $0x1, s4;
	s6 =	sshll.u32 s1, $0x1  }
0x8: {  	s19 =	simm.s32 $0x0;
	[smem:$0x7FF] =	sst s3;
	s6 =	sor.u32 s4, s6  }
0x9: {  	s7 =	ssub.s32 $0x2, s4;
	_ =	strace $0x8000004A;
	s4 =	sadd.s32 $0x1600, s5  }
0xa: {  	s8 =	sshll.u32 s6, $0x1;
	s9 =	sshrl.u32 s7, $0x1;
	s6 =	sshll.u32 s6, $0x2  }
0xb: {  	s5 =	sadd.s32 s8, s5;
	s7 =	ssub.s32 s7, s9;
	s8 =	simm.s32 $0x5  }
0xc: {  	vm0 =	vmmov $0x1;
	vm1 =	vcmask $0x308;
	v0 =	vlaneseq.u32;
	s9 =	simm.s32 $0x1;
	s5 =	sadd.s32 $0x401600, s5;
	s7 =	smax.u32 s7, $0x1  }
.LBB2_1:
0xd: {  	[tilespmem:s3], [sflag:$0x5] =	stream.linear.gather [hbm4b:s5+s3], $0x10, $0x38;
	[tilespmem:$0x18B90] =	vst v63  }
0xe: {  	_ =	swait.ge [sflag:s8], $0x10  }
0xf: {  	[sflag:s8] =	ssyncset.done $0x0  }
0x10: {  	[sflag:s8] =	ssyncadd.s32 $0xFFFFFFF0  }
0x11: {  	v1 =	vld [tilespmem:$0x0];
	_ =	sdelay $0x4  }
0x12: {  	v2 =	vnsel vm0, $0x0, v1  }
0x13: {  	v3 =	vsel vm1, $0x0, v1;
	v2 =	vxor.u32 $0x80000000, v2  }
0x14: {  	(xrf0) =	vmax.scan.msk.u32 $0xffff, v2;
	v2 =	vxor.u32 $0x80000000, v3  }
0x15: {  	(xrf0) =	vmax.scan.msk.u32 $0xffff, v2;
	_ =	sdelay $0x4  }
0x16: {  	v2, _, _ =	vpop (xrf0)  }
0x17: {  	(v2sf) =	vpush v2, $0xF;
	v2, _, _ =	vpop (xrf0)  }
0x18: {  	(v2sf) =	vpush v2, $0xF;
	_ =	sdelay $0xd  }
0x19: {  	s20 =	spop (v2sf)  }
0x1a: {  	s21 =	spop (v2sf)  }
0x1b: {  	s22 =	sxor.u32 $0x80000000, s21  }
0x1c: {  	p0 =	sgt.s32 s21, $0xFFFFFFFF;
	s21 =	sand.u32 $0x7, s21;
	p1 =	slt.s32 s22, $0x1  }
0x1d: {  	s23 =	sshra.s32 s22, $0x1F;
	p6 =	sne.s32 s21, $0x0;
	p0 =	por p0, p1  }
0x1e: {  	s31 =	sshrl.u32 s23, $0x1D;
	p0 =	por !p6, !p0  }
0x1f: {  	s21 =	sadd.s32 s31, s22;
	s22 =	simm.s32 $0x1;
	p0 =	por !p0, !p0  }
0x20: {  	s21 =	sshrl.u32 s21, $0x3;
	s22 =	simm.s32 @!p0 $0x0  }
0x21: {  	s21 =	ssub.s32 s21, s22  }
0x22: {  	s20 =	sshll.u32 s20, $0x9;
	s21 =	sshll.u32 s21, $0x3  }
0x23: {  	s20 =	sadd.s32 s20, s21  }
0x24: {  	s21 =	sshrl.u32 s20, $0x3;
	s20 =	sadd.s32 $0x7000, s20  }
0x25: {  	s21 =	sadd.s32 s4, s21;
	s20 =	sshrl.u32 s20, $0x3  }
0x26: {  	[tilespmem:s12], [sflag:$0x1] =	stream.strided.gather [hbm4b:s21+s10], $0x63C0, s11, s10, $0x38;
	[tilespmem:$0x18B90] =	vst v63  }
0x27: {  	s20 =	sadd.s32 s4, s20  }
0x28: {  	[tilespmem:s13], [sflag:$0x2] =	stream.strided.gather [hbm4b:s20+s10], $0x63C0, s11, s10, $0x38;
	[tilespmem:$0x18B90] =	vst v63  }
0x29: {  	v1 =	vxor.u32 $0x80000000, v1;
	s20 =	simm.s32 $0x0  }
.LBB2_2:
0x2a: {  	s21 =	sshrl.u32 s20, $0x1  }
0x2b: {  	s21 =	sor.u32 $0x1, s21  }
0x2c: {  	v2 =	vmov s21  }
0x2d: {  	vm2 =	veq.s32 v2, v0  }
0x2e: {  	v2 =	vnsel vm2, $0x80000000, v1  }
0x2f: {  	(xrf0) =	vmax.scan.msk.u32 $0xffff, v2;
	_ =	sdelay $0x5  }
0x30: {  	v2, _, _ =	vpop (xrf0)  }
0x31: {  	(v2sf) =	vpush v2, $0xF;
	_ =	sdelay $0xe  }
0x32: {  	s30 =	spop (v2sf)  }
0x33: {  	s22 =	sxor.u32 $0x80000000, s30  }
0x34: {  	p1 =	sgt.s32 s30, $0xFFFFFFFF;
	s21 =	sand.u32 $0x7, s30;
	p0 =	slt.s32 s22, $0x1  }
0x35: {  	s23 =	sshra.s32 s22, $0x1F;
	p6 =	sne.s32 s21, $0x0;
	p0 =	por p1, p0  }
0x36: {  	s23 =	sshrl.u32 s23, $0x1D;
	p0 =	por !p6, !p0  }
0x37: {  	s24 =	simm.s32 $0x1;
	s23 =	sadd.s32 s23, s22;
	p0 =	por !p0, !p0  }
0x38: {  	s23 =	sshrl.u32 s23, $0x3;
	s24 =	simm.s32 @!p0 $0x0  }
0x39: {  	s23 =	ssub.s32 s24, s23  }
0x3a: {  	s23 =	sshll.u32 s23, $0x3  }
0x3b: {  	s22 =	sadd.s32 s22, s23  }
0x3c: {  	s22 =	sshll.u32 s22, $0x2  }
0x3d: {  	s21 =	sshll.u32 s21, $0x2;
	s22 =	sand.u32 $0xFFFFFFE0, s22  }
0x3e: {  	s21 =	sor.u32 s21, s22  }
0x3f: {  	s22 =	sshra.s32 s21, $0x2  }
0x40: {  	_ =	swait.ge [sflag:s9], $0x63C0;
	s21 =	sadd.s32 $0xF0, s22  }
0x41: {  	[sflag:s9] =	ssyncset.done $0x0;
	p1 =	seq.s32 s20, $0x0;
	v2 =	vmov s21  }
0x42: {  	[sflag:s9] =	ssyncadd.s32 $0xFFFF9C40;
	s21 =	simm.s32 @!p1 $0x3  }
0x43: {  	_ =	swait.ge @!p1 [sflag:s21], $0x6200  }
0x44: {  	[sflag:s21] =	ssyncset.done @!p1 $0x0  }
0x45: {  	s31 =	simm.s32 $0x0;
	[sflag:s21] =	ssyncadd.s32 @!p1 $0xFFFF9E00  }
0x46: {  	v3 =	vld.idx.msk [tilespmem:v2+s31+$0xFFFFFF20 ss:$0x1], $0xffff;
	_ =	sdelay $0x3  }
0x47: {  	s28 =	simm.s32 $0xC870  }
0x48: {  	[tilespmem:s28+$0xFFFFFF20] =	vst v3  }
0x49: {  	v3 =	vld.idx.msk [tilespmem:v2+s31+$0xFFFFFF30 ss:$0x1], $0xffff;
	_ =	sdelay $0x4  }
0x4a: {  	[tilespmem:s28+$0xFFFFFF30] =	vst v3  }
0x4b: {  	v3 =	vld.idx.msk [tilespmem:v2+s31+$0xFFFFFF40 ss:$0x1], $0xffff;
	_ =	sdelay $0x4  }
0x4c: {  	[tilespmem:s28+$0xFFFFFF40] =	vst v3  }
0x4d: {  	v3 =	vld.idx.msk [tilespmem:v2+s31+$0xFFFFFF50 ss:$0x1], $0xffff;
	_ =	sdelay $0x4  }
0x4e: {  	[tilespmem:s28+$0xFFFFFF50] =	vst v3  }
0x4f: {  	v3 =	vld.idx.msk [tilespmem:v2+s31+$0xFFFFFF60 ss:$0x1], $0xffff;
	_ =	sdelay $0x4  }
0x50: {  	[tilespmem:s28+$0xFFFFFF60] =	vst v3  }
0x51: {  	v3 =	vld.idx.msk [tilespmem:v2+s31+$0xFFFFFF70 ss:$0x1], $0xffff;
	_ =	sdelay $0x4  }
0x52: {  	[tilespmem:s28+$0xFFFFFF70] =	vst v3  }
0x53: {  	v3 =	vld.idx.msk [tilespmem:v2+s31+$0xFFFFFF80 ss:$0x1], $0xffff;
	_ =	sdelay $0x4  }
0x54: {  	[tilespmem:s28+$0xFFFFFF80] =	vst v3  }
0x55: {  	v3 =	vld.idx.msk [tilespmem:v2+s31+$0xFFFFFF90 ss:$0x1], $0xffff;
	_ =	sdelay $0x4  }
0x56: {  	[tilespmem:s28+$0xFFFFFF90] =	vst v3  }
0x57: {  	v3 =	vld.idx.msk [tilespmem:v2+s31+$0xFFFFFFA0 ss:$0x1], $0xffff;
	_ =	sdelay $0x4  }
0x58: {  	[tilespmem:s28+$0xFFFFFFA0] =	vst v3  }
0x59: {  	v3 =	vld.idx.msk [tilespmem:v2+s31+$0xFFFFFFB0 ss:$0x1], $0xffff;
	_ =	sdelay $0x4  }
0x5a: {  	[tilespmem:s28+$0xFFFFFFB0] =	vst v3  }
0x5b: {  	v3 =	vld.idx.msk [tilespmem:v2+s31+$0xFFFFFFC0 ss:$0x1], $0xffff;
	_ =	sdelay $0x4  }
0x5c: {  	[tilespmem:s28+$0xFFFFFFC0] =	vst v3  }
0x5d: {  	v3 =	vld.idx.msk [tilespmem:v2+s31+$0xFFFFFFD0 ss:$0x1], $0xffff;
	_ =	sdelay $0x4  }
0x5e: {  	[tilespmem:s28+$0xFFFFFFD0] =	vst v3  }
0x5f: {  	v3 =	vld.idx.msk [tilespmem:v2+s31+$0xFFFFFFE0 ss:$0x1], $0xffff;
	_ =	sdelay $0x4  }
0x60: {  	[tilespmem:s28+$0xFFFFFFE0] =	vst v3  }
0x61: {  	v3 =	vld.idx.msk [tilespmem:v2+s31+$0xFFFFFFF0 ss:$0x1], $0xffff;
	_ =	sdelay $0x4  }
0x62: {  	[tilespmem:s28+$0xFFFFFFF0] =	vst v3  }
0x63: {  	v3 =	vld.idx.msk [tilespmem:v2+s31+$0x0 ss:$0x1], $0xffff;
	_ =	sdelay $0x4  }
0x64: {  	[tilespmem:s28+$0x0] =	vst v3  }
0x65: {  	v3 =	vld.idx.msk [tilespmem:v2+s31+$0x10 ss:$0x1], $0xffff;
	_ =	sdelay $0x4  }
0x66: {  	[tilespmem:s28+$0x10] =	vst v3  }
0x67: {  	v3 =	vld.idx.msk [tilespmem:v2+s31+$0x20 ss:$0x1], $0xffff;
	_ =	sdelay $0x4  }
0x68: {  	[tilespmem:s28+$0x20] =	vst v3  }
0x69: {  	v3 =	vld.idx.msk [tilespmem:v2+s31+$0x30 ss:$0x1], $0xffff;
	_ =	sdelay $0x4  }
0x6a: {  	[tilespmem:s28+$0x30] =	vst v3  }
0x6b: {  	v3 =	vld.idx.msk [tilespmem:v2+s31+$0x40 ss:$0x1], $0xffff;
	_ =	sdelay $0x4  }
0x6c: {  	[tilespmem:s28+$0x40] =	vst v3  }
0x6d: {  	v3 =	vld.idx.msk [tilespmem:v2+s31+$0x50 ss:$0x1], $0xffff;
	_ =	sdelay $0x4  }
0x6e: {  	[tilespmem:s28+$0x50] =	vst v3  }
0x6f: {  	v3 =	vld.idx.msk [tilespmem:v2+s31+$0x60 ss:$0x1], $0xffff;
	_ =	sdelay $0x4  }
0x70: {  	[tilespmem:s28+$0x60] =	vst v3  }
0x71: {  	v3 =	vld.idx.msk [tilespmem:v2+s31+$0x70 ss:$0x1], $0xffff;
	_ =	sdelay $0x4  }
0x72: {  	[tilespmem:s28+$0x70] =	vst v3  }
0x73: {  	v3 =	vld.idx.msk [tilespmem:v2+s31+$0x80 ss:$0x1], $0xffff;
	_ =	sdelay $0x4  }
0x74: {  	[tilespmem:s28+$0x80] =	vst v3  }
0x75: {  	v3 =	vld.idx.msk [tilespmem:v2+s31+$0x90 ss:$0x1], $0xffff;
	_ =	sdelay $0x4  }
0x76: {  	[tilespmem:s28+$0x90] =	vst v3  }
0x77: {  	v3 =	vld.idx.msk [tilespmem:v2+s31+$0xA0 ss:$0x1], $0xffff;
	_ =	sdelay $0x4  }
0x78: {  	[tilespmem:s28+$0xA0] =	vst v3  }
0x79: {  	v3 =	vld.idx.msk [tilespmem:v2+s31+$0xB0 ss:$0x1], $0xffff;
	_ =	sdelay $0x4  }
0x7a: {  	[tilespmem:s28+$0xB0] =	vst v3  }
0x7b: {  	v3 =	vld.idx.msk [tilespmem:v2+s31+$0xC0 ss:$0x1], $0xffff;
	_ =	sdelay $0x4  }
0x7c: {  	[tilespmem:s28+$0xC0] =	vst v3  }
0x7d: {  	v3 =	vld.idx.msk [tilespmem:v2+s31+$0xD0 ss:$0x1], $0xffff;
	_ =	sdelay $0x1  }
0x7e: {  	s24 =	sshrl.u32 s20, $0x2  }
0x7f: {  	s23 =	sshll.u32 s24, $0x3;
	s21 =	sshll.u32 s20, $0x1  }
0x80: {  	s25 =	ssub.s32 s21, s23  }
0x81: {  	s26 =	simm.s32 $0x1C8;
	s29 =	simm.s32 $0xE40;
	s25 =	smul.u32 $0x38, s25;
	[tilespmem:s28+$0xD0] =	vst v3  }
.LBB2_3:
0x82: {  	p0 =	sne.s32 s29, $0x187E0;
	v3 =	vld.idx.msk [tilespmem:v2+s26+$0xFFFFFF20 ss:$0x1], $0xffff;
	_ =	sdelay $0x4  }
0x83: {  	s28 =	sadd.s32 $0x1C0, s28  }
0x84: {  	[tilespmem:s28+$0xFFFFFF20] =	vst v3  }
0x85: {  	v3 =	vld.idx.msk [tilespmem:v2+s26+$0xFFFFFF30 ss:$0x1], $0xffff;
	_ =	sdelay $0x5  }
0x86: {  	[tilespmem:s28+$0xFFFFFF30] =	vst v3  }
0x87: {  	v3 =	vld.idx.msk [tilespmem:v2+s26+$0xFFFFFF40 ss:$0x1], $0xffff;
	_ =	sdelay $0x5  }
0x88: {  	[tilespmem:s28+$0xFFFFFF40] =	vst v3  }
0x89: {  	v3 =	vld.idx.msk [tilespmem:v2+s26+$0xFFFFFF50 ss:$0x1], $0xffff;
	_ =	sdelay $0x5  }
0x8a: {  	[tilespmem:s28+$0xFFFFFF50] =	vst v3  }
0x8b: {  	v3 =	vld.idx.msk [tilespmem:v2+s26+$0xFFFFFF60 ss:$0x1], $0xffff;
	_ =	sdelay $0x5  }
0x8c: {  	[tilespmem:s28+$0xFFFFFF60] =	vst v3  }
0x8d: {  	v3 =	vld.idx.msk [tilespmem:v2+s26+$0xFFFFFF70 ss:$0x1], $0xffff;
	_ =	sdelay $0x5  }
0x8e: {  	[tilespmem:s28+$0xFFFFFF70] =	vst v3  }
0x8f: {  	v3 =	vld.idx.msk [tilespmem:v2+s26+$0xFFFFFF80 ss:$0x1], $0xffff;
	_ =	sdelay $0x5  }
0x90: {  	[tilespmem:s28+$0xFFFFFF80] =	vst v3  }
0x91: {  	v3 =	vld.idx.msk [tilespmem:v2+s26+$0xFFFFFF90 ss:$0x1], $0xffff;
	_ =	sdelay $0x5  }
0x92: {  	[tilespmem:s28+$0xFFFFFF90] =	vst v3  }
0x93: {  	v3 =	vld.idx.msk [tilespmem:v2+s26+$0xFFFFFFA0 ss:$0x1], $0xffff;
	_ =	sdelay $0x5  }
0x94: {  	[tilespmem:s28+$0xFFFFFFA0] =	vst v3  }
0x95: {  	v3 =	vld.idx.msk [tilespmem:v2+s26+$0xFFFFFFB0 ss:$0x1], $0xffff;
	_ =	sdelay $0x5  }
0x96: {  	[tilespmem:s28+$0xFFFFFFB0] =	vst v3  }
0x97: {  	v3 =	vld.idx.msk [tilespmem:v2+s26+$0xFFFFFFC0 ss:$0x1], $0xffff;
	_ =	sdelay $0x5  }
0x98: {  	[tilespmem:s28+$0xFFFFFFC0] =	vst v3  }
0x99: {  	v3 =	vld.idx.msk [tilespmem:v2+s26+$0xFFFFFFD0 ss:$0x1], $0xffff;
	_ =	sdelay $0x5  }
0x9a: {  	[tilespmem:s28+$0xFFFFFFD0] =	vst v3  }
0x9b: {  	v3 =	vld.idx.msk [tilespmem:v2+s26+$0xFFFFFFE0 ss:$0x1], $0xffff;
	_ =	sdelay $0x5  }
0x9c: {  	[tilespmem:s28+$0xFFFFFFE0] =	vst v3  }
0x9d: {  	v3 =	vld.idx.msk [tilespmem:v2+s26+$0xFFFFFFF0 ss:$0x1], $0xffff;
	_ =	sdelay $0x5  }
0x9e: {  	[tilespmem:s28+$0xFFFFFFF0] =	vst v3  }
0x9f: {  	v3 =	vld.idx.msk [tilespmem:v2+s26+$0x0 ss:$0x1], $0xffff;
	_ =	sdelay $0x5  }
0xa0: {  	[tilespmem:s28+$0x0] =	vst v3  }
0xa1: {  	v3 =	vld.idx.msk [tilespmem:v2+s26+$0x10 ss:$0x1], $0xffff;
	_ =	sdelay $0x5  }
0xa2: {  	[tilespmem:s28+$0x10] =	vst v3  }
0xa3: {  	v3 =	vld.idx.msk [tilespmem:v2+s26+$0x20 ss:$0x1], $0xffff;
	_ =	sdelay $0x5  }
0xa4: {  	[tilespmem:s28+$0x20] =	vst v3  }
0xa5: {  	v3 =	vld.idx.msk [tilespmem:v2+s26+$0x30 ss:$0x1], $0xffff;
	_ =	sdelay $0x5  }
0xa6: {  	[tilespmem:s28+$0x30] =	vst v3  }
0xa7: {  	v3 =	vld.idx.msk [tilespmem:v2+s26+$0x40 ss:$0x1], $0xffff;
	_ =	sdelay $0x5  }
0xa8: {  	[tilespmem:s28+$0x40] =	vst v3  }
0xa9: {  	v3 =	vld.idx.msk [tilespmem:v2+s26+$0x50 ss:$0x1], $0xffff;
	_ =	sdelay $0x5  }
0xaa: {  	[tilespmem:s28+$0x50] =	vst v3  }
0xab: {  	v3 =	vld.idx.msk [tilespmem:v2+s26+$0x60 ss:$0x1], $0xffff;
	_ =	sdelay $0x5  }
0xac: {  	[tilespmem:s28+$0x60] =	vst v3  }
0xad: {  	v3 =	vld.idx.msk [tilespmem:v2+s26+$0x70 ss:$0x1], $0xffff;
	_ =	sdelay $0x5  }
0xae: {  	[tilespmem:s28+$0x70] =	vst v3  }
0xaf: {  	v3 =	vld.idx.msk [tilespmem:v2+s26+$0x80 ss:$0x1], $0xffff;
	_ =	sdelay $0x5  }
0xb0: {  	[tilespmem:s28+$0x80] =	vst v3  }
0xb1: {  	v3 =	vld.idx.msk [tilespmem:v2+s26+$0x90 ss:$0x1], $0xffff;
	_ =	sdelay $0x5  }
0xb2: {  	[tilespmem:s28+$0x90] =	vst v3  }
0xb3: {  	v3 =	vld.idx.msk [tilespmem:v2+s26+$0xA0 ss:$0x1], $0xffff;
	_ =	sdelay $0x5  }
0xb4: {  	[tilespmem:s28+$0xA0] =	vst v3  }
0xb5: {  	v3 =	vld.idx.msk [tilespmem:v2+s26+$0xB0 ss:$0x1], $0xffff;
	_ =	sdelay $0x5  }
0xb6: {  	[tilespmem:s28+$0xB0] =	vst v3  }
0xb7: {  	v3 =	vld.idx.msk [tilespmem:v2+s26+$0xC0 ss:$0x1], $0xffff;
	_ =	sdelay $0x5  }
0xb8: {  	[tilespmem:s28+$0xC0] =	vst v3  }
0xb9: {  	v3 =	vld.idx.msk [tilespmem:v2+s26+$0xD0 ss:$0x1], $0xffff;
	_ =	sdelay $0x1  }
.Ltmp0:
0xba: {  	(pc) =	sbr.rel @p0 .LBB2_3-.Ltmp0, $2  }
0xbb: {  	_ =	sdelay $0x2  }
0xbc: {  	s26 =	sshra.s32 s29, $0x2;
	s29 =	sadd.s32 $0x720, s29;
	[tilespmem:s28+$0xD0] =	vst v3  }
0xbd: {  	_ =	sdelay $0x3  }
0xbe: {  	v3 =	vld.idx.msk [tilespmem:v2+s26+$0xFFFFFF20 ss:$0x1], $0xffff;
	_ =	sdelay $0x3  }
0xbf: {  	s28 =	sadd.s32 $0x1C0, s28  }
0xc0: {  	[tilespmem:s28+$0xFFFFFF20] =	vst v3  }
0xc1: {  	v3 =	vld.idx.msk [tilespmem:v2+s26+$0xFFFFFF30 ss:$0x1], $0xffff;
	_ =	sdelay $0x4  }
0xc2: {  	[tilespmem:s28+$0xFFFFFF30] =	vst v3  }
0xc3: {  	v3 =	vld.idx.msk [tilespmem:v2+s26+$0xFFFFFF40 ss:$0x1], $0xffff;
	_ =	sdelay $0x4  }
0xc4: {  	[tilespmem:s28+$0xFFFFFF40] =	vst v3  }
0xc5: {  	v3 =	vld.idx.msk [tilespmem:v2+s26+$0xFFFFFF50 ss:$0x1], $0xffff;
	_ =	sdelay $0x4  }
0xc6: {  	[tilespmem:s28+$0xFFFFFF50] =	vst v3  }
0xc7: {  	v3 =	vld.idx.msk [tilespmem:v2+s26+$0xFFFFFF60 ss:$0x1], $0xffff;
	_ =	sdelay $0x4  }
0xc8: {  	[tilespmem:s28+$0xFFFFFF60] =	vst v3  }
0xc9: {  	v3 =	vld.idx.msk [tilespmem:v2+s26+$0xFFFFFF70 ss:$0x1], $0xffff;
	_ =	sdelay $0x4  }
0xca: {  	[tilespmem:s28+$0xFFFFFF70] =	vst v3  }
0xcb: {  	v3 =	vld.idx.msk [tilespmem:v2+s26+$0xFFFFFF80 ss:$0x1], $0xffff;
	_ =	sdelay $0x4  }
0xcc: {  	[tilespmem:s28+$0xFFFFFF80] =	vst v3  }
0xcd: {  	v3 =	vld.idx.msk [tilespmem:v2+s26+$0xFFFFFF90 ss:$0x1], $0xffff;
	_ =	sdelay $0x4  }
0xce: {  	[tilespmem:s28+$0xFFFFFF90] =	vst v3  }
0xcf: {  	v3 =	vld.idx.msk [tilespmem:v2+s26+$0xFFFFFFA0 ss:$0x1], $0xffff;
	_ =	sdelay $0x4  }
0xd0: {  	[tilespmem:s28+$0xFFFFFFA0] =	vst v3  }
0xd1: {  	v3 =	vld.idx.msk [tilespmem:v2+s26+$0xFFFFFFB0 ss:$0x1], $0xffff;
	_ =	sdelay $0x4  }
0xd2: {  	[tilespmem:s28+$0xFFFFFFB0] =	vst v3  }
0xd3: {  	v3 =	vld.idx.msk [tilespmem:v2+s26+$0xFFFFFFC0 ss:$0x1], $0xffff;
	_ =	sdelay $0x4  }
0xd4: {  	[tilespmem:s28+$0xFFFFFFC0] =	vst v3  }
0xd5: {  	v3 =	vld.idx.msk [tilespmem:v2+s26+$0xFFFFFFD0 ss:$0x1], $0xffff;
	_ =	sdelay $0x4  }
0xd6: {  	[tilespmem:s28+$0xFFFFFFD0] =	vst v3  }
0xd7: {  	v3 =	vld.idx.msk [tilespmem:v2+s26+$0xFFFFFFE0 ss:$0x1], $0xffff;
	_ =	sdelay $0x4  }
0xd8: {  	[tilespmem:s28+$0xFFFFFFE0] =	vst v3  }
0xd9: {  	v3 =	vld.idx.msk [tilespmem:v2+s26+$0xFFFFFFF0 ss:$0x1], $0xffff;
	_ =	sdelay $0x4  }
0xda: {  	[tilespmem:s28+$0xFFFFFFF0] =	vst v3  }
0xdb: {  	v3 =	vld.idx.msk [tilespmem:v2+s26+$0x0 ss:$0x1], $0xffff;
	_ =	sdelay $0x4  }
0xdc: {  	[tilespmem:s28+$0x0] =	vst v3  }
0xdd: {  	v3 =	vld.idx.msk [tilespmem:v2+s26+$0x10 ss:$0x1], $0xffff;
	_ =	sdelay $0x4  }
0xde: {  	[tilespmem:s28+$0x10] =	vst v3  }
0xdf: {  	v3 =	vld.idx.msk [tilespmem:v2+s26+$0x20 ss:$0x1], $0xffff;
	_ =	sdelay $0x4  }
0xe0: {  	[tilespmem:s28+$0x20] =	vst v3  }
0xe1: {  	v3 =	vld.idx.msk [tilespmem:v2+s26+$0x30 ss:$0x1], $0xffff;
	_ =	sdelay $0x4  }
0xe2: {  	[tilespmem:s28+$0x30] =	vst v3  }
0xe3: {  	v3 =	vld.idx.msk [tilespmem:v2+s26+$0x40 ss:$0x1], $0xffff;
	_ =	sdelay $0x4  }
0xe4: {  	[tilespmem:s28+$0x40] =	vst v3  }
0xe5: {  	v3 =	vld.idx.msk [tilespmem:v2+s26+$0x50 ss:$0x1], $0xffff;
	_ =	sdelay $0x4  }
0xe6: {  	[tilespmem:s28+$0x50] =	vst v3  }
0xe7: {  	v3 =	vld.idx.msk [tilespmem:v2+s26+$0x60 ss:$0x1], $0xffff;
	_ =	sdelay $0x4  }
0xe8: {  	[tilespmem:s28+$0x60] =	vst v3  }
0xe9: {  	p0 =	seq.s32 s20, $0xF;
	v3 =	vld.idx.msk [tilespmem:v2+s26+$0x70 ss:$0x1], $0xffff  }
0xea: {  	s29 =	sadd.s32 @!p0 $0x2, s21  }
0xeb: {  	s30 =	sshrl.u32 @!p0 s29, $0x2  }
0xec: {  	s31 =	sand.u32 @!p0 $0xE, s30  }
0xed: {  	v5 =	vlaneseq.u32 @!p0;
	s30 =	sor.u32 @!p0 $0x1, s30;
	v4 =	vmov @!p0 s31  }
0xee: {  	vm2 =	veq.s32 @!p0 v4, v5;
	[tilespmem:s28+$0x70] =	vst v3;
	v3 =	vmov @!p0 s30  }
0xef: {  	v4 =	vnsel @!p0 vm2, $0x80000000, v1;
	vm2 =	veq.s32 @!p0 v3, v5;
	v3 =	vld.idx.msk [tilespmem:v2+s26+$0x80 ss:$0x1], $0xffff;
	_ =	sdelay $0x1  }
0xf0: {  	(xrf0) =	vmax.scan.msk.u32 @!p0 $0xffff, v4;
	v4 =	vnsel @!p0 vm2, $0x80000000, v1  }
0xf1: {  	(xrf0) =	vmax.scan.msk.u32 @!p0 $0xffff, v4;
	_ =	sdelay $0x1  }
0xf2: {  	[tilespmem:s28+$0x80] =	vst v3  }
0xf3: {  	v3 =	vld.idx.msk [tilespmem:v2+s26+$0x90 ss:$0x1], $0xffff;
	_ =	sdelay $0x1  }
0xf4: {  	v4, _, _ =	vpop @!p0 (xrf0)  }
0xf5: {  	(v2sf) =	vpush @!p0 v4, $0xF;
	v4, _, _ =	vpop @!p0 (xrf0)  }
0xf6: {  	(v2sf) =	vpush @!p0 v4, $0xF  }
0xf7: {  	[tilespmem:s28+$0x90] =	vst v3  }
0xf8: {  	v3 =	vld.idx.msk [tilespmem:v2+s26+$0xA0 ss:$0x1], $0xffff;
	_ =	sdelay $0x4  }
0xf9: {  	[tilespmem:s28+$0xA0] =	vst v3  }
0xfa: {  	v3 =	vld.idx.msk [tilespmem:v2+s26+$0xB0 ss:$0x1], $0xffff;
	_ =	sdelay $0x4  }
0xfb: {  	[tilespmem:s28+$0xB0] =	vst v3  }
0xfc: {  	s30 =	spop @!p0 (v2sf);
	v3 =	vld.idx.msk [tilespmem:v2+s26+$0xC0 ss:$0x1], $0xffff  }
0xfd: {  	s24 =	sadd.s32 s6, s24;
	s29 =	sand.u32 @!p0 $0x6, s29;
	s31 =	spop @!p0 (v2sf)  }
0xfe: {  	s0 =	sxor.u32 @!p0 $0x80000000, s31;
	p2 =	sgt.s32 @!p0 s31, $0xFFFFFFFF;
	s31 =	sand.u32 @!p0 $0x7, s31  }
0xff: {  	p3 =	sne.s32 @!p0 s31, $0x0;
	s31 =	sshra.s32 @!p0 s0, $0x1F;
	p4 =	slt.s32 @!p0 s0, $0x1  }
0x100: {  	s29 =	smul.u32 @!p0 $0x38, s29;
	p2 =	por @!p0 p2, p4;
	s31 =	sshrl.u32 @!p0 s31, $0x1D  }
0x101: {  	s24 =	smul.u32 $0x1C0, s24;
	s0 =	sadd.s32 @!p0 s31, s0;
	p2 =	por @!p0 !p3, !p2;
	[tilespmem:s28+$0xC0] =	vst v3  }
0x102: {  	s29 =	sadd.s32 @!p0 s29, s30;
	s0 =	sshrl.u32 @!p0 s0, $0x3;
	p2 =	por @!p0 !p2, !p2;
	v2 =	vld.idx.msk [tilespmem:v2+s26+$0xD0 ss:$0x1], $0xffff  }
0x103: {  	s26 =	sshll.u32 @!p0 s29, $0x6;
	s29 =	simm.s32 @!p0 $0x1;
	p2 =	por !p2, p0  }
0x104: {  	s0 =	sadd.s32 @!p0 s0, s26;
	s29 =	simm.s32 @p2 $0x0  }
0x105: {  	s25 =	sadd.s32 s24, s25;
	s0 =	ssub.s32 @!p0 s0, s29  }
0x106: {  	s25 =	smul.u32 $0x1C0, s25;
	s26 =	simm.s32 @!p0 $0x1C8;
	s0 =	sand.u32 @!p0 $0x1FFFFFFF, s0  }
0x107: {  	s29 =	simm.s32 @!p0 $0x10;
	s0 =	sadd.s32 @!p0 s4, s0;
	[tilespmem:s28+$0xD0] =	vst v2;
	s28 =	simm.s32 @!p0 $0x200  }
0x108: {  	[tilespmem:s29], [sflag:$0x1] =	stream.strided.gather @!p0 [hbm4b:s0+s26], $0x63C0, s28, s26, $0x38;
	[tilespmem:$0x18B90] =	vst v63  }
0x109: {  	s28 =	sshrl.u32 s25, $0x3  }
0x10a: {  	s0 =	sadd.s32 s2, s28  }
0x10b: {  	[hbm4b:s0+s3] =	stream.linear.scatter [tilespmem:s14], [sflag:$0x3], $0x6200, $0x38;
	[tilespmem:$0x18B90] =	vst v63  }
0x10c: {  	s29 =	sadd.s32 $0x64B0, s22;
	_ =	swait.ge [sflag:s15], $0x63C0  }
0x10d: {  	v2 =	vmov s29;
	[sflag:s15] =	ssyncset.done $0x0  }
0x10e: {  	s0 =	simm.s32 @!p1 $0x4;
	[sflag:s15] =	ssyncadd.s32 $0xFFFF9C40  }
0x10f: {  	_ =	swait.ge @!p1 [sflag:s0], $0x6200  }
0x110: {  	[sflag:s0] =	ssyncset.done @!p1 $0x0  }
0x111: {  	s30 =	simm.s32 $0x0;
	[sflag:s0] =	ssyncadd.s32 @!p1 $0xFFFF9E00  }
0x112: {  	v3 =	vld.idx.msk [tilespmem:v2+s30+$0xFFFFFF20 ss:$0x1], $0xffff;
	_ =	sdelay $0x3  }
0x113: {  	s25 =	simm.s32 $0x12A70  }
0x114: {  	[tilespmem:s25+$0xFFFFFF20] =	vst v3  }
0x115: {  	v3 =	vld.idx.msk [tilespmem:v2+s30+$0xFFFFFF30 ss:$0x1], $0xffff;
	_ =	sdelay $0x4  }
0x116: {  	[tilespmem:s25+$0xFFFFFF30] =	vst v3  }
0x117: {  	v3 =	vld.idx.msk [tilespmem:v2+s30+$0xFFFFFF40 ss:$0x1], $0xffff;
	_ =	sdelay $0x4  }
0x118: {  	[tilespmem:s25+$0xFFFFFF40] =	vst v3  }
0x119: {  	v3 =	vld.idx.msk [tilespmem:v2+s30+$0xFFFFFF50 ss:$0x1], $0xffff;
	_ =	sdelay $0x4  }
0x11a: {  	[tilespmem:s25+$0xFFFFFF50] =	vst v3  }
0x11b: {  	v3 =	vld.idx.msk [tilespmem:v2+s30+$0xFFFFFF60 ss:$0x1], $0xffff;
	_ =	sdelay $0x4  }
0x11c: {  	[tilespmem:s25+$0xFFFFFF60] =	vst v3  }
0x11d: {  	v3 =	vld.idx.msk [tilespmem:v2+s30+$0xFFFFFF70 ss:$0x1], $0xffff;
	_ =	sdelay $0x4  }
0x11e: {  	[tilespmem:s25+$0xFFFFFF70] =	vst v3  }
0x11f: {  	v3 =	vld.idx.msk [tilespmem:v2+s30+$0xFFFFFF80 ss:$0x1], $0xffff;
	_ =	sdelay $0x4  }
0x120: {  	[tilespmem:s25+$0xFFFFFF80] =	vst v3  }
0x121: {  	v3 =	vld.idx.msk [tilespmem:v2+s30+$0xFFFFFF90 ss:$0x1], $0xffff;
	_ =	sdelay $0x4  }
0x122: {  	[tilespmem:s25+$0xFFFFFF90] =	vst v3  }
0x123: {  	v3 =	vld.idx.msk [tilespmem:v2+s30+$0xFFFFFFA0 ss:$0x1], $0xffff;
	_ =	sdelay $0x4  }
0x124: {  	[tilespmem:s25+$0xFFFFFFA0] =	vst v3  }
0x125: {  	v3 =	vld.idx.msk [tilespmem:v2+s30+$0xFFFFFFB0 ss:$0x1], $0xffff;
	_ =	sdelay $0x4  }
0x126: {  	[tilespmem:s25+$0xFFFFFFB0] =	vst v3  }
0x127: {  	v3 =	vld.idx.msk [tilespmem:v2+s30+$0xFFFFFFC0 ss:$0x1], $0xffff;
	_ =	sdelay $0x4  }
0x128: {  	[tilespmem:s25+$0xFFFFFFC0] =	vst v3  }
0x129: {  	v3 =	vld.idx.msk [tilespmem:v2+s30+$0xFFFFFFD0 ss:$0x1], $0xffff;
	_ =	sdelay $0x4  }
0x12a: {  	[tilespmem:s25+$0xFFFFFFD0] =	vst v3  }
0x12b: {  	v3 =	vld.idx.msk [tilespmem:v2+s30+$0xFFFFFFE0 ss:$0x1], $0xffff;
	_ =	sdelay $0x4  }
0x12c: {  	[tilespmem:s25+$0xFFFFFFE0] =	vst v3  }
0x12d: {  	v3 =	vld.idx.msk [tilespmem:v2+s30+$0xFFFFFFF0 ss:$0x1], $0xffff;
	_ =	sdelay $0x4  }
0x12e: {  	[tilespmem:s25+$0xFFFFFFF0] =	vst v3  }
0x12f: {  	v3 =	vld.idx.msk [tilespmem:v2+s30+$0x0 ss:$0x1], $0xffff;
	_ =	sdelay $0x4  }
0x130: {  	[tilespmem:s25+$0x0] =	vst v3  }
0x131: {  	v3 =	vld.idx.msk [tilespmem:v2+s30+$0x10 ss:$0x1], $0xffff;
	_ =	sdelay $0x4  }
0x132: {  	[tilespmem:s25+$0x10] =	vst v3  }
0x133: {  	v3 =	vld.idx.msk [tilespmem:v2+s30+$0x20 ss:$0x1], $0xffff;
	_ =	sdelay $0x4  }
0x134: {  	[tilespmem:s25+$0x20] =	vst v3  }
0x135: {  	v3 =	vld.idx.msk [tilespmem:v2+s30+$0x30 ss:$0x1], $0xffff;
	_ =	sdelay $0x4  }
0x136: {  	[tilespmem:s25+$0x30] =	vst v3  }
0x137: {  	v3 =	vld.idx.msk [tilespmem:v2+s30+$0x40 ss:$0x1], $0xffff;
	_ =	sdelay $0x4  }
0x138: {  	[tilespmem:s25+$0x40] =	vst v3  }
0x139: {  	v3 =	vld.idx.msk [tilespmem:v2+s30+$0x50 ss:$0x1], $0xffff;
	_ =	sdelay $0x4  }
0x13a: {  	[tilespmem:s25+$0x50] =	vst v3  }
0x13b: {  	v3 =	vld.idx.msk [tilespmem:v2+s30+$0x60 ss:$0x1], $0xffff;
	_ =	sdelay $0x4  }
0x13c: {  	[tilespmem:s25+$0x60] =	vst v3  }
0x13d: {  	v3 =	vld.idx.msk [tilespmem:v2+s30+$0x70 ss:$0x1], $0xffff;
	_ =	sdelay $0x4  }
0x13e: {  	[tilespmem:s25+$0x70] =	vst v3  }
0x13f: {  	v3 =	vld.idx.msk [tilespmem:v2+s30+$0x80 ss:$0x1], $0xffff;
	_ =	sdelay $0x4  }
0x140: {  	[tilespmem:s25+$0x80] =	vst v3  }
0x141: {  	v3 =	vld.idx.msk [tilespmem:v2+s30+$0x90 ss:$0x1], $0xffff;
	_ =	sdelay $0x4  }
0x142: {  	[tilespmem:s25+$0x90] =	vst v3  }
0x143: {  	v3 =	vld.idx.msk [tilespmem:v2+s30+$0xA0 ss:$0x1], $0xffff;
	_ =	sdelay $0x4  }
0x144: {  	[tilespmem:s25+$0xA0] =	vst v3  }
0x145: {  	v3 =	vld.idx.msk [tilespmem:v2+s30+$0xB0 ss:$0x1], $0xffff;
	_ =	sdelay $0x4  }
0x146: {  	[tilespmem:s25+$0xB0] =	vst v3  }
0x147: {  	v3 =	vld.idx.msk [tilespmem:v2+s30+$0xC0 ss:$0x1], $0xffff;
	_ =	sdelay $0x4  }
0x148: {  	[tilespmem:s25+$0xC0] =	vst v3  }
0x149: {  	v3 =	vld.idx.msk [tilespmem:v2+s30+$0xD0 ss:$0x1], $0xffff;
	_ =	sdelay $0x2  }
0x14a: {  	s31 =	sor.u32 $0x1, s21  }
0x14b: {  	s0 =	ssub.s32 s31, s23  }
0x14c: {  	s26 =	simm.s32 $0xE40;
	s23 =	simm.s32 $0x1C8;
	s22 =	smul.u32 $0x38, s0;
	[tilespmem:s25+$0xD0] =	vst v3  }
.LBB2_5:
0x14d: {  	p1 =	sne.s32 s26, $0x187E0;
	v3 =	vld.idx.msk [tilespmem:v2+s23+$0xFFFFFF20 ss:$0x1], $0xffff;
	_ =	sdelay $0x4  }
0x14e: {  	s25 =	sadd.s32 $0x1C0, s25  }
0x14f: {  	[tilespmem:s25+$0xFFFFFF20] =	vst v3  }
0x150: {  	v3 =	vld.idx.msk [tilespmem:v2+s23+$0xFFFFFF30 ss:$0x1], $0xffff;
	_ =	sdelay $0x5  }
0x151: {  	[tilespmem:s25+$0xFFFFFF30] =	vst v3  }
0x152: {  	v3 =	vld.idx.msk [tilespmem:v2+s23+$0xFFFFFF40 ss:$0x1], $0xffff;
	_ =	sdelay $0x5  }
0x153: {  	[tilespmem:s25+$0xFFFFFF40] =	vst v3  }
0x154: {  	v3 =	vld.idx.msk [tilespmem:v2+s23+$0xFFFFFF50 ss:$0x1], $0xffff;
	_ =	sdelay $0x5  }
0x155: {  	[tilespmem:s25+$0xFFFFFF50] =	vst v3  }
0x156: {  	v3 =	vld.idx.msk [tilespmem:v2+s23+$0xFFFFFF60 ss:$0x1], $0xffff;
	_ =	sdelay $0x5  }
0x157: {  	[tilespmem:s25+$0xFFFFFF60] =	vst v3  }
0x158: {  	v3 =	vld.idx.msk [tilespmem:v2+s23+$0xFFFFFF70 ss:$0x1], $0xffff;
	_ =	sdelay $0x5  }
0x159: {  	[tilespmem:s25+$0xFFFFFF70] =	vst v3  }
0x15a: {  	v3 =	vld.idx.msk [tilespmem:v2+s23+$0xFFFFFF80 ss:$0x1], $0xffff;
	_ =	sdelay $0x5  }
0x15b: {  	[tilespmem:s25+$0xFFFFFF80] =	vst v3  }
0x15c: {  	v3 =	vld.idx.msk [tilespmem:v2+s23+$0xFFFFFF90 ss:$0x1], $0xffff;
	_ =	sdelay $0x5  }
0x15d: {  	[tilespmem:s25+$0xFFFFFF90] =	vst v3  }
0x15e: {  	v3 =	vld.idx.msk [tilespmem:v2+s23+$0xFFFFFFA0 ss:$0x1], $0xffff;
	_ =	sdelay $0x5  }
0x15f: {  	[tilespmem:s25+$0xFFFFFFA0] =	vst v3  }
0x160: {  	v3 =	vld.idx.msk [tilespmem:v2+s23+$0xFFFFFFB0 ss:$0x1], $0xffff;
	_ =	sdelay $0x5  }
0x161: {  	[tilespmem:s25+$0xFFFFFFB0] =	vst v3  }
0x162: {  	v3 =	vld.idx.msk [tilespmem:v2+s23+$0xFFFFFFC0 ss:$0x1], $0xffff;
	_ =	sdelay $0x5  }
0x163: {  	[tilespmem:s25+$0xFFFFFFC0] =	vst v3  }
0x164: {  	v3 =	vld.idx.msk [tilespmem:v2+s23+$0xFFFFFFD0 ss:$0x1], $0xffff;
	_ =	sdelay $0x5  }
0x165: {  	[tilespmem:s25+$0xFFFFFFD0] =	vst v3  }
0x166: {  	v3 =	vld.idx.msk [tilespmem:v2+s23+$0xFFFFFFE0 ss:$0x1], $0xffff;
	_ =	sdelay $0x5  }
0x167: {  	[tilespmem:s25+$0xFFFFFFE0] =	vst v3  }
0x168: {  	v3 =	vld.idx.msk [tilespmem:v2+s23+$0xFFFFFFF0 ss:$0x1], $0xffff;
	_ =	sdelay $0x5  }
0x169: {  	[tilespmem:s25+$0xFFFFFFF0] =	vst v3  }
0x16a: {  	v3 =	vld.idx.msk [tilespmem:v2+s23+$0x0 ss:$0x1], $0xffff;
	_ =	sdelay $0x5  }
0x16b: {  	[tilespmem:s25+$0x0] =	vst v3  }
0x16c: {  	v3 =	vld.idx.msk [tilespmem:v2+s23+$0x10 ss:$0x1], $0xffff;
	_ =	sdelay $0x5  }
0x16d: {  	[tilespmem:s25+$0x10] =	vst v3  }
0x16e: {  	v3 =	vld.idx.msk [tilespmem:v2+s23+$0x20 ss:$0x1], $0xffff;
	_ =	sdelay $0x5  }
0x16f: {  	[tilespmem:s25+$0x20] =	vst v3  }
0x170: {  	v3 =	vld.idx.msk [tilespmem:v2+s23+$0x30 ss:$0x1], $0xffff;
	_ =	sdelay $0x5  }
0x171: {  	[tilespmem:s25+$0x30] =	vst v3  }
0x172: {  	v3 =	vld.idx.msk [tilespmem:v2+s23+$0x40 ss:$0x1], $0xffff;
	_ =	sdelay $0x5  }
0x173: {  	[tilespmem:s25+$0x40] =	vst v3  }
0x174: {  	v3 =	vld.idx.msk [tilespmem:v2+s23+$0x50 ss:$0x1], $0xffff;
	_ =	sdelay $0x5  }
0x175: {  	[tilespmem:s25+$0x50] =	vst v3  }
0x176: {  	v3 =	vld.idx.msk [tilespmem:v2+s23+$0x60 ss:$0x1], $0xffff;
	_ =	sdelay $0x5  }
0x177: {  	[tilespmem:s25+$0x60] =	vst v3  }
0x178: {  	v3 =	vld.idx.msk [tilespmem:v2+s23+$0x70 ss:$0x1], $0xffff;
	_ =	sdelay $0x5  }
0x179: {  	[tilespmem:s25+$0x70] =	vst v3  }
0x17a: {  	v3 =	vld.idx.msk [tilespmem:v2+s23+$0x80 ss:$0x1], $0xffff;
	_ =	sdelay $0x5  }
0x17b: {  	[tilespmem:s25+$0x80] =	vst v3  }
0x17c: {  	v3 =	vld.idx.msk [tilespmem:v2+s23+$0x90 ss:$0x1], $0xffff;
	_ =	sdelay $0x5  }
0x17d: {  	[tilespmem:s25+$0x90] =	vst v3  }
0x17e: {  	v3 =	vld.idx.msk [tilespmem:v2+s23+$0xA0 ss:$0x1], $0xffff;
	_ =	sdelay $0x5  }
0x17f: {  	[tilespmem:s25+$0xA0] =	vst v3  }
0x180: {  	v3 =	vld.idx.msk [tilespmem:v2+s23+$0xB0 ss:$0x1], $0xffff;
	_ =	sdelay $0x5  }
0x181: {  	[tilespmem:s25+$0xB0] =	vst v3  }
0x182: {  	v3 =	vld.idx.msk [tilespmem:v2+s23+$0xC0 ss:$0x1], $0xffff;
	_ =	sdelay $0x5  }
0x183: {  	[tilespmem:s25+$0xC0] =	vst v3  }
0x184: {  	v3 =	vld.idx.msk [tilespmem:v2+s23+$0xD0 ss:$0x1], $0xffff;
	_ =	sdelay $0x1  }
.Ltmp1:
0x185: {  	(pc) =	sbr.rel @p1 .LBB2_5-.Ltmp1, $2  }
0x186: {  	_ =	sdelay $0x2  }
0x187: {  	s23 =	sshra.s32 s26, $0x2;
	s26 =	sadd.s32 $0x720, s26;
	[tilespmem:s25+$0xD0] =	vst v3  }
0x188: {  	_ =	sdelay $0x3  }
0x189: {  	v3 =	vld.idx.msk [tilespmem:v2+s23+$0xFFFFFF20 ss:$0x1], $0xffff;
	_ =	sdelay $0x3  }
0x18a: {  	s25 =	sadd.s32 $0x1C0, s25  }
0x18b: {  	[tilespmem:s25+$0xFFFFFF20] =	vst v3  }
0x18c: {  	v3 =	vld.idx.msk [tilespmem:v2+s23+$0xFFFFFF30 ss:$0x1], $0xffff;
	_ =	sdelay $0x4  }
0x18d: {  	[tilespmem:s25+$0xFFFFFF30] =	vst v3  }
0x18e: {  	v3 =	vld.idx.msk [tilespmem:v2+s23+$0xFFFFFF40 ss:$0x1], $0xffff;
	_ =	sdelay $0x4  }
0x18f: {  	[tilespmem:s25+$0xFFFFFF40] =	vst v3  }
0x190: {  	v3 =	vld.idx.msk [tilespmem:v2+s23+$0xFFFFFF50 ss:$0x1], $0xffff;
	_ =	sdelay $0x4  }
0x191: {  	[tilespmem:s25+$0xFFFFFF50] =	vst v3  }
0x192: {  	v3 =	vld.idx.msk [tilespmem:v2+s23+$0xFFFFFF60 ss:$0x1], $0xffff;
	_ =	sdelay $0x4  }
0x193: {  	[tilespmem:s25+$0xFFFFFF60] =	vst v3  }
0x194: {  	v3 =	vld.idx.msk [tilespmem:v2+s23+$0xFFFFFF70 ss:$0x1], $0xffff;
	_ =	sdelay $0x4  }
0x195: {  	[tilespmem:s25+$0xFFFFFF70] =	vst v3  }
0x196: {  	v3 =	vld.idx.msk [tilespmem:v2+s23+$0xFFFFFF80 ss:$0x1], $0xffff;
	_ =	sdelay $0x4  }
0x197: {  	[tilespmem:s25+$0xFFFFFF80] =	vst v3  }
0x198: {  	v3 =	vld.idx.msk [tilespmem:v2+s23+$0xFFFFFF90 ss:$0x1], $0xffff;
	_ =	sdelay $0x4  }
0x199: {  	[tilespmem:s25+$0xFFFFFF90] =	vst v3  }
0x19a: {  	v3 =	vld.idx.msk [tilespmem:v2+s23+$0xFFFFFFA0 ss:$0x1], $0xffff;
	_ =	sdelay $0x4  }
0x19b: {  	[tilespmem:s25+$0xFFFFFFA0] =	vst v3  }
0x19c: {  	v3 =	vld.idx.msk [tilespmem:v2+s23+$0xFFFFFFB0 ss:$0x1], $0xffff;
	_ =	sdelay $0x4  }
0x19d: {  	[tilespmem:s25+$0xFFFFFFB0] =	vst v3  }
0x19e: {  	v3 =	vld.idx.msk [tilespmem:v2+s23+$0xFFFFFFC0 ss:$0x1], $0xffff;
	_ =	sdelay $0x4  }
0x19f: {  	[tilespmem:s25+$0xFFFFFFC0] =	vst v3  }
0x1a0: {  	v3 =	vld.idx.msk [tilespmem:v2+s23+$0xFFFFFFD0 ss:$0x1], $0xffff;
	_ =	sdelay $0x4  }
0x1a1: {  	[tilespmem:s25+$0xFFFFFFD0] =	vst v3  }
0x1a2: {  	v3 =	vld.idx.msk [tilespmem:v2+s23+$0xFFFFFFE0 ss:$0x1], $0xffff;
	_ =	sdelay $0x4  }
0x1a3: {  	[tilespmem:s25+$0xFFFFFFE0] =	vst v3  }
0x1a4: {  	v3 =	vld.idx.msk [tilespmem:v2+s23+$0xFFFFFFF0 ss:$0x1], $0xffff;
	_ =	sdelay $0x4  }
0x1a5: {  	[tilespmem:s25+$0xFFFFFFF0] =	vst v3  }
0x1a6: {  	v3 =	vld.idx.msk [tilespmem:v2+s23+$0x0 ss:$0x1], $0xffff;
	_ =	sdelay $0x4  }
0x1a7: {  	[tilespmem:s25+$0x0] =	vst v3  }
0x1a8: {  	v3 =	vld.idx.msk [tilespmem:v2+s23+$0x10 ss:$0x1], $0xffff;
	_ =	sdelay $0x4  }
0x1a9: {  	[tilespmem:s25+$0x10] =	vst v3  }
0x1aa: {  	v3 =	vld.idx.msk [tilespmem:v2+s23+$0x20 ss:$0x1], $0xffff;
	_ =	sdelay $0x4  }
0x1ab: {  	[tilespmem:s25+$0x20] =	vst v3  }
0x1ac: {  	v3 =	vld.idx.msk [tilespmem:v2+s23+$0x30 ss:$0x1], $0xffff;
	_ =	sdelay $0x4  }
0x1ad: {  	[tilespmem:s25+$0x30] =	vst v3  }
0x1ae: {  	v3 =	vld.idx.msk [tilespmem:v2+s23+$0x40 ss:$0x1], $0xffff;
	_ =	sdelay $0x4  }
0x1af: {  	[tilespmem:s25+$0x40] =	vst v3  }
0x1b0: {  	v3 =	vld.idx.msk [tilespmem:v2+s23+$0x50 ss:$0x1], $0xffff;
	_ =	sdelay $0x4  }
0x1b1: {  	[tilespmem:s25+$0x50] =	vst v3  }
0x1b2: {  	v3 =	vld.idx.msk [tilespmem:v2+s23+$0x60 ss:$0x1], $0xffff;
	_ =	sdelay $0x4  }
0x1b3: {  	[tilespmem:s25+$0x60] =	vst v3  }
0x1b4: {  	v3 =	vld.idx.msk [tilespmem:v2+s23+$0x70 ss:$0x1], $0xffff  }
0x1b5: {  	s0 =	sadd.s32 @!p0 $0x3, s21  }
0x1b6: {  	s21 =	sshrl.u32 @!p0 s0, $0x2  }
0x1b7: {  	s26 =	sand.u32 @!p0 $0xE, s21  }
0x1b8: {  	v5 =	vlaneseq.u32 @!p0;
	s21 =	sor.u32 @!p0 $0x1, s21;
	v4 =	vmov @!p0 s26  }
0x1b9: {  	vm2 =	veq.s32 @!p0 v4, v5;
	[tilespmem:s25+$0x70] =	vst v3;
	v3 =	vmov @!p0 s21  }
0x1ba: {  	v4 =	vnsel @!p0 vm2, $0x80000000, v1;
	vm2 =	veq.s32 @!p0 v3, v5;
	v3 =	vld.idx.msk [tilespmem:v2+s23+$0x80 ss:$0x1], $0xffff;
	_ =	sdelay $0x1  }
0x1bb: {  	(xrf0) =	vmax.scan.msk.u32 @!p0 $0xffff, v4;
	v4 =	vnsel @!p0 vm2, $0x80000000, v1  }
0x1bc: {  	(xrf0) =	vmax.scan.msk.u32 @!p0 $0xffff, v4;
	_ =	sdelay $0x1  }
0x1bd: {  	[tilespmem:s25+$0x80] =	vst v3  }
0x1be: {  	v3 =	vld.idx.msk [tilespmem:v2+s23+$0x90 ss:$0x1], $0xffff;
	_ =	sdelay $0x1  }
0x1bf: {  	v4, _, _ =	vpop @!p0 (xrf0)  }
0x1c0: {  	(v2sf) =	vpush @!p0 v4, $0xF;
	v4, _, _ =	vpop @!p0 (xrf0)  }
0x1c1: {  	(v2sf) =	vpush @!p0 v4, $0xF  }
0x1c2: {  	[tilespmem:s25+$0x90] =	vst v3  }
0x1c3: {  	v3 =	vld.idx.msk [tilespmem:v2+s23+$0xA0 ss:$0x1], $0xffff;
	_ =	sdelay $0x4  }
0x1c4: {  	[tilespmem:s25+$0xA0] =	vst v3  }
0x1c5: {  	v3 =	vld.idx.msk [tilespmem:v2+s23+$0xB0 ss:$0x1], $0xffff;
	_ =	sdelay $0x4  }
0x1c6: {  	[tilespmem:s25+$0xB0] =	vst v3  }
0x1c7: {  	s21 =	spop @!p0 (v2sf);
	v3 =	vld.idx.msk [tilespmem:v2+s23+$0xC0 ss:$0x1], $0xffff  }
0x1c8: {  	s0 =	sand.u32 @!p0 $0x7, s0;
	s26 =	spop @!p0 (v2sf)  }
0x1c9: {  	s0 =	smul.u32 @!p0 $0x38, s0;
	s28 =	sxor.u32 @!p0 $0x80000000, s26  }
0x1ca: {  	p1 =	sgt.s32 @!p0 s26, $0xFFFFFFFF;
	s26 =	sand.u32 @!p0 $0x7, s26;
	p3 =	slt.s32 @!p0 s28, $0x1  }
0x1cb: {  	p2 =	sne.s32 @!p0 s26, $0x0;
	s26 =	sshra.s32 @!p0 s28, $0x1F;
	p1 =	por @!p0 p1, p3  }
0x1cc: {  	s0 =	sadd.s32 @!p0 s0, s21;
	s26 =	sshrl.u32 @!p0 s26, $0x1D;
	p1 =	por @!p0 !p2, !p1;
	[tilespmem:s25+$0xC0] =	vst v3  }
0x1cd: {  	s0 =	sshll.u32 @!p0 s0, $0x6;
	s26 =	sadd.s32 @!p0 s26, s28;
	p1 =	por @!p0 !p1, !p1;
	v2 =	vld.idx.msk [tilespmem:v2+s23+$0xD0 ss:$0x1], $0xffff  }
0x1ce: {  	s21 =	sshrl.u32 @!p0 s26, $0x3;
	s23 =	simm.s32 @!p0 $0x1;
	p1 =	por !p1, p0  }
0x1cf: {  	s0 =	sadd.s32 @!p0 s21, s0;
	s23 =	simm.s32 @p1 $0x0  }
0x1d0: {  	s22 =	sadd.s32 s24, s22;
	s0 =	ssub.s32 @!p0 s0, s23  }
0x1d1: {  	s24 =	simm.s32 @!p0 $0x63D0;
	s20 =	sadd.s32 $0x1, s20;
	s0 =	sand.u32 @!p0 $0x1FFFFFFF, s0  }
0x1d2: {  	s21 =	simm.s32 @!p0 $0x1C8;
	s23 =	simm.s32 @!p0 $0x200;
	s0 =	sadd.s32 @!p0 s4, s0;
	[tilespmem:s25+$0xD0] =	vst v2  }
0x1d3: {  	[tilespmem:s24], [sflag:$0x2] =	stream.strided.gather @!p0 [hbm4b:s0+s21], $0x63C0, s23, s21, $0x38;
	[tilespmem:$0x18B90] =	vst v63  }
0x1d4: {  	s22 =	smul.u32 $0x1C0, s22;
	p0 =	sne.s32 s20, $0x10  }
.Ltmp2:
0x1d5: {  	_ = 	snop;
	(pc) =	sbr.rel @p0 .LBB2_2-.Ltmp2, $4  }
0x1d6: {  	_ = 	snop  }
0x1d7: {  	s31 =	sshrl.u32 s22, $0x3  }
0x1d8: {  	s0 =	sadd.s32 s2, s31  }
0x1d9: {  	[hbm4b:s0+s3] =	stream.linear.scatter [tilespmem:s16], [sflag:$0x4], $0x6200, $0x38;
	[tilespmem:$0x18B90] =	vst v63  }
0x1da: {  	s19 =	sadd.s32 $0x1, s19  }
0x1db: {  	_ =	swait.ge [sflag:s17], $0x6200;
	p0 =	sne.s32 s19, s7  }
.Ltmp3:
0x1dc: {  	[sflag:s17] =	ssyncset.done $0x0;
	(pc) =	sbr.rel @p0 .LBB2_1-.Ltmp3, $4  }
0x1dd: {  	[sflag:s17] =	ssyncadd.s32 $0xFFFF9E00  }
0x1de: {  	_ =	swait.ge [sflag:s18], $0x6200  }
0x1df: {  	[sflag:s18] =	ssyncset.done $0x0  }
0x1e0: {  	[sflag:s18] =	ssyncadd.s32 $0xFFFF9E00  }
0x1e1: {  	_ =	sfence.sel $0x180000  }
0x1e2: {  	[bflag:$0x0] =	sbarrier.arrive $0xFFFF  }
0x1e3: {  	_ =	strace $0x9000004A  }
0x1e4: {  	[bflag:$0x2] =	sbarrier.arrive $0xFFFF  }
0x1e5: {  	p0 =	sne.s32 s1, $0x0;
	s0 =	rddreg [dreg:$0x2]  }
0x1e6: {  	s0 =	sadd.s32 @!p0 $0x100000, s0  }
0x1e7: {  	[sflag:s0] =	ssyncadd.tile.s32 @!p0 $0x1;
	_ =	shalt  }
.Lfunc_end2:
_tile_overlayer_lowered:
.L_overlay_start_2:
0x1e8: {  	(tag) =	ssettag $0x2  }
0x1e9: {  	s0 =	rddreg [dreg:$0x0];
	s2 =	stileid.u32  }
0x1ea: {  	s1 =	rddreg [dreg:$0x1];
	p0 =	sne.s32 s2, $0x0  }
0x1eb: {  	s3 =	rddreg [dreg:$0x2];
	[bflag:$0x3] =	sbarrier.arrive $0xFFFF;
	s2 =	simm.s32 @!p0 $0x1C05  }
0x1ec: {  	[timem:s3], [sflag:s2] =	dma.local @!p0 [hbm:s0], s1  }
0x1ed: {  	s0 =	simm.s32 @!p0 $0x5  }
0x1ee: {  	_ =	swait.ge @!p0 [sflag:s0], s1  }
0x1ef: {  	s1 =	ssub.s32 @!p0 $0x0, s1;
	[sflag:s0] =	ssyncset.done @!p0 $0x0  }
0x1f0: {  	[sflag:s0] =	ssyncadd.s32 @!p0 s1  }
0x1f1: {  	[bflag:$0x3] =	sbarrier.arrive $0xFFFF  }
0x1f2: {  	_ =	shalt  }

// kernel: sparse-core-data-format-call.1.cloned.1.call-start
scs
called_computation.1_lowered:
.L_overlay_start_0:
0x0: {  	s2 =	sld [smem:$0x3FD9]  }
0x1: {  	s3 =	sld [smem:$0x3FFE];
	_ =	sdelay $0x1  }
0x2: {  	s1 =	srdreg.scid  }
0x3: {  	s0 =	sand.u32 $0x1, s1  }
0x4: {  	s18 =	sshll.u32 s0, $0xA;
	s2 =	sadd.s32 s3, s2  }
0x5: {  	s2 =	sadd.s32 s2, s18  }
0x6: {  	[smem:$0x3FC7] =	sst s2  }
0x7: {  	_ = 	snop  }
0x8: {  	s2 =	sld [smem:$0x3FC9];
	(tm) =	ssettm $0x1  }
0x9: {  	s19 =	sld [smem:$0x3FFB];
	_ =	sdelay $0x3  }
0xa: {  	_ =	strace s19  }
0xb: {  	s3 =	sld [smem:$0x3FFC];
	_ =	sdelay $0x3  }
0xc: {  	_ =	strace s3  }
0xd: {  	s3 =	sld [smem:$0x3FFD];
	_ =	sdelay $0x3  }
0xe: {  	_ =	strace s3  }
0xf: {  	_ =	strace $0x8FFFFFFF  }
0x10: {  	s20 =	sld [smem:$0x3FDB];
	_ =	sdelay $0x1  }
0x11: {  	s4 =	simm.s32 $_scs_section_size  }
0x12: {  	s5 =	simm.s32 $_size__tile_overlayer_lowered;
	s6 =	simm.s32 $_tile_overlayer_lowered  }
0x13: {  	s23 =	simm.s32 $0x1BFF;
	s22 =	sshll.u32 s6, $0x1;
	s3 =	sadd.s32 s4, s20  }
0x14: {  	s7 =	simm.s32 $0x0;
	s21 =	sshll.u32 s5, $0x1;
	s5 =	sadd.s32 s22, s3  }
0x15: {  	[timem:s7], [sflag:s23] =	dma.local [hbm:s5], s21  }
0x16: {  	_ =	swait.ge [sflag:s23], s21  }
0x17: {  	s4 =	ssub.s32 $0x0, s21;
	[sflag:s23] =	ssyncset.done $0x0  }
0x18: {  	[sflag:s23] =	ssyncadd.s32 s4;
	_ =	sdelay $0x1  }
0x19: {  	s24 =	simm.s32 $0x1B8B  }
0x1a: {  	_ =	swait.ge [sflag:s24], $0x1  }
0x1b: {  	[sflag:s24] =	ssyncset.done $0x0  }
0x1c: {  	s26 =	simm.s32 $0x1B8E;
	s25 =	sld [smem:$0x3FFE];
	[sflag:s24] =	ssyncadd.s32 $0xFFFFFFFF  }
0x1d: {  	s27 =	simm.s32 $execute0_lowered;
	[smem:$0x3FD2] =	sst s26  }
0x1e: {  	s5 =	sshll.u32 s27, $0x1;
	_ =	strace $0x80000046;
	[dreg:$0x1] =	wrdreg $0xFFFFFFFF  }
0x1f: {  	s28 =	simm.s32 $_size_execute0_lowered;
	s3 =	sadd.s32 s3, s5;
	[dreg:$0x0] =	wrdreg $0x0  }
0x20: {  	s5 =	sshll.u32 s28, $0x1;
	[dreg:$0x2] =	wrdreg s3  }
0x21: {  	[dreg:$0x3] =	wrdreg s5  }
0x22: {  	[dreg:$0x4] =	wrdreg $0xC0  }
0x23: {  	_ =	task [dreg:s7], $0x5FFFF  }
0x24: {  	[dreg:$0x1] =	wrdreg $0xFFFFFFFF  }
0x25: {  	[dreg:$0x0] =	wrdreg $0x60  }
0x26: {  	[dreg:$0x2] =	wrdreg s2  }
0x27: {  	[dreg:$0x3] =	wrdreg s25  }
0x28: {  	[dreg:$0x4] =	wrdreg $0x9  }
0x29: {  	_ =	task.clear_ibuf [dreg:s7], $0x5FFFF;
	_ =	strace $0x90000046  }
0x2a: {  	s29 =	simm.s32 $0x9;
	_ =	strace $0x80000048  }
0x2b: {  	_ =	swait.ge [sflag:s29], $0x1  }
0x2c: {  	[sflag:s29] =	ssyncadd.s32 $0xFFFFFFFF  }
0x2d: {  	_ =	strace $0x90000048  }
0x2e: {  	_ =	sfence  }
0x2f: {  	s30 =	sld [smem:$0x0];
	_ =	sdelay $0x2  }
0x30: {  	s31 =	sshll.u32 s1, $0xD;
	s1 =	sshrl.u32 s1, $0x2  }
0x31: {  	s3 =	sand.u32 $0x4000, s31;
	s1 =	sadd.s32 s1, s30  }
0x32: {  	s0 =	sor.u32 s3, s0;
	s1 =	sshll.u32 s1, $0x11  }
0x33: {  	s0 =	sor.u32 s1, s0  }
0x34: {  	s0 =	sadd.s32 $0x8F2B, s0  }
0x35: {  	[sflag:s0] =	ssyncadd.remote.s32 $0x1  }
0x36: {  	_ =	sfence.sel $0xFFFF  }
0x37: {  	[dreg:$0x0] =	wrdreg $0xFFFFFFFF;
	(pc) =	sbr.abs _section_cstart, $3  }
0x38: {  	[dreg:$0x1] =	wrdreg $0xFFFFFFFF  }
0x39: {  	_ =	task.clear_ibuf [dreg:s7], $0x2FFFF;
	_ =	strace $0x9FFFFFFF  }
0x3a: {  	(tm) =	ssettm $0x7FFFFFFF  }
0x3b: {  	_ =	shalt  }
tec
execute0_lowered:
.L_overlay_start_1:
0x0: {  	(tag) =	ssettag $0x1  }
0x1: {  	s0 =	srdreg.scid  }
0x2: {  	s1 =	sshll.u32 s0, $0x4  }
0x3: {  	s2 =	rddreg [dreg:$0x0];
	s0 =	stileid.u32;
	s1 =	sand.u32 $0x10, s1  }
0x4: {  	s4 =	rddreg [dreg:$0x1];
	s7 =	simm.s32 $0x1;
	s1 =	sor.u32 s0, s1  }
0x5: {  	s8 =	simm.s32 $0x2;
	s9 =	simm.s32 $0x0;
	s3 =	sshll.u32 s1, $0x2  }
0x6: {  	s12 =	simm.s32 $0x0;
	s11 =	simm.s32 $0x0;
	s6 =	ssub.s32 $0x2000, s3  }
.Ltmp0:
0x7: {  	s4 =	sadd.s32 $0x1600, s4;
	s5 =	sand.u32 $0x7C, s6;
	(pc) =	sbr.rel .LBB1_1-.Ltmp0, $4  }
0x8: {  	s1 =	rddreg [dreg:$0x2];
	_ =	strace $0x80000047;
	p0 =	sne.s32 s5, $0x0  }
0x9: {  	s6 =	sshrl.u32 s6, $0x7;
	s5 =	simm.s32 $0x1;
	s7 =	simm.s32 @!p0 $0x0  }
0xa: {  	s10 =	smov.u32 s3;
	[sflag:s5] =	ssyncpa.u1 $0x0;
	s6 =	sadd.s32 s7, s6  }
0xb: {  	[sflag:s8] =	ssyncpa.u1 $0x0;
	s8 =	simm.s32 $0x0;
	s7 =	sadd.s32 $0x1, s6  }
.LBB1_9:
0xc: {  	s14 =	sadd.s32 $0x80, s10  }
0xd: {  	p1 =	sgt.s32 s14, $0x1FFF  }
0xe: {  	s14 =	smov.u32 @p1 s3;
	p1 =	sne.s32 s11, s7  }
.Ltmp1:
0xf: {  	p0 =	slt.u32 s11, $0x2;
	(pc) =	sbr.rel @!p1 .LBB1_10-.Ltmp1, $4  }
0x10: {  	s13 =	simm.s32 @!p0 $0x2  }
0x11: {  	s15 =	sadd.s32 $0x1, s11;
	_ =	swait.ge @!p0 [sflag:s13], $0x4000  }
0x12: {  	s12 =	smov.u32 s10;
	s9 =	sadd.s32 $0x4000, s9;
	[sflag:s13] =	ssyncset.done @!p0 $0x0  }
0x13: {  	s11 =	smov.u32 s15;
	s10 =	smov.u32 s14;
	[sflag:s13] =	ssyncadd.s32 @!p0 $0xFFFFC000  }
.LBB1_1:
0x14: {  	p0 =	sge.u32 s11, s6  }
0x15: {  	s13 =	sxor.u32 @!p0 $0xFFFFFFFF, s11  }
0x16: {  	s31 =	sadd.s32 $0xFFFFFFFF, s11;
	s14 =	sshll.u32 @!p0 s10, $0x9;
	s13 =	sshll.u32 @!p0 s13, $0xE  }
0x17: {  	s15 =	simm.s32 @!p0 $0x0;
	s14 =	sadd.s32 @!p0 s2, s14;
	s13 =	sand.u32 @!p0 $0x4000, s13  }
0x18: {  	[tilespmem:s13], [sflag:$0x1] =	stream.linear.gather @!p0 [hbm4b:s14+s15], $0x4000, $0x38;
	[tilespmem:$0x10000] =	vst v63  }
0x19: {  	p0 =	sge.u32 s31, s6  }
.Ltmp2:
0x1a: {  	_ = 	snop;
	(pc) =	sbr.rel @p0 .LBB1_9-.Ltmp2, $1  }
0x1b: {  	_ =	sdelay $0x3  }
0x1c: {  	s14 =	sand.u32 $0x4000, s9  }
0x1d: {  	_ =	swait.ge [sflag:s5], $0x4000;
	s15 =	sshll.u32 s11, $0xE;
	s16 =	simm.s32 $0x0  }
0x1e: {  	s13 =	sor.u32 $0x40, s14;
	[sflag:s5] =	ssyncset.done $0x0;
	s15 =	sand.u32 $0x4000, s15  }
0x1f: {  	s14 =	sor.u32 $0x8040, s14;
	[sflag:s5] =	ssyncadd.s32 $0xFFFFC000;
	s15 =	sor.u32 $0x8000, s15  }
.LBB1_3:
0x20: {  	s17 =	smov.u32 s14;
	s18 =	smov.u32 s13;
	s19 =	simm.s32 $0x0  }
.LBB1_4:
0x21: {  	v0 =	vmov s17;
	v2 =	vld [tilespmem:s18+$0x30]  }
0x22: {  	v4 =	vld [tilespmem:s18+$0xFFFFFFD0]  }
0x23: {  	v6 =	vld [tilespmem:s18+$0xFFFFFFE0]  }
0x24: {  	v7 =	vld [tilespmem:s18+$0xFFFFFFF0]  }
0x25: {  	s20 =	simm.s32 $0x0;
	v1 =	vld [tilespmem:s18+$0x0]  }
0x26: {  	v3 =	vld [tilespmem:s18+$0x10];
	[tilespmem:v0+s20+$0x30 ss:$0x1] =	vst.idx.msk $0xffff, v2  }
0x27: {  	v5 =	vld [tilespmem:s18+$0x20];
	[tilespmem:v0+s20+$0xFFFFFFD0 ss:$0x1] =	vst.idx.msk $0xffff, v4  }
0x28: {  	s21 =	sadd.s32 $0x80, s18;
	v2 =	vld [tilespmem:s18+$0xFFFFFFC0];
	[tilespmem:v0+s20+$0xFFFFFFE0 ss:$0x1] =	vst.idx.msk $0xffff, v6  }
0x29: {  	s22 =	simm.s32 $0x800;
	s23 =	simm.s32 $0x1000;
	v4 =	vld [tilespmem:s21+$0x30];
	[tilespmem:v0+s20+$0xFFFFFFF0 ss:$0x1] =	vst.idx.msk $0xffff, v7  }
.LBB1_5:
0x2a: {  	p0 =	sne.s32 s23, $0x3800;
	v6 =	vld [tilespmem:s21+$0xFFFFFFD0];
	[tilespmem:v0+s20+$0x0 ss:$0x1] =	vst.idx.msk $0xffff, v1  }
0x2b: {  	v7 =	vld [tilespmem:s21+$0xFFFFFFE0];
	[tilespmem:v0+s20+$0x10 ss:$0x1] =	vst.idx.msk $0xffff, v3  }
0x2c: {  	v8 =	vld [tilespmem:s21+$0xFFFFFFF0];
	[tilespmem:v0+s20+$0x20 ss:$0x1] =	vst.idx.msk $0xffff, v5  }
.Ltmp3:
0x2d: {  	v1 =	vld [tilespmem:s21+$0x0];
	[tilespmem:v0+s20+$0xFFFFFFC0 ss:$0x1] =	vst.idx.msk $0xffff, v2;
	s20 =	sshra.s32 s22, $0x2;
	s22 =	smov.u32 s23;
	(pc) =	sbr.rel @p0 .LBB1_5-.Ltmp3, $4  }
0x2e: {  	v3 =	vld [tilespmem:s21+$0x10];
	[tilespmem:v0+s20+$0x30 ss:$0x1] =	vst.idx.msk $0xffff, v4  }
0x2f: {  	[tilespmem:v0+s20+$0xFFFFFFD0 ss:$0x1] =	vst.idx.msk $0xffff, v6;
	v5 =	vld [tilespmem:s21+$0x20]  }
0x30: {  	v2 =	vld [tilespmem:s21+$0xFFFFFFC0];
	[tilespmem:v0+s20+$0xFFFFFFE0 ss:$0x1] =	vst.idx.msk $0xffff, v7;
	s21 =	sadd.s32 $0x80, s21  }
0x31: {  	s23 =	sadd.s32 $0x800, s23;
	v4 =	vld [tilespmem:s21+$0x30];
	[tilespmem:v0+s20+$0xFFFFFFF0 ss:$0x1] =	vst.idx.msk $0xffff, v8  }
0x32: {  	_ =	sdelay $0x3  }
0x33: {  	v6 =	vld [tilespmem:s21+$0xFFFFFFD0];
	[tilespmem:v0+s20+$0x0 ss:$0x1] =	vst.idx.msk $0xffff, v1  }
0x34: {  	v58 =	vld [tilespmem:s21+$0xFFFFFFE0];
	[tilespmem:v0+s20+$0x10 ss:$0x1] =	vst.idx.msk $0xffff, v3  }
0x35: {  	v59 =	vld [tilespmem:s21+$0xFFFFFFF0];
	[tilespmem:v0+s20+$0x20 ss:$0x1] =	vst.idx.msk $0xffff, v5  }
0x36: {  	s22 =	sshra.s32 s22, $0x2;
	v60 =	vld [tilespmem:s21+$0x0];
	[tilespmem:v0+s20+$0xFFFFFFC0 ss:$0x1] =	vst.idx.msk $0xffff, v2  }
0x37: {  	v61 =	vld [tilespmem:s21+$0x10];
	[tilespmem:v0+s22+$0x30 ss:$0x1] =	vst.idx.msk $0xffff, v4  }
0x38: {  	v62 =	vld [tilespmem:s21+$0x20];
	s19 =	sadd.s32 $0x1, s19;
	[tilespmem:v0+s22+$0xFFFFFFD0 ss:$0x1] =	vst.idx.msk $0xffff, v6  }
0x39: {  	v63 =	vld [tilespmem:s21+$0xFFFFFFC0];
	p0 =	sne.s32 s19, $0x4;
	[tilespmem:v0+s22+$0xFFFFFFE0 ss:$0x1] =	vst.idx.msk $0xffff, v58  }
.Ltmp4:
0x3a: {  	[tilespmem:v0+s22+$0xFFFFFFF0 ss:$0x1] =	vst.idx.msk $0xffff, v59;
	(pc) =	sbr.rel @p0 .LBB1_4-.Ltmp4, $4  }
0x3b: {  	[tilespmem:v0+s22+$0x0 ss:$0x1] =	vst.idx.msk $0xffff, v60  }
0x3c: {  	[tilespmem:v0+s22+$0x10 ss:$0x1] =	vst.idx.msk $0xffff, v61  }
0x3d: {  	[tilespmem:v0+s22+$0x20 ss:$0x1] =	vst.idx.msk $0xffff, v62  }
0x3e: {  	s18 =	sadd.s32 $0x400, s18;
	s17 =	sadd.s32 $0x80, s17;
	[tilespmem:v0+s22+$0xFFFFFFC0 ss:$0x1] =	vst.idx.msk $0xffff, v63  }
0x3f: {  	s16 =	sadd.s32 $0x1, s16  }
0x40: {  	p0 =	sne.s32 s16, $0x4  }
.Ltmp5:
0x41: {  	_ = 	snop;
	(pc) =	sbr.rel @p0 .LBB1_3-.Ltmp5, $2  }
0x42: {  	_ =	sdelay $0x2  }
0x43: {  	s13 =	sadd.s32 $0x1000, s13;
	s14 =	sadd.s32 $0x1000, s14  }
.Ltmp6:
0x44: {  	(pc) =	sbr.rel .LBB1_9-.Ltmp6, $4  }
0x45: {  	_ = 	snop  }
0x46: {  	s12 =	sshll.u32 s12, $0x9  }
0x47: {  	s12 =	sadd.s32 s4, s12  }
0x48: {  	[hbm4b:s12+s8] =	stream.linear.scatter [tilespmem:s15], [sflag:$0x2], $0x4000, $0x38;
	[tilespmem:$0x10000] =	vst v63  }
.LBB1_10:
0x49: {  	_ =	sfence.sel $0x180000  }
0x4a: {  	s2 =	simm.s32 $0x1;
	[bflag:$0x0] =	sbarrier.arrive $0xFFFF  }
0x4b: {  	s31 =	simm.s32 $0x2;
	[sflag:s2] =	ssyncpa.u1 $0x1  }
0x4c: {  	[sflag:s31] =	ssyncpa.u1 $0x1  }
0x4d: {  	p0 =	sne.s32 s0, $0x0;
	_ =	strace $0x90000047  }
0x4e: {  	s0 =	sadd.s32 @!p0 $0x100000, s1;
	[bflag:$0x2] =	sbarrier.arrive $0xFFFF  }
0x4f: {  	[sflag:s0] =	ssyncadd.tile.s32 @!p0 $0x1;
	_ =	shalt  }
.Lfunc_end1:
_tile_overlayer_lowered:
.L_overlay_start_2:
0x50: {  	(tag) =	ssettag $0x2  }
0x51: {  	s0 =	rddreg [dreg:$0x0];
	s2 =	stileid.u32  }
0x52: {  	s1 =	rddreg [dreg:$0x1];
	p0 =	sne.s32 s2, $0x0  }
0x53: {  	s3 =	rddreg [dreg:$0x2];
	[bflag:$0x3] =	sbarrier.arrive $0xFFFF;
	s2 =	simm.s32 @!p0 $0x1C01  }
0x54: {  	[timem:s3], [sflag:s2] =	dma.local @!p0 [hbm:s0], s1  }
0x55: {  	s0 =	simm.s32 @!p0 $0x1  }
0x56: {  	_ =	swait.ge @!p0 [sflag:s0], s1  }
0x57: {  	s1 =	ssub.s32 @!p0 $0x0, s1;
	[sflag:s0] =	ssyncset.done @!p0 $0x0  }
0x58: {  	[sflag:s0] =	ssyncadd.s32 @!p0 s1  }
0x59: {  	[bflag:$0x3] =	sbarrier.arrive $0xFFFF  }
0x5a: {  	_ =	shalt  }

// kernel: sparse-core-data-format-call.cloned.1.call-start
scs
called_computation_lowered:
.L_overlay_start_0:
0x0: {  	s2 =	sld [smem:$0x3FD9]  }
0x1: {  	s3 =	sld [smem:$0x3FFE];
	_ =	sdelay $0x1  }
0x2: {  	s1 =	srdreg.scid  }
0x3: {  	s0 =	sand.u32 $0x1, s1  }
0x4: {  	s18 =	sshll.u32 s0, $0xA;
	s2 =	sadd.s32 s3, s2  }
0x5: {  	s2 =	sadd.s32 s2, s18  }
0x6: {  	[smem:$0x3FC7] =	sst s2  }
0x7: {  	_ = 	snop  }
0x8: {  	s2 =	sld [smem:$0x3FD0];
	(tm) =	ssettm $0x1  }
0x9: {  	s19 =	sld [smem:$0x3FFB];
	_ =	sdelay $0x3  }
0xa: {  	_ =	strace s19  }
0xb: {  	s3 =	sld [smem:$0x3FFC];
	_ =	sdelay $0x3  }
0xc: {  	_ =	strace s3  }
0xd: {  	s3 =	sld [smem:$0x3FFD];
	_ =	sdelay $0x3  }
0xe: {  	_ =	strace s3  }
0xf: {  	_ =	strace $0x8FFFFFFF  }
0x10: {  	s20 =	sld [smem:$0x3FDB];
	_ =	sdelay $0x1  }
0x11: {  	s4 =	simm.s32 $_scs_section_size  }
0x12: {  	s5 =	simm.s32 $_size__tile_overlayer_lowered;
	s6 =	simm.s32 $_tile_overlayer_lowered  }
0x13: {  	s23 =	simm.s32 $0x1BFF;
	s22 =	sshll.u32 s6, $0x1;
	s3 =	sadd.s32 s4, s20  }
0x14: {  	s7 =	simm.s32 $0x0;
	s21 =	sshll.u32 s5, $0x1;
	s5 =	sadd.s32 s22, s3  }
0x15: {  	[timem:s7], [sflag:s23] =	dma.local [hbm:s5], s21  }
0x16: {  	_ =	swait.ge [sflag:s23], s21  }
0x17: {  	s4 =	ssub.s32 $0x0, s21;
	[sflag:s23] =	ssyncset.done $0x0  }
0x18: {  	[sflag:s23] =	ssyncadd.s32 s4;
	_ =	sdelay $0x1  }
0x19: {  	s24 =	simm.s32 $0x1B8B  }
0x1a: {  	_ =	swait.ge [sflag:s24], $0x1  }
0x1b: {  	[sflag:s24] =	ssyncset.done $0x0  }
0x1c: {  	s26 =	simm.s32 $0x1B8E;
	s25 =	sld [smem:$0x3FFE];
	[sflag:s24] =	ssyncadd.s32 $0xFFFFFFFF  }
0x1d: {  	s27 =	simm.s32 $execute0_lowered;
	[smem:$0x3FD2] =	sst s26  }
0x1e: {  	s5 =	sshll.u32 s27, $0x1;
	_ =	strace $0x8000004C;
	[dreg:$0x1] =	wrdreg $0xFFFFFFFF  }
0x1f: {  	s28 =	simm.s32 $_size_execute0_lowered;
	s3 =	sadd.s32 s3, s5;
	[dreg:$0x0] =	wrdreg $0x0  }
0x20: {  	s5 =	sshll.u32 s28, $0x1;
	[dreg:$0x2] =	wrdreg s3  }
0x21: {  	[dreg:$0x3] =	wrdreg s5  }
0x22: {  	[dreg:$0x4] =	wrdreg $0xC0  }
0x23: {  	_ =	task [dreg:s7], $0x5FFFF  }
0x24: {  	[dreg:$0x1] =	wrdreg $0xFFFFFFFF  }
0x25: {  	[dreg:$0x0] =	wrdreg $0x60  }
0x26: {  	[dreg:$0x2] =	wrdreg s25  }
0x27: {  	[dreg:$0x3] =	wrdreg s2  }
0x28: {  	[dreg:$0x4] =	wrdreg $0x9  }
0x29: {  	_ =	task.clear_ibuf [dreg:s7], $0x5FFFF;
	_ =	strace $0x9000004C  }
0x2a: {  	s29 =	simm.s32 $0x9;
	_ =	strace $0x8000004E  }
0x2b: {  	_ =	swait.ge [sflag:s29], $0x1  }
0x2c: {  	[sflag:s29] =	ssyncadd.s32 $0xFFFFFFFF  }
0x2d: {  	_ =	strace $0x9000004E  }
0x2e: {  	_ =	sfence  }
0x2f: {  	s30 =	sld [smem:$0x0];
	_ =	sdelay $0x2  }
0x30: {  	s31 =	sshll.u32 s1, $0xD;
	s1 =	sshrl.u32 s1, $0x2  }
0x31: {  	s3 =	sand.u32 $0x4000, s31;
	s1 =	sadd.s32 s1, s30  }
0x32: {  	s0 =	sor.u32 s3, s0;
	s1 =	sshll.u32 s1, $0x11  }
0x33: {  	s0 =	sor.u32 s1, s0  }
0x34: {  	s0 =	sadd.s32 $0x8F2B, s0  }
0x35: {  	[sflag:s0] =	ssyncadd.remote.s32 $0x1  }
0x36: {  	_ =	sfence.sel $0xFFFF  }
0x37: {  	[dreg:$0x0] =	wrdreg $0xFFFFFFFF;
	(pc) =	sbr.abs _section_cstart, $3  }
0x38: {  	[dreg:$0x1] =	wrdreg $0xFFFFFFFF  }
0x39: {  	_ =	task.clear_ibuf [dreg:s7], $0x2FFFF;
	_ =	strace $0x9FFFFFFF  }
0x3a: {  	(tm) =	ssettm $0x7FFFFFFF  }
0x3b: {  	_ =	shalt  }
tec
execute0_lowered:
.L_overlay_start_1:
0x0: {  	(tag) =	ssettag $0x1  }
0x1: {  	s1 =	rddreg [dreg:$0x0]  }
0x2: {  	s2 =	rddreg [dreg:$0x1]  }
0x3: {  	s0 =	rddreg [dreg:$0x2];
	_ =	strace $0x8000004D;
	s4 =	srdreg.scid  }
0x4: {  	s6 =	simm.s32 $0x2;
	s13 =	simm.s32 $0x0;
	p0 =	por $0x0, $0x0  }
0x5: {  	s15 =	simm.s32 $0x0;
	s14 =	simm.s32 $0x0;
	s8 =	simm.s32 $0x0  }
.Ltmp0:
0x6: {  	s9 =	simm.s32 $0x0;
	s10 =	simm.s32 $0x0;
	(pc) =	sbr.rel .LBB1_1-.Ltmp0, $4  }
0x7: {  	s12 =	simm.s32 $0x0;
	s3 =	sadd.s32 $0x1600, s1;
	s5 =	sshll.u32 s4, $0x4  }
0x8: {  	s1 =	stileid.u32;
	s4 =	simm.s32 $0x1;
	s5 =	sand.u32 $0x10, s5  }
0x9: {  	s7 =	simm.s32 $0x0;
	[sflag:s4] =	ssyncpa.u1 $0x0;
	s5 =	sor.u32 s1, s5  }
0xa: {  	[sflag:s6] =	ssyncpa.u1 $0x0;
	s6 =	simm.s32 $0x0;
	s11 =	smov.u32 s5  }
.LBB1_5:
0xb: {  	p1 =	slt.u32 s7, $0x2  }
0xc: {  	p2 =	sgt.s32 @!p1 s15, $0x1BF  }
0xd: {  	s16 =	smov.u32 s15;
	s17 =	sshra.s32 @!p1 s15, $0x1F;
	p2 =	por !p2, p1  }
0xe: {  	s15 =	sand.u32 @!p1 s17, s15;
	s16 =	simm.s32 @p2 $0x1BF  }
0xf: {  	p3 =	sgt.s32 @!p1 s13, $0x140;
	s15 =	ssub.s32 @!p1 s16, s15  }
0x10: {  	p3 =	por !p3, p1;
	s17 =	smov.u32 s13;
	s16 =	sadd.s32 @!p1 $0xFFFFFE41, s15  }
0x11: {  	s15 =	ssub.s32 @!p1 $0x1C0, s15;
	p2 =	sgt.s32 @!p1 s16, $0x0;
	s16 =	sshra.s32 @!p1 s13, $0x1F  }
0x12: {  	s13 =	sand.u32 @!p1 s16, s13;
	s16 =	ssub.s32 @!p1 $0x0, s14;
	p2 =	por !p2, p1  }
0x13: {  	s17 =	simm.s32 @p3 $0x140;
	s14 =	smin.u32 @!p1 s14, s16;
	s15 =	simm.s32 @!p2 $0x0  }
0x14: {  	s13 =	ssub.s32 @!p1 s17, s13;
	s17 =	smov.u32 s11;
	p2 =	sgt.s32 @!p1 s14, $0x7F  }
0x15: {  	s16 =	sadd.s32 @!p1 $0xFFFFFEC0, s13;
	s14 =	ssub.s32 @!p1 $0x80, s14;
	p2 =	por !p2, p1  }
0x16: {  	s13 =	ssub.s32 @!p1 $0x1C0, s13;
	p3 =	sgt.s32 @!p1 s16, $0x7F;
	s14 =	simm.s32 @!p2 $0x0  }
0x17: {  	s16 =	sadd.s32 $0x80, s10;
	p2 =	por !p3, p1;
	s14 =	smul.u32 @!p1 s14, s15  }
0x18: {  	s13 =	simm.s32 @!p2 $0x0;
	p2 =	sgt.s32 s16, $0x1BF;
	s15 =	sadd.s32 $0x20, s11  }
0x19: {  	s18 =	smov.u32 s12;
	s17 =	smov.u32 @p2 s15  }
0x1a: {  	s13 =	smul.u32 @!p1 s13, s14;
	p3 =	sgt.s32 s17, $0x1BF;
	s14 =	sadd.s32 $0x80, s12  }
0x1b: {  	s7 =	sadd.s32 $0x1, s7;
	p0 =	por !p0, !p0;
	s18 =	smov.u32 @p3 s14  }
0x1c: {  	s19 =	simm.s32 @!p1 $0x2;
	s16 =	simm.s32 @p2 $0x0;
	p2 =	sgt.s32 s18, $0x7F  }
0x1d: {  	s15 =	smov.u32 s8;
	s18 =	simm.s32 @p2 $0x0;
	p2 =	sne.s32 s7, $0x3A  }
.Ltmp1:
0x1e: {  	s8 =	smov.u32 s11;
	s17 =	smov.u32 @p3 s5;
	(pc) =	sbr.rel @!p2 .LBB1_6-.Ltmp1, $4  }
0x1f: {  	s14 =	smov.u32 s9;
	s9 =	smov.u32 s12;
	s13 =	sand.u32 @!p1 $0x3FFFFFFF, s13  }
0x20: {  	s11 =	smov.u32 s17;
	_ =	swait.ge @!p1 [sflag:s19], s13;
	s20 =	ssub.s32 @!p1 $0x0, s13  }
0x21: {  	s13 =	smov.u32 s6;
	s6 =	smov.u32 s10;
	[sflag:s19] =	ssyncset.done @!p1 $0x0  }
0x22: {  	s10 =	smov.u32 s16;
	s12 =	smov.u32 s18;
	[sflag:s19] =	ssyncadd.s32 @!p1 s20  }
.LBB1_1:
0x23: {  	p1 =	sgt.u32 s7, $0x37  }
0x24: {  	s16 =	sshll.u32 @!p1 s11, $0x9;
	s17 =	sshll.u32 @!p1 s10, $0x3  }
0x25: {  	s18 =	sshll.u32 @!p1 s11, $0x7;
	s16 =	sand.u32 @!p1 $0xFFFFF000, s16;
	s17 =	sand.u32 @!p1 $0xFFFFFC00, s17  }
0x26: {  	s16 =	sadd.s32 @!p1 s16, s17;
	s17 =	sand.u32 @!p1 $0x200, s18  }
0x27: {  	s16 =	sor.u32 @!p1 s17, s16  }
0x28: {  	s16 =	sshrl.u32 @!p1 s16, $0x9  }
0x29: {  	s17 =	smulhi.u32 @!p1 $0x924925, s16  }
0x2a: {  	s19 =	sxor.u32 @!p1 $0xFFFFFFFF, s7;
	s20 =	sand.u32 @!p1 $0x78, s10;
	s21 =	smul.u32 @!p1 $0x7000, s12  }
0x2b: {  	s19 =	sshll.u32 @!p1 s19, $0xE;
	s18 =	sand.u32 @!p1 $0x180, s18;
	s17 =	smul.u32 @!p1 $0x1C0, s17  }
0x2c: {  	s19 =	sand.u32 @!p1 $0x4000, s19;
	s18 =	sor.u32 @!p1 s20, s18;
	s20 =	sand.u32 @!p1 $0x7, s10  }
0x2d: {  	s16 =	ssub.s32 @!p1 s16, s17;
	s17 =	sshrl.u32 @!p1 s18, $0x3;
	s18 =	sadd.s32 @!p1 s3, s21  }
0x2e: {  	s16 =	sshll.u32 @!p1 s16, $0x6;
	s17 =	sadd.s32 @!p1 s17, s18;
	s18 =	sshll.u32 @!p1 s20, $0x12  }
0x2f: {  	s16 =	sadd.s32 @!p1 s16, s17;
	s17 =	sor.u32 @!p1 $0x80, s18;
	s18 =	simm.s32 @!p1 $0x38000  }
0x30: {  	[tilespmem:s19], [sflag:$0x1] =	stream.strided.gather @!p1 [hbm4b:s16+s17], $0x4000, s18, s17, $0x38;
	[tilespmem:$0x10100] =	vst v63  }
0x31: {  	p1 =	seq.s32 s7, $0x0  }
0x32: {  	p2 =	seq.s32 @!p1 s7, $0x39  }
0x33: {  	p1 =	por p1, p2  }
.Ltmp2:
0x34: {  	_ = 	snop;
	(pc) =	sbr.rel @p1 .LBB1_5-.Ltmp2, $1  }
0x35: {  	_ =	sdelay $0x3  }
0x36: {  	s16 =	simm.s32 $0x1  }
0x37: {  	_ =	swait.ge [sflag:s4], $0x4000;
	s16 =	simm.s32 @!p0 $0x0  }
0x38: {  	[sflag:s4] =	ssyncset.done $0x0;
	s17 =	sshll.u32 s16, $0xE  }
0x39: {  	[sflag:s4] =	ssyncadd.s32 $0xFFFFC000;
	s17 =	sor.u32 $0x40, s17  }
0x3a: {  	s16 =	smul.u32 $0x10200, s16;
	v0 =	vld [tilespmem:s17+$0x30]  }
0x3b: {  	v1 =	vld [tilespmem:s17+$0xFFFFFFD0]  }
0x3c: {  	s16 =	sshrl.u32 s16, $0x2;
	v5 =	vld [tilespmem:s17+$0xFFFFFFE0]  }
0x3d: {  	v6 =	vld [tilespmem:s17+$0xFFFFFFF0];
	s19 =	sor.u32 $0x8000, s16  }
0x3e: {  	s31 =	sand.u32 $0x1, s7;
	v4 =	vld [tilespmem:s17+$0x0];
	s18 =	sadd.s32 $0x0, s19  }
0x3f: {  	v3 =	vld [tilespmem:s17+$0x10];
	s16 =	smul.u32 $0x10200, s31;
	[tilespmem:s18+$0x3870 ss:$0x81] =	vst.msk $0xffff, v0  }
0x40: {  	v2 =	vld [tilespmem:s17+$0x20];
	[tilespmem:s18+$0x810 ss:$0x81] =	vst.msk $0xffff, v1  }
0x41: {  	s16 =	sshrl.u32 s16, $0x2;
	v0 =	vld [tilespmem:s17+$0xFFFFFFC0];
	[tilespmem:s18+$0x1020 ss:$0x81] =	vst.msk $0xffff, v5;
	s17 =	sadd.s32 $0x80, s17  }
0x42: {  	s20 =	simm.s32 $0x4;
	s21 =	simm.s32 $0x8;
	s16 =	sor.u32 $0x8000, s16;
	[tilespmem:s18+$0x1830 ss:$0x81] =	vst.msk $0xffff, v6;
	v1 =	vld [tilespmem:s17+$0x30]  }
.LBB1_3:
0x43: {  	p1 =	sne.s32 s21, $0x1FC;
	v5 =	vld [tilespmem:s17+$0xFFFFFFD0];
	[tilespmem:s18+$0x2040 ss:$0x81] =	vst.msk $0xffff, v4  }
0x44: {  	v6 =	vld [tilespmem:s17+$0xFFFFFFE0];
	[tilespmem:s18+$0x2850 ss:$0x81] =	vst.msk $0xffff, v3  }
0x45: {  	s22 =	sshra.s32 s20, $0x2;
	s20 =	smov.u32 s21;
	v7 =	vld [tilespmem:s17+$0xFFFFFFF0];
	[tilespmem:s18+$0x3060 ss:$0x81] =	vst.msk $0xffff, v2  }
.Ltmp3:
0x46: {  	v4 =	vld [tilespmem:s17+$0x0];
	[tilespmem:s18+$0x0 ss:$0x81] =	vst.msk $0xffff, v0;
	s18 =	sadd.s32 s22, s19;
	(pc) =	sbr.rel @p1 .LBB1_3-.Ltmp3, $4  }
0x47: {  	v3 =	vld [tilespmem:s17+$0x10];
	[tilespmem:s18+$0x3870 ss:$0x81] =	vst.msk $0xffff, v1  }
0x48: {  	[tilespmem:s18+$0x810 ss:$0x81] =	vst.msk $0xffff, v5;
	v2 =	vld [tilespmem:s17+$0x20]  }
0x49: {  	v0 =	vld [tilespmem:s17+$0xFFFFFFC0];
	[tilespmem:s18+$0x1020 ss:$0x81] =	vst.msk $0xffff, v6;
	s17 =	sadd.s32 $0x80, s17  }
0x4a: {  	s21 =	sadd.s32 $0x4, s21;
	v1 =	vld [tilespmem:s17+$0x30];
	[tilespmem:s18+$0x1830 ss:$0x81] =	vst.msk $0xffff, v7  }
0x4b: {  	s21 =	sshll.u32 s6, $0x7  }
0x4c: {  	s22 =	sshll.u32 s9, $0x3;
	p1 =	sgt.s32 s8, $0x1BF;
	s27 =	sshra.s32 s8, $0x1F  }
0x4d: {  	s20 =	sshra.s32 s20, $0x2;
	s23 =	sand.u32 $0xFFFFFC00, s21;
	s22 =	sand.u32 $0xFFFFFC00, s22  }
0x4e: {  	s30 =	ssub.s32 $0x0, s9;
	s21 =	sand.u32 $0x380, s21;
	s22 =	sadd.s32 s22, s23  }
0x4f: {  	[tilespmem:s18+$0x2040 ss:$0x81] =	vst.msk $0xffff, v4;
	s31 =	sshra.s32 s6, $0x1F;
	s21 =	sor.u32 s21, s22;
	s22 =	smov.u32 s8  }
0x50: {  	s19 =	sadd.s32 s20, s19;
	[tilespmem:s18+$0x2850 ss:$0x81] =	vst.msk $0xffff, v3;
	s23 =	sand.u32 s27, s8;
	s22 =	simm.s32 @!p1 $0x1BF  }
0x51: {  	v5 =	vld [tilespmem:s17+$0xFFFFFFD0];
	[tilespmem:s18+$0x3060 ss:$0x81] =	vst.msk $0xffff, v2;
	s27 =	smul.u32 $0x1C00, s8;
	s21 =	sshrl.u32 s21, $0x7;
	s22 =	ssub.s32 s22, s23  }
0x52: {  	v58 =	vld [tilespmem:s17+$0xFFFFFFE0];
	[tilespmem:s18+$0x0 ss:$0x81] =	vst.msk $0xffff, v0;
	s18 =	sand.u32 s31, s6;
	s24 =	smulhi.u32 $0x2492493, s21;
	s28 =	sadd.s32 $0xFFFFFE41, s22  }
0x53: {  	v59 =	vld [tilespmem:s17+$0xFFFFFFF0];
	s20 =	ssub.s32 $0x1C0, s22;
	s22 =	smov.u32 s6;
	p1 =	sgt.s32 s28, $0x0  }
0x54: {  	v60 =	vld [tilespmem:s17+$0x0];
	s29 =	sshrl.u32 s24, $0x2;
	s20 =	simm.s32 @p1 $0x0;
	p1 =	sgt.s32 s6, $0x140  }
0x55: {  	v61 =	vld [tilespmem:s17+$0x10];
	[tilespmem:s19+$0x3870 ss:$0x81] =	vst.msk $0xffff, v1;
	s24 =	smin.u32 s9, s30;
	s28 =	sshrl.u32 s9, $0x3;
	s22 =	simm.s32 @!p1 $0x140  }
0x56: {  	v62 =	vld [tilespmem:s17+$0x20];
	[tilespmem:s19+$0x810 ss:$0x81] =	vst.msk $0xffff, v5;
	p1 =	sgt.s32 s24, $0x7F;
	s24 =	ssub.s32 $0x80, s24;
	s18 =	ssub.s32 s22, s18  }
0x57: {  	v63 =	vld [tilespmem:s17+$0xFFFFFFC0];
	[tilespmem:s19+$0x1020 ss:$0x81] =	vst.msk $0xffff, v58;
	s23 =	smul.u32 $0x1C0, s29;
	s24 =	simm.s32 @p1 $0x0;
	s26 =	sadd.s32 $0xFFFFFEC0, s18  }
0x58: {  	[tilespmem:s19+$0x1830 ss:$0x81] =	vst.msk $0xffff, v59;
	s25 =	smul.u32 s24, s20;
	s18 =	ssub.s32 $0x1C0, s18;
	p1 =	sgt.s32 s26, $0x7F  }
.Ltmp4:
0x59: {  	[tilespmem:s19+$0x2040 ss:$0x81] =	vst.msk $0xffff, v60;
	s29 =	sand.u32 $0xF, s28;
	s18 =	simm.s32 @p1 $0x0;
	(pc) =	sbr.rel .LBB1_5-.Ltmp4, $4  }
0x5a: {  	[tilespmem:s19+$0x2850 ss:$0x81] =	vst.msk $0xffff, v61;
	s21 =	ssub.s32 s21, s23;
	s20 =	sadd.s32 s2, s27;
	s17 =	smul.u32 s18, s25  }
0x5b: {  	[tilespmem:s19+$0x3060 ss:$0x81] =	vst.msk $0xffff, v62;
	s30 =	sshll.u32 s21, $0x4;
	s18 =	sadd.s32 s29, s20  }
0x5c: {  	s31 =	sand.u32 $0x7, s9;
	[tilespmem:s19+$0x0 ss:$0x81] =	vst.msk $0xffff, v63;
	s18 =	sadd.s32 s30, s18;
	s17 =	sand.u32 $0x3FFFFFFF, s17  }
0x5d: {  	[hbm4b:s18+s31] =	stream.linear.scatter [tilespmem:s16], [sflag:$0x2], s17, $0x20;
	[tilespmem:$0x10100] =	vst v63  }
.LBB1_6:
0x5e: {  	_ =	sfence.sel $0x180000  }
0x5f: {  	s2 =	simm.s32 $0x1;
	[bflag:$0x0] =	sbarrier.arrive $0xFFFF  }
0x60: {  	s31 =	simm.s32 $0x2;
	[sflag:s2] =	ssyncpa.u1 $0x1  }
0x61: {  	[sflag:s31] =	ssyncpa.u1 $0x1  }
0x62: {  	p0 =	sne.s32 s1, $0x0;
	_ =	strace $0x9000004D  }
0x63: {  	s0 =	sadd.s32 @!p0 $0x100000, s0;
	[bflag:$0x2] =	sbarrier.arrive $0xFFFF  }
0x64: {  	[sflag:s0] =	ssyncadd.tile.s32 @!p0 $0x1;
	_ =	shalt  }
.Lfunc_end1:
_tile_overlayer_lowered:
.L_overlay_start_2:
0x65: {  	(tag) =	ssettag $0x2  }
0x66: {  	s0 =	rddreg [dreg:$0x0];
	s2 =	stileid.u32  }
0x67: {  	s1 =	rddreg [dreg:$0x1];
	p0 =	sne.s32 s2, $0x0  }
0x68: {  	s3 =	rddreg [dreg:$0x2];
	[bflag:$0x3] =	sbarrier.arrive $0xFFFF;
	s2 =	simm.s32 @!p0 $0x1C01  }
0x69: {  	[timem:s3], [sflag:s2] =	dma.local @!p0 [hbm:s0], s1  }
0x6a: {  	s0 =	simm.s32 @!p0 $0x1  }
0x6b: {  	_ =	swait.ge @!p0 [sflag:s0], s1  }
0x6c: {  	s1 =	ssub.s32 @!p0 $0x0, s1;
	[sflag:s0] =	ssyncset.done @!p0 $0x0  }
0x6d: {  	[sflag:s0] =	ssyncadd.s32 @!p0 s1  }
0x6e: {  	[bflag:$0x3] =	sbarrier.arrive $0xFFFF  }
0x6f: {  	_ =	shalt  }

</sc_bundles>
